<compile_context>
chip_gen: v7x
topology: tpu7x:2x2x1
jax: 0.10.2.dev20260603
libtpu: 0.0.44.dev20260713+nightly
codegen_flags: <defaults>
</compile_context>

<pallas_src>
import jax
import jax.numpy as jnp
from jax import lax
from jax.experimental import pallas as pl
from jax.experimental.pallas import tpu as pltpu
from jax.experimental.pallas import tpu_sc as plsc

N_CLASSES_ = 1000
N_REGIMES_ = 16
N_EXCIPIENTS_ = 100
B_ = 16384
T_ = 200

_NC = 2
_NS = 16
_NW = _NC * _NS
_L = 16
_BPW = B_ // _NW
_NROW = N_CLASSES_ * N_REGIMES_


def _sc_gather_body(p_hbm, r_hbm, e_hbm, ss_hbm, dl_hbm, wb_hbm, wa_hbm,
                    wl_hbm, th_hbm,
                    a_out, it_out, wb_out, wa_out, wl_out,
                    pv, rv, ev, fv,
                    g_ss, g_dl, g_wb, g_wa, g_wl, g_th,
                    o_a, o_it, sem):
    c = lax.axis_index("c")
    s = lax.axis_index("s")
    wid = s * _NC + c
    rows = pl.ds(wid * _BPW, _BPW)
    pltpu.sync_copy(p_hbm.at[rows], pv)
    pltpu.sync_copy(r_hbm.at[rows], rv)
    pltpu.sync_copy(e_hbm.at[rows], ev)

    for k in range(_BPW // _L):
        sl = pl.ds(k * _L, _L)
        fv[sl] = (pv[sl] * N_REGIMES_ + rv[sl]) * N_EXCIPIENTS_ + ev[sl]

    handles = [
        pltpu.async_copy(ss_hbm.at[fv], g_ss, sem),
        pltpu.async_copy(dl_hbm.at[fv], g_dl, sem),
        pltpu.async_copy(wb_hbm.at[fv], g_wb, sem),
        pltpu.async_copy(wa_hbm.at[fv], g_wa, sem),
        pltpu.async_copy(wl_hbm.at[fv], g_wl, sem),
        pltpu.async_copy(th_hbm.at[ev], g_th, sem),
    ]
    for h in handles:
        h.wait()

    for k in range(_BPW // _L):
        sl = pl.ds(k * _L, _L)
        d = jnp.minimum(jnp.maximum(g_dl[sl], -5.0), 5.0)
        o_a[sl] = g_ss[sl] + d
        t = jnp.maximum(jnp.abs(g_th[sl]), 0.1)
        o_it[sl] = 1.0 / t

    pltpu.sync_copy(o_a, a_out.at[rows])
    pltpu.sync_copy(o_it, it_out.at[rows])
    pltpu.sync_copy(g_wb, wb_out.at[rows])
    pltpu.sync_copy(g_wa, wa_out.at[rows])
    pltpu.sync_copy(g_wl, wl_out.at[rows])


def _sc_gather(p1, r1, e1, ss_f, dl_f, wb_f, wa_f, wl_f, th):
    out_sd = jax.ShapeDtypeStruct((B_,), jnp.float32)
    mesh = plsc.VectorSubcoreMesh(core_axis_name="c", subcore_axis_name="s")
    vm_i = pltpu.VMEM((_BPW,), jnp.int32)
    vm_f = pltpu.VMEM((_BPW,), jnp.float32)
    fn = pl.kernel(
        _sc_gather_body,
        mesh=mesh,
        out_type=(out_sd,) * 5,
        scratch_types=[vm_i, vm_i, vm_i, vm_i,
                       vm_f, vm_f, vm_f, vm_f, vm_f, vm_f,
                       vm_f, vm_f,
                       pltpu.SemaphoreType.DMA],
    )
    return fn(p1, r1, e1, ss_f, dl_f, wb_f, wa_f, wl_f, th)


_BR = 2048


def _tc_body(sharp_ref, raw_ref, a_ref, it_ref, wb_ref, wa_ref, wl_ref,
             res_ref, gate_ref, conc_ref):
    s = jnp.clip(sharp_ref[0, 0], 1.0, 20.0)
    x = raw_ref[...]
    sp = jnp.maximum(x, 0.0) + jnp.log1p(jnp.exp(-jnp.abs(x)))
    cr = sp * it_ref[...]
    gate = 1.0 / (1.0 + jnp.exp(-(s * (cr - 1.0))))
    effect_below = jnp.tanh(cr) * wb_ref[...]
    effect_above = jnp.log1p(cr) * wa_ref[...]
    conc = (1.0 - gate) * effect_below + gate * effect_above + cr * wl_ref[...]
    res_ref[...] = a_ref[...] * conc
    gate_ref[...] = gate
    conc_ref[...] = conc


def _tc_combine(raw, a_col, it_col, wb_col, wa_col, wl_col, sharp11):
    grid = (B_ // _BR,)
    col_spec = pl.BlockSpec((_BR, 1), lambda i: (i, 0))
    out_sd = jax.ShapeDtypeStruct((B_, T_), jnp.float32)
    return pl.pallas_call(
        _tc_body,
        grid=grid,
        in_specs=[
            pl.BlockSpec((1, 1), lambda i: (0, 0)),
            pl.BlockSpec((_BR, T_), lambda i: (i, 0)),
            col_spec, col_spec, col_spec, col_spec, col_spec,
        ],
        out_specs=[pl.BlockSpec((_BR, T_), lambda i: (i, 0))] * 3,
        out_shape=[out_sd] * 3,
    )(sharp11, raw, a_col, it_col, wb_col, wa_col, wl_col)


def kernel(p_idx, r_idx, e_idx, raw_concentration, static_scores, delta,
           thresholds, w_below, w_above, w_linear, sharpness):
    p1 = p_idx.astype(jnp.int32)
    r1 = r_idx.astype(jnp.int32)
    e1 = e_idx.astype(jnp.int32)
    n_tab = _NROW * N_EXCIPIENTS_
    ss_f = static_scores.reshape(n_tab)
    dl_f = delta.reshape(n_tab)
    wb_f = w_below.reshape(n_tab)
    wa_f = w_above.reshape(n_tab)
    wl_f = w_linear.reshape(n_tab)

    a1, it1, wb1, wa1, wl1 = _sc_gather(p1, r1, e1, ss_f, dl_f, wb_f, wa_f,
                                        wl_f, thresholds)

    a_col = a1.reshape(B_, 1)
    it_col = it1.reshape(B_, 1)
    wb_col = wb1.reshape(B_, 1)
    wa_col = wa1.reshape(B_, 1)
    wl_col = wl1.reshape(B_, 1)
    sharp11 = sharpness.astype(jnp.float32).reshape(1, 1)

    result, gate, conc_term = _tc_combine(raw_concentration, a_col, it_col,
                                          wb_col, wa_col, wl_col, sharp11)
    return (result, gate, conc_term)

# --- scband reference (transcript-rebuilt; emitter-appended) ---
"""Pipeline reference for scband-learnable-soft-threshold-prior-26731876450740 (READ-ONLY COPY).

The authoritative reference and input builder live on the scoring server;
editing this copy changes nothing except your own understanding.
"""

import jax, jax.numpy as jnp
import numpy as np

N_CLASSES = 1000
N_REGIMES = 16
N_EXCIPIENTS = 100
B = 16384
T = 200


def setup_inputs(seed: int = 0) -> dict:
    key = jax.random.key(seed)
    ks = jax.random.split(key, 11)
    p_idx = jax.random.randint(ks[0], (B,), 0, N_CLASSES)
    r_idx = jax.random.randint(ks[1], (B,), 0, N_REGIMES)
    e_idx = jax.random.randint(ks[2], (B,), 0, N_EXCIPIENTS)
    raw_concentration = jax.random.normal(ks[3], (B, T), dtype=jnp.float32)
    tbl = (N_CLASSES, N_REGIMES, N_EXCIPIENTS)
    static_scores = 0.5 * jax.random.normal(ks[4], tbl, dtype=jnp.float32)
    delta = 0.1 * jax.random.normal(ks[5], tbl, dtype=jnp.float32)
    thresholds = jnp.ones((N_EXCIPIENTS,), dtype=jnp.float32) + 0.1 * jax.random.normal(ks[6], (N_EXCIPIENTS,), dtype=jnp.float32)
    w_below = 0.1 * jnp.ones(tbl, dtype=jnp.float32) + 0.01 * jax.random.normal(ks[7], tbl, dtype=jnp.float32)
    w_above = 0.5 * jnp.ones(tbl, dtype=jnp.float32) + 0.01 * jax.random.normal(ks[8], tbl, dtype=jnp.float32)
    w_linear = 0.01 * jax.random.normal(ks[9], tbl, dtype=jnp.float32)
    sharpness = jnp.array(10.0, dtype=jnp.float32)
    return {
        'p_idx': p_idx, 'r_idx': r_idx, 'e_idx': e_idx,
        'raw_concentration': raw_concentration,
        'static_scores': static_scores, 'delta': delta, 'thresholds': thresholds,
        'w_below': w_below, 'w_above': w_above, 'w_linear': w_linear,
        'sharpness': sharpness,
    }


def reference(p_idx, r_idx, e_idx, raw_concentration, static_scores, delta, thresholds, w_below, w_above, w_linear, sharpness):
    base_score = static_scores[p_idx, r_idx, e_idx][:, None]
    d = jnp.clip(delta[p_idx, r_idx, e_idx], -5.0, 5.0)[:, None]
    thresh = jnp.maximum(jnp.abs(thresholds[e_idx]), 0.1)[:, None]
    w_b = w_below[p_idx, r_idx, e_idx][:, None]
    w_a = w_above[p_idx, r_idx, e_idx][:, None]
    safe_concentration = jax.nn.softplus(raw_concentration)
    conc_ratio = safe_concentration / thresh
    s = jnp.clip(sharpness, 1.0, 20.0)
    gate = jax.nn.sigmoid(s * (conc_ratio - 1.0))
    effect_below = jnp.tanh(conc_ratio) * w_b
    effect_above = jnp.log1p(conc_ratio) * w_a
    w_lin = w_linear[p_idx, r_idx, e_idx][:, None]
    effect_linear = conc_ratio * w_lin
    conc_term = (1.0 - gate) * effect_below + gate * effect_above + effect_linear
    result = (base_score + d) * conc_term
    return (result, gate, conc_term)

if __name__ == "__main__":
    import jax
    _d = setup_inputs()
    print(jax.jit(kernel)(*tuple(_d.values())))

</pallas_src>

<mosaic_0001>
#map = affine_map<(d0, d1) -> (0)>
module attributes {stable_mosaic.version = 14 : i64} {
  func.func @_sc_gather_body(%arg0: i32, %arg1: i32, %arg2: memref<16384xi32, #tpu.memory_space<hbm>>, %arg3: memref<16384xi32, #tpu.memory_space<hbm>>, %arg4: memref<16384xi32, #tpu.memory_space<hbm>>, %arg5: memref<1600000xf32, #tpu.memory_space<hbm>>, %arg6: memref<1600000xf32, #tpu.memory_space<hbm>>, %arg7: memref<1600000xf32, #tpu.memory_space<hbm>>, %arg8: memref<1600000xf32, #tpu.memory_space<hbm>>, %arg9: memref<1600000xf32, #tpu.memory_space<hbm>>, %arg10: memref<100xf32, #tpu.memory_space<hbm>>, %arg11: memref<16384xf32, #tpu.memory_space<hbm>>, %arg12: memref<16384xf32, #tpu.memory_space<hbm>>, %arg13: memref<16384xf32, #tpu.memory_space<hbm>>, %arg14: memref<16384xf32, #tpu.memory_space<hbm>>, %arg15: memref<16384xf32, #tpu.memory_space<hbm>>, %arg16: memref<512xi32, #tpu.memory_space<vmem>>, %arg17: memref<512xi32, #tpu.memory_space<vmem>>, %arg18: memref<512xi32, #tpu.memory_space<vmem>>, %arg19: memref<512xi32, #tpu.memory_space<vmem>>, %arg20: memref<512xf32, #tpu.memory_space<vmem>>, %arg21: memref<512xf32, #tpu.memory_space<vmem>>, %arg22: memref<512xf32, #tpu.memory_space<vmem>>, %arg23: memref<512xf32, #tpu.memory_space<vmem>>, %arg24: memref<512xf32, #tpu.memory_space<vmem>>, %arg25: memref<512xf32, #tpu.memory_space<vmem>>, %arg26: memref<512xf32, #tpu.memory_space<vmem>>, %arg27: memref<512xf32, #tpu.memory_space<vmem>>, %arg28: memref<!tpu.dma_semaphore, #tpu.memory_space<semaphore_mem>>) attributes {dimension_semantics = [#tpu.dimension_semantics<core_parallel>, #tpu.dimension_semantics<subcore_parallel>], iteration_bounds = array<i64: 2, 16>, scalar_prefetch = 0 : i64, scratch_operands = 13 : i64, tpu.core_type = #tpu.core_type<sc_vector_subcore>, window_params = [{transform_indices = #map}, {transform_indices = #map}, {transform_indices = #map}, {transform_indices = #map}, {transform_indices = #map}, {transform_indices = #map}, {transform_indices = #map}, {transform_indices = #map}, {transform_indices = #map}, {transform_indices = #map}, {transform_indices = #map}, {transform_indices = #map}, {transform_indices = #map}, {transform_indices = #map}]} {
    %mul3A = arith.constant 2 : i32
    %mul3A_0 = arith.muli %arg1, %mul3A : i32
    %add3A = arith.addi %mul3A_0, %arg0 : i32
    %mul3A_1 = arith.constant 512 : i32
    %mul3A_2 = arith.muli %add3A, %mul3A_1 : i32
    "tpu.region"() ({
      %run_scoped3A = tpu.sem_alloc : memref<!tpu.dma_semaphore, #tpu.memory_space<semaphore_mem>>
      %dma_start3A_1683 = tpu.memref_slice %arg2[%mul3A_2] : memref<16384xi32, #tpu.memory_space<hbm>> -> memref<512xi32, #tpu.memory_space<hbm>>
      %dma_start3A_1684 = tpu.memref_slice %arg2[%mul3A_2] : memref<16384xi32, #tpu.memory_space<hbm>> -> memref<512xi32, #tpu.memory_space<hbm>>
      tpu.enqueue_dma source(%dma_start3A_1684 : memref<512xi32, #tpu.memory_space<hbm>>) target(%arg16 : memref<512xi32, #tpu.memory_space<vmem>>) target_semaphore(%run_scoped3A : memref<!tpu.dma_semaphore, #tpu.memory_space<semaphore_mem>>)
      %dma_wait3A_1685 = tpu.memref_slice %arg2[%mul3A_2] : memref<16384xi32, #tpu.memory_space<hbm>> -> memref<512xi32, #tpu.memory_space<hbm>>
      %dma_wait3A_1686 = tpu.memref_slice %arg2[%mul3A_2] : memref<16384xi32, #tpu.memory_space<hbm>> -> memref<512xi32, #tpu.memory_space<hbm>>
      tpu.wait_dma2 semaphore(%run_scoped3A : memref<!tpu.dma_semaphore, #tpu.memory_space<semaphore_mem>>) src(%dma_wait3A_1686 : memref<512xi32, #tpu.memory_space<hbm>>) dst(%arg16 : memref<512xi32, #tpu.memory_space<vmem>>)
      tpu.yield
    }) : () -> ()
    "tpu.region"() ({
      %run_scoped3A = tpu.sem_alloc : memref<!tpu.dma_semaphore, #tpu.memory_space<semaphore_mem>>
      %dma_start3A_1683 = tpu.memref_slice %arg3[%mul3A_2] : memref<16384xi32, #tpu.memory_space<hbm>> -> memref<512xi32, #tpu.memory_space<hbm>>
      %dma_start3A_1684 = tpu.memref_slice %arg3[%mul3A_2] : memref<16384xi32, #tpu.memory_space<hbm>> -> memref<512xi32, #tpu.memory_space<hbm>>
      tpu.enqueue_dma source(%dma_start3A_1684 : memref<512xi32, #tpu.memory_space<hbm>>) target(%arg17 : memref<512xi32, #tpu.memory_space<vmem>>) target_semaphore(%run_scoped3A : memref<!tpu.dma_semaphore, #tpu.memory_space<semaphore_mem>>)
      %dma_wait3A_1685 = tpu.memref_slice %arg3[%mul3A_2] : memref<16384xi32, #tpu.memory_space<hbm>> -> memref<512xi32, #tpu.memory_space<hbm>>
      %dma_wait3A_1686 = tpu.memref_slice %arg3[%mul3A_2] : memref<16384xi32, #tpu.memory_space<hbm>> -> memref<512xi32, #tpu.memory_space<hbm>>
      tpu.wait_dma2 semaphore(%run_scoped3A : memref<!tpu.dma_semaphore, #tpu.memory_space<semaphore_mem>>) src(%dma_wait3A_1686 : memref<512xi32, #tpu.memory_space<hbm>>) dst(%arg17 : memref<512xi32, #tpu.memory_space<vmem>>)
      tpu.yield
    }) : () -> ()
    "tpu.region"() ({
      %run_scoped3A = tpu.sem_alloc : memref<!tpu.dma_semaphore, #tpu.memory_space<semaphore_mem>>
      %dma_start3A_1683 = tpu.memref_slice %arg4[%mul3A_2] : memref<16384xi32, #tpu.memory_space<hbm>> -> memref<512xi32, #tpu.memory_space<hbm>>
      %dma_start3A_1684 = tpu.memref_slice %arg4[%mul3A_2] : memref<16384xi32, #tpu.memory_space<hbm>> -> memref<512xi32, #tpu.memory_space<hbm>>
      tpu.enqueue_dma source(%dma_start3A_1684 : memref<512xi32, #tpu.memory_space<hbm>>) target(%arg18 : memref<512xi32, #tpu.memory_space<vmem>>) target_semaphore(%run_scoped3A : memref<!tpu.dma_semaphore, #tpu.memory_space<semaphore_mem>>)
      %dma_wait3A_1685 = tpu.memref_slice %arg4[%mul3A_2] : memref<16384xi32, #tpu.memory_space<hbm>> -> memref<512xi32, #tpu.memory_space<hbm>>
      %dma_wait3A_1686 = tpu.memref_slice %arg4[%mul3A_2] : memref<16384xi32, #tpu.memory_space<hbm>> -> memref<512xi32, #tpu.memory_space<hbm>>
      tpu.wait_dma2 semaphore(%run_scoped3A : memref<!tpu.dma_semaphore, #tpu.memory_space<semaphore_mem>>) src(%dma_wait3A_1686 : memref<512xi32, #tpu.memory_space<hbm>>) dst(%arg18 : memref<512xi32, #tpu.memory_space<vmem>>)
      tpu.yield
    }) : () -> ()
    %get3A = arith.constant 0 : index
    %get3A_3 = tpu.vector_load %arg16[%get3A] {strides = array<i32>} : memref<512xi32, #tpu.memory_space<vmem>>, vector<16xi32>,
    %get3A_4 = vector.shape_cast %get3A_3 : vector<16xi32> to vector<16xi32>
    %mul3A_5 = arith.constant 16 : i32
    %mul3A_6 = vector.broadcast %mul3A_5 : i32 to vector<16xi32>
    %mul3A_7 = arith.muli %get3A_4, %mul3A_6 : vector<16xi32>
    %get3A_8 = arith.constant 0 : index
    %get3A_9 = tpu.vector_load %arg17[%get3A_8] {strides = array<i32>} : memref<512xi32, #tpu.memory_space<vmem>>, vector<16xi32>,
    %get3A_10 = vector.shape_cast %get3A_9 : vector<16xi32> to vector<16xi32>
    %add3A_11 = arith.addi %mul3A_7, %get3A_10 : vector<16xi32>
    %mul3A_12 = arith.constant 100 : i32
    %mul3A_13 = vector.broadcast %mul3A_12 : i32 to vector<16xi32>
    %mul3A_14 = arith.muli %add3A_11, %mul3A_13 : vector<16xi32>
    %get3A_15 = arith.constant 0 : index
    %get3A_16 = tpu.vector_load %arg18[%get3A_15] {strides = array<i32>} : memref<512xi32, #tpu.memory_space<vmem>>, vector<16xi32>,
    %get3A_17 = vector.shape_cast %get3A_16 : vector<16xi32> to vector<16xi32>
    %add3A_18 = arith.addi %mul3A_14, %get3A_17 : vector<16xi32>
    %swap3A = arith.constant 0 : index
    %swap3A_19 = tpu.vector_load %arg19[%swap3A] {strides = array<i32>} : memref<512xi32, #tpu.memory_space<vmem>>, vector<16xi32>,
    %swap3A_20 = vector.shape_cast %swap3A_19 : vector<16xi32> to vector<16xi32>
    %swap3A_21 = vector.shape_cast %add3A_18 : vector<16xi32> to vector<16xi32>
    tpu.vector_store %arg19[%swap3A], %swap3A_21 {strides = array<i32>} : memref<512xi32, #tpu.memory_space<vmem>>, vector<16xi32>,
    %get3A_22 = arith.constant 16 : index
    %get3A_23 = tpu.vector_load %arg16[%get3A_22] {strides = array<i32>} : memref<512xi32, #tpu.memory_space<vmem>>, vector<16xi32>,
    %get3A_24 = vector.shape_cast %get3A_23 : vector<16xi32> to vector<16xi32>
    %mul3A_25 = arith.constant 16 : i32
    %mul3A_26 = vector.broadcast %mul3A_25 : i32 to vector<16xi32>
    %mul3A_27 = arith.muli %get3A_24, %mul3A_26 : vector<16xi32>
    %get3A_28 = arith.constant 16 : index
    %get3A_29 = tpu.vector_load %arg17[%get3A_28] {strides = array<i32>} : memref<512xi32, #tpu.memory_space<vmem>>, vector<16xi32>,
    %get3A_30 = vector.shape_cast %get3A_29 : vector<16xi32> to vector<16xi32>
    %add3A_31 = arith.addi %mul3A_27, %get3A_30 : vector<16xi32>
    %mul3A_32 = arith.constant 100 : i32
    %mul3A_33 = vector.broadcast %mul3A_32 : i32 to vector<16xi32>
    %mul3A_34 = arith.muli %add3A_31, %mul3A_33 : vector<16xi32>
    %get3A_35 = arith.constant 16 : index
    %get3A_36 = tpu.vector_load %arg18[%get3A_35] {strides = array<i32>} : memref<512xi32, #tpu.memory_space<vmem>>, vector<16xi32>,
    %get3A_37 = vector.shape_cast %get3A_36 : vector<16xi32> to vector<16xi32>
    %add3A_38 = arith.addi %mul3A_34, %get3A_37 : vector<16xi32>
    %swap3A_39 = arith.constant 16 : index
    %swap3A_40 = tpu.vector_load %arg19[%swap3A_39] {strides = array<i32>} : memref<512xi32, #tpu.memory_space<vmem>>, vector<16xi32>,
    %swap3A_41 = vector.shape_cast %swap3A_40 : vector<16xi32> to vector<16xi32>
    %swap3A_42 = vector.shape_cast %add3A_38 : vector<16xi32> to vector<16xi32>
    tpu.vector_store %arg19[%swap3A_39], %swap3A_42 {strides = array<i32>} : memref<512xi32, #tpu.memory_space<vmem>>, vector<16xi32>,
    %get3A_43 = arith.constant 32 : index
    %get3A_44 = tpu.vector_load %arg16[%get3A_43] {strides = array<i32>} : memref<512xi32, #tpu.memory_space<vmem>>, vector<16xi32>,
    %get3A_45 = vector.shape_cast %get3A_44 : vector<16xi32> to vector<16xi32>
    %mul3A_46 = arith.constant 16 : i32
    %mul3A_47 = vector.broadcast %mul3A_46 : i32 to vector<16xi32>
    %mul3A_48 = arith.muli %get3A_45, %mul3A_47 : vector<16xi32>
    %get3A_49 = arith.constant 32 : index
    %get3A_50 = tpu.vector_load %arg17[%get3A_49] {strides = array<i32>} : memref<512xi32, #tpu.memory_space<vmem>>, vector<16xi32>,
    %get3A_51 = vector.shape_cast %get3A_50 : vector<16xi32> to vector<16xi32>
    %add3A_52 = arith.addi %mul3A_48, %get3A_51 : vector<16xi32>
    %mul3A_53 = arith.constant 100 : i32
    %mul3A_54 = vector.broadcast %mul3A_53 : i32 to vector<16xi32>
    %mul3A_55 = arith.muli %add3A_52, %mul3A_54 : vector<16xi32>
    %get3A_56 = arith.constant 32 : index
    %get3A_57 = tpu.vector_load %arg18[%get3A_56] {strides = array<i32>} : memref<512xi32, #tpu.memory_space<vmem>>, vector<16xi32>,
    %get3A_58 = vector.shape_cast %get3A_57 : vector<16xi32> to vector<16xi32>
    %add3A_59 = arith.addi %mul3A_55, %get3A_58 : vector<16xi32>
    %swap3A_60 = arith.constant 32 : index
    %swap3A_61 = tpu.vector_load %arg19[%swap3A_60] {strides = array<i32>} : memref<512xi32, #tpu.memory_space<vmem>>, vector<16xi32>,
    %swap3A_62 = vector.shape_cast %swap3A_61 : vector<16xi32> to vector<16xi32>
    %swap3A_63 = vector.shape_cast %add3A_59 : vector<16xi32> to vector<16xi32>
    tpu.vector_store %arg19[%swap3A_60], %swap3A_63 {strides = array<i32>} : memref<512xi32, #tpu.memory_space<vmem>>, vector<16xi32>,
    %get3A_64 = arith.constant 48 : index
    %get3A_65 = tpu.vector_load %arg16[%get3A_64] {strides = array<i32>} : memref<512xi32, #tpu.memory_space<vmem>>, vector<16xi32>,
    %get3A_66 = vector.shape_cast %get3A_65 : vector<16xi32> to vector<16xi32>
    %mul3A_67 = arith.constant 16 : i32
    %mul3A_68 = vector.broadcast %mul3A_67 : i32 to vector<16xi32>
    %mul3A_69 = arith.muli %get3A_66, %mul3A_68 : vector<16xi32>
    %get3A_70 = arith.constant 48 : index
    %get3A_71 = tpu.vector_load %arg17[%get3A_70] {strides = array<i32>} : memref<512xi32, #tpu.memory_space<vmem>>, vector<16xi32>,
    %get3A_72 = vector.shape_cast %get3A_71 : vector<16xi32> to vector<16xi32>
    %add3A_73 = arith.addi %mul3A_69, %get3A_72 : vector<16xi32>
    %mul3A_74 = arith.constant 100 : i32
    %mul3A_75 = vector.broadcast %mul3A_74 : i32 to vector<16xi32>
    %mul3A_76 = arith.muli %add3A_73, %mul3A_75 : vector<16xi32>
    %get3A_77 = arith.constant 48 : index
    %get3A_78 = tpu.vector_load %arg18[%get3A_77] {strides = array<i32>} : memref<512xi32, #tpu.memory_space<vmem>>, vector<16xi32>,
    %get3A_79 = vector.shape_cast %get3A_78 : vector<16xi32> to vector<16xi32>
    %add3A_80 = arith.addi %mul3A_76, %get3A_79 : vector<16xi32>
    %swap3A_81 = arith.constant 48 : index
    %swap3A_82 = tpu.vector_load %arg19[%swap3A_81] {strides = array<i32>} : memref<512xi32, #tpu.memory_space<vmem>>, vector<16xi32>,
    %swap3A_83 = vector.shape_cast %swap3A_82 : vector<16xi32> to vector<16xi32>
    %swap3A_84 = vector.shape_cast %add3A_80 : vector<16xi32> to vector<16xi32>
    tpu.vector_store %arg19[%swap3A_81], %swap3A_84 {strides = array<i32>} : memref<512xi32, #tpu.memory_space<vmem>>, vector<16xi32>,
    %get3A_85 = arith.constant 64 : index
    %get3A_86 = tpu.vector_load %arg16[%get3A_85] {strides = array<i32>} : memref<512xi32, #tpu.memory_space<vmem>>, vector<16xi32>,
    %get3A_87 = vector.shape_cast %get3A_86 : vector<16xi32> to vector<16xi32>
    %mul3A_88 = arith.constant 16 : i32
    %mul3A_89 = vector.broadcast %mul3A_88 : i32 to vector<16xi32>
    %mul3A_90 = arith.muli %get3A_87, %mul3A_89 : vector<16xi32>
    %get3A_91 = arith.constant 64 : index
    %get3A_92 = tpu.vector_load %arg17[%get3A_91] {strides = array<i32>} : memref<512xi32, #tpu.memory_space<vmem>>, vector<16xi32>,
    %get3A_93 = vector.shape_cast %get3A_92 : vector<16xi32> to vector<16xi32>
    %add3A_94 = arith.addi %mul3A_90, %get3A_93 : vector<16xi32>
    %mul3A_95 = arith.constant 100 : i32
    %mul3A_96 = vector.broadcast %mul3A_95 : i32 to vector<16xi32>
    %mul3A_97 = arith.muli %add3A_94, %mul3A_96 : vector<16xi32>
    %get3A_98 = arith.constant 64 : index
    %get3A_99 = tpu.vector_load %arg18[%get3A_98] {strides = array<i32>} : memref<512xi32, #tpu.memory_space<vmem>>, vector<16xi32>,
    %get3A_100 = vector.shape_cast %get3A_99 : vector<16xi32> to vector<16xi32>
    %add3A_101 = arith.addi %mul3A_97, %get3A_100 : vector<16xi32>
    %swap3A_102 = arith.constant 64 : index
    %swap3A_103 = tpu.vector_load %arg19[%swap3A_102] {strides = array<i32>} : memref<512xi32, #tpu.memory_space<vmem>>, vector<16xi32>,
    %swap3A_104 = vector.shape_cast %swap3A_103 : vector<16xi32> to vector<16xi32>
    %swap3A_105 = vector.shape_cast %add3A_101 : vector<16xi32> to vector<16xi32>
    tpu.vector_store %arg19[%swap3A_102], %swap3A_105 {strides = array<i32>} : memref<512xi32, #tpu.memory_space<vmem>>, vector<16xi32>,
    %get3A_106 = arith.constant 80 : index
    %get3A_107 = tpu.vector_load %arg16[%get3A_106] {strides = array<i32>} : memref<512xi32, #tpu.memory_space<vmem>>, vector<16xi32>,
    %get3A_108 = vector.shape_cast %get3A_107 : vector<16xi32> to vector<16xi32>
    %mul3A_109 = arith.constant 16 : i32
    %mul3A_110 = vector.broadcast %mul3A_109 : i32 to vector<16xi32>
    %mul3A_111 = arith.muli %get3A_108, %mul3A_110 : vector<16xi32>
    %get3A_112 = arith.constant 80 : index
    %get3A_113 = tpu.vector_load %arg17[%get3A_112] {strides = array<i32>} : memref<512xi32, #tpu.memory_space<vmem>>, vector<16xi32>,
    %get3A_114 = vector.shape_cast %get3A_113 : vector<16xi32> to vector<16xi32>
    %add3A_115 = arith.addi %mul3A_111, %get3A_114 : vector<16xi32>
    %mul3A_116 = arith.constant 100 : i32
    %mul3A_117 = vector.broadcast %mul3A_116 : i32 to vector<16xi32>
    %mul3A_118 = arith.muli %add3A_115, %mul3A_117 : vector<16xi32>
    %get3A_119 = arith.constant 80 : index
    %get3A_120 = tpu.vector_load %arg18[%get3A_119] {strides = array<i32>} : memref<512xi32, #tpu.memory_space<vmem>>, vector<16xi32>,
    %get3A_121 = vector.shape_cast %get3A_120 : vector<16xi32> to vector<16xi32>
    %add3A_122 = arith.addi %mul3A_118, %get3A_121 : vector<16xi32>
    %swap3A_123 = arith.constant 80 : index
    %swap3A_124 = tpu.vector_load %arg19[%swap3A_123] {strides = array<i32>} : memref<512xi32, #tpu.memory_space<vmem>>, vector<16xi32>,
    %swap3A_125 = vector.shape_cast %swap3A_124 : vector<16xi32> to vector<16xi32>
    %swap3A_126 = vector.shape_cast %add3A_122 : vector<16xi32> to vector<16xi32>
    tpu.vector_store %arg19[%swap3A_123], %swap3A_126 {strides = array<i32>} : memref<512xi32, #tpu.memory_space<vmem>>, vector<16xi32>,
    %get3A_127 = arith.constant 96 : index
    %get3A_128 = tpu.vector_load %arg16[%get3A_127] {strides = array<i32>} : memref<512xi32, #tpu.memory_space<vmem>>, vector<16xi32>,
    %get3A_129 = vector.shape_cast %get3A_128 : vector<16xi32> to vector<16xi32>
    %mul3A_130 = arith.constant 16 : i32
    %mul3A_131 = vector.broadcast %mul3A_130 : i32 to vector<16xi32>
    %mul3A_132 = arith.muli %get3A_129, %mul3A_131 : vector<16xi32>
    %get3A_133 = arith.constant 96 : index
    %get3A_134 = tpu.vector_load %arg17[%get3A_133] {strides = array<i32>} : memref<512xi32, #tpu.memory_space<vmem>>, vector<16xi32>,
    %get3A_135 = vector.shape_cast %get3A_134 : vector<16xi32> to vector<16xi32>
    %add3A_136 = arith.addi %mul3A_132, %get3A_135 : vector<16xi32>
    %mul3A_137 = arith.constant 100 : i32
    %mul3A_138 = vector.broadcast %mul3A_137 : i32 to vector<16xi32>
    %mul3A_139 = arith.muli %add3A_136, %mul3A_138 : vector<16xi32>
    %get3A_140 = arith.constant 96 : index
    %get3A_141 = tpu.vector_load %arg18[%get3A_140] {strides = array<i32>} : memref<512xi32, #tpu.memory_space<vmem>>, vector<16xi32>,
    %get3A_142 = vector.shape_cast %get3A_141 : vector<16xi32> to vector<16xi32>
    %add3A_143 = arith.addi %mul3A_139, %get3A_142 : vector<16xi32>
    %swap3A_144 = arith.constant 96 : index
    %swap3A_145 = tpu.vector_load %arg19[%swap3A_144] {strides = array<i32>} : memref<512xi32, #tpu.memory_space<vmem>>, vector<16xi32>,
    %swap3A_146 = vector.shape_cast %swap3A_145 : vector<16xi32> to vector<16xi32>
    %swap3A_147 = vector.shape_cast %add3A_143 : vector<16xi32> to vector<16xi32>
    tpu.vector_store %arg19[%swap3A_144], %swap3A_147 {strides = array<i32>} : memref<512xi32, #tpu.memory_space<vmem>>, vector<16xi32>,
    %get3A_148 = arith.constant 112 : index
    %get3A_149 = tpu.vector_load %arg16[%get3A_148] {strides = array<i32>} : memref<512xi32, #tpu.memory_space<vmem>>, vector<16xi32>,
    %get3A_150 = vector.shape_cast %get3A_149 : vector<16xi32> to vector<16xi32>
    %mul3A_151 = arith.constant 16 : i32
    %mul3A_152 = vector.broadcast %mul3A_151 : i32 to vector<16xi32>
    %mul3A_153 = arith.muli %get3A_150, %mul3A_152 : vector<16xi32>
    %get3A_154 = arith.constant 112 : index
    %get3A_155 = tpu.vector_load %arg17[%get3A_154] {strides = array<i32>} : memref<512xi32, #tpu.memory_space<vmem>>, vector<16xi32>,
    %get3A_156 = vector.shape_cast %get3A_155 : vector<16xi32> to vector<16xi32>
    %add3A_157 = arith.addi %mul3A_153, %get3A_156 : vector<16xi32>
    %mul3A_158 = arith.constant 100 : i32
    %mul3A_159 = vector.broadcast %mul3A_158 : i32 to vector<16xi32>
    %mul3A_160 = arith.muli %add3A_157, %mul3A_159 : vector<16xi32>
    %get3A_161 = arith.constant 112 : index
    %get3A_162 = tpu.vector_load %arg18[%get3A_161] {strides = array<i32>} : memref<512xi32, #tpu.memory_space<vmem>>, vector<16xi32>,
    %get3A_163 = vector.shape_cast %get3A_162 : vector<16xi32> to vector<16xi32>
    %add3A_164 = arith.addi %mul3A_160, %get3A_163 : vector<16xi32>
    %swap3A_165 = arith.constant 112 : index
    %swap3A_166 = tpu.vector_load %arg19[%swap3A_165] {strides = array<i32>} : memref<512xi32, #tpu.memory_space<vmem>>, vector<16xi32>,
    %swap3A_167 = vector.shape_cast %swap3A_166 : vector<16xi32> to vector<16xi32>
    %swap3A_168 = vector.shape_cast %add3A_164 : vector<16xi32> to vector<16xi32>
    tpu.vector_store %arg19[%swap3A_165], %swap3A_168 {strides = array<i32>} : memref<512xi32, #tpu.memory_space<vmem>>, vector<16xi32>,
    %get3A_169 = arith.constant 128 : index
    %get3A_170 = tpu.vector_load %arg16[%get3A_169] {strides = array<i32>} : memref<512xi32, #tpu.memory_space<vmem>>, vector<16xi32>,
    %get3A_171 = vector.shape_cast %get3A_170 : vector<16xi32> to vector<16xi32>
    %mul3A_172 = arith.constant 16 : i32
    %mul3A_173 = vector.broadcast %mul3A_172 : i32 to vector<16xi32>
    %mul3A_174 = arith.muli %get3A_171, %mul3A_173 : vector<16xi32>
    %get3A_175 = arith.constant 128 : index
    %get3A_176 = tpu.vector_load %arg17[%get3A_175] {strides = array<i32>} : memref<512xi32, #tpu.memory_space<vmem>>, vector<16xi32>,
    %get3A_177 = vector.shape_cast %get3A_176 : vector<16xi32> to vector<16xi32>
    %add3A_178 = arith.addi %mul3A_174, %get3A_177 : vector<16xi32>
    %mul3A_179 = arith.constant 100 : i32
    %mul3A_180 = vector.broadcast %mul3A_179 : i32 to vector<16xi32>
    %mul3A_181 = arith.muli %add3A_178, %mul3A_180 : vector<16xi32>
    %get3A_182 = arith.constant 128 : index
    %get3A_183 = tpu.vector_load %arg18[%get3A_182] {strides = array<i32>} : memref<512xi32, #tpu.memory_space<vmem>>, vector<16xi32>,
    %get3A_184 = vector.shape_cast %get3A_183 : vector<16xi32> to vector<16xi32>
    %add3A_185 = arith.addi %mul3A_181, %get3A_184 : vector<16xi32>
    %swap3A_186 = arith.constant 128 : index
    %swap3A_187 = tpu.vector_load %arg19[%swap3A_186] {strides = array<i32>} : memref<512xi32, #tpu.memory_space<vmem>>, vector<16xi32>,
    %swap3A_188 = vector.shape_cast %swap3A_187 : vector<16xi32> to vector<16xi32>
    %swap3A_189 = vector.shape_cast %add3A_185 : vector<16xi32> to vector<16xi32>
    tpu.vector_store %arg19[%swap3A_186], %swap3A_189 {strides = array<i32>} : memref<512xi32, #tpu.memory_space<vmem>>, vector<16xi32>,
    %get3A_190 = arith.constant 144 : index
    %get3A_191 = tpu.vector_load %arg16[%get3A_190] {strides = array<i32>} : memref<512xi32, #tpu.memory_space<vmem>>, vector<16xi32>,
    %get3A_192 = vector.shape_cast %get3A_191 : vector<16xi32> to vector<16xi32>
    %mul3A_193 = arith.constant 16 : i32
    %mul3A_194 = vector.broadcast %mul3A_193 : i32 to vector<16xi32>
    %mul3A_195 = arith.muli %get3A_192, %mul3A_194 : vector<16xi32>
    %get3A_196 = arith.constant 144 : index
    %get3A_197 = tpu.vector_load %arg17[%get3A_196] {strides = array<i32>} : memref<512xi32, #tpu.memory_space<vmem>>, vector<16xi32>,
    %get3A_198 = vector.shape_cast %get3A_197 : vector<16xi32> to vector<16xi32>
    %add3A_199 = arith.addi %mul3A_195, %get3A_198 : vector<16xi32>
    %mul3A_200 = arith.constant 100 : i32
    %mul3A_201 = vector.broadcast %mul3A_200 : i32 to vector<16xi32>
    %mul3A_202 = arith.muli %add3A_199, %mul3A_201 : vector<16xi32>
    %get3A_203 = arith.constant 144 : index
    %get3A_204 = tpu.vector_load %arg18[%get3A_203] {strides = array<i32>} : memref<512xi32, #tpu.memory_space<vmem>>, vector<16xi32>,
    %get3A_205 = vector.shape_cast %get3A_204 : vector<16xi32> to vector<16xi32>
    %add3A_206 = arith.addi %mul3A_202, %get3A_205 : vector<16xi32>
    %swap3A_207 = arith.constant 144 : index
    %swap3A_208 = tpu.vector_load %arg19[%swap3A_207] {strides = array<i32>} : memref<512xi32, #tpu.memory_space<vmem>>, vector<16xi32>,
    %swap3A_209 = vector.shape_cast %swap3A_208 : vector<16xi32> to vector<16xi32>
    %swap3A_210 = vector.shape_cast %add3A_206 : vector<16xi32> to vector<16xi32>
    tpu.vector_store %arg19[%swap3A_207], %swap3A_210 {strides = array<i32>} : memref<512xi32, #tpu.memory_space<vmem>>, vector<16xi32>,
    %get3A_211 = arith.constant 160 : index
    %get3A_212 = tpu.vector_load %arg16[%get3A_211] {strides = array<i32>} : memref<512xi32, #tpu.memory_space<vmem>>, vector<16xi32>,
    %get3A_213 = vector.shape_cast %get3A_212 : vector<16xi32> to vector<16xi32>
    %mul3A_214 = arith.constant 16 : i32
    %mul3A_215 = vector.broadcast %mul3A_214 : i32 to vector<16xi32>
    %mul3A_216 = arith.muli %get3A_213, %mul3A_215 : vector<16xi32>
    %get3A_217 = arith.constant 160 : index
    %get3A_218 = tpu.vector_load %arg17[%get3A_217] {strides = array<i32>} : memref<512xi32, #tpu.memory_space<vmem>>, vector<16xi32>,
    %get3A_219 = vector.shape_cast %get3A_218 : vector<16xi32> to vector<16xi32>
    %add3A_220 = arith.addi %mul3A_216, %get3A_219 : vector<16xi32>
    %mul3A_221 = arith.constant 100 : i32
    %mul3A_222 = vector.broadcast %mul3A_221 : i32 to vector<16xi32>
    %mul3A_223 = arith.muli %add3A_220, %mul3A_222 : vector<16xi32>
    %get3A_224 = arith.constant 160 : index
    %get3A_225 = tpu.vector_load %arg18[%get3A_224] {strides = array<i32>} : memref<512xi32, #tpu.memory_space<vmem>>, vector<16xi32>,
    %get3A_226 = vector.shape_cast %get3A_225 : vector<16xi32> to vector<16xi32>
    %add3A_227 = arith.addi %mul3A_223, %get3A_226 : vector<16xi32>
    %swap3A_228 = arith.constant 160 : index
    %swap3A_229 = tpu.vector_load %arg19[%swap3A_228] {strides = array<i32>} : memref<512xi32, #tpu.memory_space<vmem>>, vector<16xi32>,
    %swap3A_230 = vector.shape_cast %swap3A_229 : vector<16xi32> to vector<16xi32>
    %swap3A_231 = vector.shape_cast %add3A_227 : vector<16xi32> to vector<16xi32>
    tpu.vector_store %arg19[%swap3A_228], %swap3A_231 {strides = array<i32>} : memref<512xi32, #tpu.memory_space<vmem>>, vector<16xi32>,
    %get3A_232 = arith.constant 176 : index
    %get3A_233 = tpu.vector_load %arg16[%get3A_232] {strides = array<i32>} : memref<512xi32, #tpu.memory_space<vmem>>, vector<16xi32>,
    %get3A_234 = vector.shape_cast %get3A_233 : vector<16xi32> to vector<16xi32>
    %mul3A_235 = arith.constant 16 : i32
    %mul3A_236 = vector.broadcast %mul3A_235 : i32 to vector<16xi32>
    %mul3A_237 = arith.muli %get3A_234, %mul3A_236 : vector<16xi32>
    %get3A_238 = arith.constant 176 : index
    %get3A_239 = tpu.vector_load %arg17[%get3A_238] {strides = array<i32>} : memref<512xi32, #tpu.memory_space<vmem>>, vector<16xi32>,
    %get3A_240 = vector.shape_cast %get3A_239 : vector<16xi32> to vector<16xi32>
    %add3A_241 = arith.addi %mul3A_237, %get3A_240 : vector<16xi32>
    %mul3A_242 = arith.constant 100 : i32
    %mul3A_243 = vector.broadcast %mul3A_242 : i32 to vector<16xi32>
    %mul3A_244 = arith.muli %add3A_241, %mul3A_243 : vector<16xi32>
    %get3A_245 = arith.constant 176 : index
    %get3A_246 = tpu.vector_load %arg18[%get3A_245] {strides = array<i32>} : memref<512xi32, #tpu.memory_space<vmem>>, vector<16xi32>,
    %get3A_247 = vector.shape_cast %get3A_246 : vector<16xi32> to vector<16xi32>
    %add3A_248 = arith.addi %mul3A_244, %get3A_247 : vector<16xi32>
    %swap3A_249 = arith.constant 176 : index
    %swap3A_250 = tpu.vector_load %arg19[%swap3A_249] {strides = array<i32>} : memref<512xi32, #tpu.memory_space<vmem>>, vector<16xi32>,
    %swap3A_251 = vector.shape_cast %swap3A_250 : vector<16xi32> to vector<16xi32>
    %swap3A_252 = vector.shape_cast %add3A_248 : vector<16xi32> to vector<16xi32>
    tpu.vector_store %arg19[%swap3A_249], %swap3A_252 {strides = array<i32>} : memref<512xi32, #tpu.memory_space<vmem>>, vector<16xi32>,
    %get3A_253 = arith.constant 192 : index
    %get3A_254 = tpu.vector_load %arg16[%get3A_253] {strides = array<i32>} : memref<512xi32, #tpu.memory_space<vmem>>, vector<16xi32>,
    %get3A_255 = vector.shape_cast %get3A_254 : vector<16xi32> to vector<16xi32>
    %mul3A_256 = arith.constant 16 : i32
    %mul3A_257 = vector.broadcast %mul3A_256 : i32 to vector<16xi32>
    %mul3A_258 = arith.muli %get3A_255, %mul3A_257 : vector<16xi32>
    %get3A_259 = arith.constant 192 : index
    %get3A_260 = tpu.vector_load %arg17[%get3A_259] {strides = array<i32>} : memref<512xi32, #tpu.memory_space<vmem>>, vector<16xi32>,
    %get3A_261 = vector.shape_cast %get3A_260 : vector<16xi32> to vector<16xi32>
    %add3A_262 = arith.addi %mul3A_258, %get3A_261 : vector<16xi32>
    %mul3A_263 = arith.constant 100 : i32
    %mul3A_264 = vector.broadcast %mul3A_263 : i32 to vector<16xi32>
    %mul3A_265 = arith.muli %add3A_262, %mul3A_264 : vector<16xi32>
    %get3A_266 = arith.constant 192 : index
    %get3A_267 = tpu.vector_load %arg18[%get3A_266] {strides = array<i32>} : memref<512xi32, #tpu.memory_space<vmem>>, vector<16xi32>,
    %get3A_268 = vector.shape_cast %get3A_267 : vector<16xi32> to vector<16xi32>
    %add3A_269 = arith.addi %mul3A_265, %get3A_268 : vector<16xi32>
    %swap3A_270 = arith.constant 192 : index
    %swap3A_271 = tpu.vector_load %arg19[%swap3A_270] {strides = array<i32>} : memref<512xi32, #tpu.memory_space<vmem>>, vector<16xi32>,
    %swap3A_272 = vector.shape_cast %swap3A_271 : vector<16xi32> to vector<16xi32>
    %swap3A_273 = vector.shape_cast %add3A_269 : vector<16xi32> to vector<16xi32>
    tpu.vector_store %arg19[%swap3A_270], %swap3A_273 {strides = array<i32>} : memref<512xi32, #tpu.memory_space<vmem>>, vector<16xi32>,
    %get3A_274 = arith.constant 208 : index
    %get3A_275 = tpu.vector_load %arg16[%get3A_274] {strides = array<i32>} : memref<512xi32, #tpu.memory_space<vmem>>, vector<16xi32>,
    %get3A_276 = vector.shape_cast %get3A_275 : vector<16xi32> to vector<16xi32>
    %mul3A_277 = arith.constant 16 : i32
    %mul3A_278 = vector.broadcast %mul3A_277 : i32 to vector<16xi32>
    %mul3A_279 = arith.muli %get3A_276, %mul3A_278 : vector<16xi32>
    %get3A_280 = arith.constant 208 : index
    %get3A_281 = tpu.vector_load %arg17[%get3A_280] {strides = array<i32>} : memref<512xi32, #tpu.memory_space<vmem>>, vector<16xi32>,
    %get3A_282 = vector.shape_cast %get3A_281 : vector<16xi32> to vector<16xi32>
    %add3A_283 = arith.addi %mul3A_279, %get3A_282 : vector<16xi32>
    %mul3A_284 = arith.constant 100 : i32
    %mul3A_285 = vector.broadcast %mul3A_284 : i32 to vector<16xi32>
    %mul3A_286 = arith.muli %add3A_283, %mul3A_285 : vector<16xi32>
    %get3A_287 = arith.constant 208 : index
    %get3A_288 = tpu.vector_load %arg18[%get3A_287] {strides = array<i32>} : memref<512xi32, #tpu.memory_space<vmem>>, vector<16xi32>,
    %get3A_289 = vector.shape_cast %get3A_288 : vector<16xi32> to vector<16xi32>
    %add3A_290 = arith.addi %mul3A_286, %get3A_289 : vector<16xi32>
    %swap3A_291 = arith.constant 208 : index
    %swap3A_292 = tpu.vector_load %arg19[%swap3A_291] {strides = array<i32>} : memref<512xi32, #tpu.memory_space<vmem>>, vector<16xi32>,
    %swap3A_293 = vector.shape_cast %swap3A_292 : vector<16xi32> to vector<16xi32>
    %swap3A_294 = vector.shape_cast %add3A_290 : vector<16xi32> to vector<16xi32>
    tpu.vector_store %arg19[%swap3A_291], %swap3A_294 {strides = array<i32>} : memref<512xi32, #tpu.memory_space<vmem>>, vector<16xi32>,
    %get3A_295 = arith.constant 224 : index
    %get3A_296 = tpu.vector_load %arg16[%get3A_295] {strides = array<i32>} : memref<512xi32, #tpu.memory_space<vmem>>, vector<16xi32>,
    %get3A_297 = vector.shape_cast %get3A_296 : vector<16xi32> to vector<16xi32>
    %mul3A_298 = arith.constant 16 : i32
    %mul3A_299 = vector.broadcast %mul3A_298 : i32 to vector<16xi32>
    %mul3A_300 = arith.muli %get3A_297, %mul3A_299 : vector<16xi32>
    %get3A_301 = arith.constant 224 : index
    %get3A_302 = tpu.vector_load %arg17[%get3A_301] {strides = array<i32>} : memref<512xi32, #tpu.memory_space<vmem>>, vector<16xi32>,
    %get3A_303 = vector.shape_cast %get3A_302 : vector<16xi32> to vector<16xi32>
    %add3A_304 = arith.addi %mul3A_300, %get3A_303 : vector<16xi32>
    %mul3A_305 = arith.constant 100 : i32
    %mul3A_306 = vector.broadcast %mul3A_305 : i32 to vector<16xi32>
    %mul3A_307 = arith.muli %add3A_304, %mul3A_306 : vector<16xi32>
    %get3A_308 = arith.constant 224 : index
    %get3A_309 = tpu.vector_load %arg18[%get3A_308] {strides = array<i32>} : memref<512xi32, #tpu.memory_space<vmem>>, vector<16xi32>,
    %get3A_310 = vector.shape_cast %get3A_309 : vector<16xi32> to vector<16xi32>
    %add3A_311 = arith.addi %mul3A_307, %get3A_310 : vector<16xi32>
    %swap3A_312 = arith.constant 224 : index
    %swap3A_313 = tpu.vector_load %arg19[%swap3A_312] {strides = array<i32>} : memref<512xi32, #tpu.memory_space<vmem>>, vector<16xi32>,
    %swap3A_314 = vector.shape_cast %swap3A_313 : vector<16xi32> to vector<16xi32>
    %swap3A_315 = vector.shape_cast %add3A_311 : vector<16xi32> to vector<16xi32>
    tpu.vector_store %arg19[%swap3A_312], %swap3A_315 {strides = array<i32>} : memref<512xi32, #tpu.memory_space<vmem>>, vector<16xi32>,
    %get3A_316 = arith.constant 240 : index
    %get3A_317 = tpu.vector_load %arg16[%get3A_316] {strides = array<i32>} : memref<512xi32, #tpu.memory_space<vmem>>, vector<16xi32>,
    %get3A_318 = vector.shape_cast %get3A_317 : vector<16xi32> to vector<16xi32>
    %mul3A_319 = arith.constant 16 : i32
    %mul3A_320 = vector.broadcast %mul3A_319 : i32 to vector<16xi32>
    %mul3A_321 = arith.muli %get3A_318, %mul3A_320 : vector<16xi32>
    %get3A_322 = arith.constant 240 : index
    %get3A_323 = tpu.vector_load %arg17[%get3A_322] {strides = array<i32>} : memref<512xi32, #tpu.memory_space<vmem>>, vector<16xi32>,
    %get3A_324 = vector.shape_cast %get3A_323 : vector<16xi32> to vector<16xi32>
    %add3A_325 = arith.addi %mul3A_321, %get3A_324 : vector<16xi32>
    %mul3A_326 = arith.constant 100 : i32
    %mul3A_327 = vector.broadcast %mul3A_326 : i32 to vector<16xi32>
    %mul3A_328 = arith.muli %add3A_325, %mul3A_327 : vector<16xi32>
    %get3A_329 = arith.constant 240 : index
    %get3A_330 = tpu.vector_load %arg18[%get3A_329] {strides = array<i32>} : memref<512xi32, #tpu.memory_space<vmem>>, vector<16xi32>,
    %get3A_331 = vector.shape_cast %get3A_330 : vector<16xi32> to vector<16xi32>
    %add3A_332 = arith.addi %mul3A_328, %get3A_331 : vector<16xi32>
    %swap3A_333 = arith.constant 240 : index
    %swap3A_334 = tpu.vector_load %arg19[%swap3A_333] {strides = array<i32>} : memref<512xi32, #tpu.memory_space<vmem>>, vector<16xi32>,
    %swap3A_335 = vector.shape_cast %swap3A_334 : vector<16xi32> to vector<16xi32>
    %swap3A_336 = vector.shape_cast %add3A_332 : vector<16xi32> to vector<16xi32>
    tpu.vector_store %arg19[%swap3A_333], %swap3A_336 {strides = array<i32>} : memref<512xi32, #tpu.memory_space<vmem>>, vector<16xi32>,
    %get3A_337 = arith.constant 256 : index
    %get3A_338 = tpu.vector_load %arg16[%get3A_337] {strides = array<i32>} : memref<512xi32, #tpu.memory_space<vmem>>, vector<16xi32>,
    %get3A_339 = vector.shape_cast %get3A_338 : vector<16xi32> to vector<16xi32>
    %mul3A_340 = arith.constant 16 : i32
    %mul3A_341 = vector.broadcast %mul3A_340 : i32 to vector<16xi32>
    %mul3A_342 = arith.muli %get3A_339, %mul3A_341 : vector<16xi32>
    %get3A_343 = arith.constant 256 : index
    %get3A_344 = tpu.vector_load %arg17[%get3A_343] {strides = array<i32>} : memref<512xi32, #tpu.memory_space<vmem>>, vector<16xi32>,
    %get3A_345 = vector.shape_cast %get3A_344 : vector<16xi32> to vector<16xi32>
    %add3A_346 = arith.addi %mul3A_342, %get3A_345 : vector<16xi32>
    %mul3A_347 = arith.constant 100 : i32
    %mul3A_348 = vector.broadcast %mul3A_347 : i32 to vector<16xi32>
    %mul3A_349 = arith.muli %add3A_346, %mul3A_348 : vector<16xi32>
    %get3A_350 = arith.constant 256 : index
    %get3A_351 = tpu.vector_load %arg18[%get3A_350] {strides = array<i32>} : memref<512xi32, #tpu.memory_space<vmem>>, vector<16xi32>,
    %get3A_352 = vector.shape_cast %get3A_351 : vector<16xi32> to vector<16xi32>
    %add3A_353 = arith.addi %mul3A_349, %get3A_352 : vector<16xi32>
    %swap3A_354 = arith.constant 256 : index
    %swap3A_355 = tpu.vector_load %arg19[%swap3A_354] {strides = array<i32>} : memref<512xi32, #tpu.memory_space<vmem>>, vector<16xi32>,
    %swap3A_356 = vector.shape_cast %swap3A_355 : vector<16xi32> to vector<16xi32>
    %swap3A_357 = vector.shape_cast %add3A_353 : vector<16xi32> to vector<16xi32>
    tpu.vector_store %arg19[%swap3A_354], %swap3A_357 {strides = array<i32>} : memref<512xi32, #tpu.memory_space<vmem>>, vector<16xi32>,
    %get3A_358 = arith.constant 272 : index
    %get3A_359 = tpu.vector_load %arg16[%get3A_358] {strides = array<i32>} : memref<512xi32, #tpu.memory_space<vmem>>, vector<16xi32>,
    %get3A_360 = vector.shape_cast %get3A_359 : vector<16xi32> to vector<16xi32>
    %mul3A_361 = arith.constant 16 : i32
    %mul3A_362 = vector.broadcast %mul3A_361 : i32 to vector<16xi32>
    %mul3A_363 = arith.muli %get3A_360, %mul3A_362 : vector<16xi32>
    %get3A_364 = arith.constant 272 : index
    %get3A_365 = tpu.vector_load %arg17[%get3A_364] {strides = array<i32>} : memref<512xi32, #tpu.memory_space<vmem>>, vector<16xi32>,
    %get3A_366 = vector.shape_cast %get3A_365 : vector<16xi32> to vector<16xi32>
    %add3A_367 = arith.addi %mul3A_363, %get3A_366 : vector<16xi32>
    %mul3A_368 = arith.constant 100 : i32
    %mul3A_369 = vector.broadcast %mul3A_368 : i32 to vector<16xi32>
    %mul3A_370 = arith.muli %add3A_367, %mul3A_369 : vector<16xi32>
    %get3A_371 = arith.constant 272 : index
    %get3A_372 = tpu.vector_load %arg18[%get3A_371] {strides = array<i32>} : memref<512xi32, #tpu.memory_space<vmem>>, vector<16xi32>,
    %get3A_373 = vector.shape_cast %get3A_372 : vector<16xi32> to vector<16xi32>
    %add3A_374 = arith.addi %mul3A_370, %get3A_373 : vector<16xi32>
    %swap3A_375 = arith.constant 272 : index
    %swap3A_376 = tpu.vector_load %arg19[%swap3A_375] {strides = array<i32>} : memref<512xi32, #tpu.memory_space<vmem>>, vector<16xi32>,
    %swap3A_377 = vector.shape_cast %swap3A_376 : vector<16xi32> to vector<16xi32>
    %swap3A_378 = vector.shape_cast %add3A_374 : vector<16xi32> to vector<16xi32>
    tpu.vector_store %arg19[%swap3A_375], %swap3A_378 {strides = array<i32>} : memref<512xi32, #tpu.memory_space<vmem>>, vector<16xi32>,
    %get3A_379 = arith.constant 288 : index
    %get3A_380 = tpu.vector_load %arg16[%get3A_379] {strides = array<i32>} : memref<512xi32, #tpu.memory_space<vmem>>, vector<16xi32>,
    %get3A_381 = vector.shape_cast %get3A_380 : vector<16xi32> to vector<16xi32>
    %mul3A_382 = arith.constant 16 : i32
    %mul3A_383 = vector.broadcast %mul3A_382 : i32 to vector<16xi32>
    %mul3A_384 = arith.muli %get3A_381, %mul3A_383 : vector<16xi32>
    %get3A_385 = arith.constant 288 : index
    %get3A_386 = tpu.vector_load %arg17[%get3A_385] {strides = array<i32>} : memref<512xi32, #tpu.memory_space<vmem>>, vector<16xi32>,
    %get3A_387 = vector.shape_cast %get3A_386 : vector<16xi32> to vector<16xi32>
    %add3A_388 = arith.addi %mul3A_384, %get3A_387 : vector<16xi32>
    %mul3A_389 = arith.constant 100 : i32
    %mul3A_390 = vector.broadcast %mul3A_389 : i32 to vector<16xi32>
    %mul3A_391 = arith.muli %add3A_388, %mul3A_390 : vector<16xi32>
    %get3A_392 = arith.constant 288 : index
    %get3A_393 = tpu.vector_load %arg18[%get3A_392] {strides = array<i32>} : memref<512xi32, #tpu.memory_space<vmem>>, vector<16xi32>,
    %get3A_394 = vector.shape_cast %get3A_393 : vector<16xi32> to vector<16xi32>
    %add3A_395 = arith.addi %mul3A_391, %get3A_394 : vector<16xi32>
    %swap3A_396 = arith.constant 288 : index
    %swap3A_397 = tpu.vector_load %arg19[%swap3A_396] {strides = array<i32>} : memref<512xi32, #tpu.memory_space<vmem>>, vector<16xi32>,
    %swap3A_398 = vector.shape_cast %swap3A_397 : vector<16xi32> to vector<16xi32>
    %swap3A_399 = vector.shape_cast %add3A_395 : vector<16xi32> to vector<16xi32>
    tpu.vector_store %arg19[%swap3A_396], %swap3A_399 {strides = array<i32>} : memref<512xi32, #tpu.memory_space<vmem>>, vector<16xi32>,
    %get3A_400 = arith.constant 304 : index
    %get3A_401 = tpu.vector_load %arg16[%get3A_400] {strides = array<i32>} : memref<512xi32, #tpu.memory_space<vmem>>, vector<16xi32>,
    %get3A_402 = vector.shape_cast %get3A_401 : vector<16xi32> to vector<16xi32>
    %mul3A_403 = arith.constant 16 : i32
    %mul3A_404 = vector.broadcast %mul3A_403 : i32 to vector<16xi32>
    %mul3A_405 = arith.muli %get3A_402, %mul3A_404 : vector<16xi32>
    %get3A_406 = arith.constant 304 : index
    %get3A_407 = tpu.vector_load %arg17[%get3A_406] {strides = array<i32>} : memref<512xi32, #tpu.memory_space<vmem>>, vector<16xi32>,
    %get3A_408 = vector.shape_cast %get3A_407 : vector<16xi32> to vector<16xi32>
    %add3A_409 = arith.addi %mul3A_405, %get3A_408 : vector<16xi32>
    %mul3A_410 = arith.constant 100 : i32
    %mul3A_411 = vector.broadcast %mul3A_410 : i32 to vector<16xi32>
    %mul3A_412 = arith.muli %add3A_409, %mul3A_411 : vector<16xi32>
    %get3A_413 = arith.constant 304 : index
    %get3A_414 = tpu.vector_load %arg18[%get3A_413] {strides = array<i32>} : memref<512xi32, #tpu.memory_space<vmem>>, vector<16xi32>,
    %get3A_415 = vector.shape_cast %get3A_414 : vector<16xi32> to vector<16xi32>
    %add3A_416 = arith.addi %mul3A_412, %get3A_415 : vector<16xi32>
    %swap3A_417 = arith.constant 304 : index
    %swap3A_418 = tpu.vector_load %arg19[%swap3A_417] {strides = array<i32>} : memref<512xi32, #tpu.memory_space<vmem>>, vector<16xi32>,
    %swap3A_419 = vector.shape_cast %swap3A_418 : vector<16xi32> to vector<16xi32>
    %swap3A_420 = vector.shape_cast %add3A_416 : vector<16xi32> to vector<16xi32>
    tpu.vector_store %arg19[%swap3A_417], %swap3A_420 {strides = array<i32>} : memref<512xi32, #tpu.memory_space<vmem>>, vector<16xi32>,
    %get3A_421 = arith.constant 320 : index
    %get3A_422 = tpu.vector_load %arg16[%get3A_421] {strides = array<i32>} : memref<512xi32, #tpu.memory_space<vmem>>, vector<16xi32>,
    %get3A_423 = vector.shape_cast %get3A_422 : vector<16xi32> to vector<16xi32>
    %mul3A_424 = arith.constant 16 : i32
    %mul3A_425 = vector.broadcast %mul3A_424 : i32 to vector<16xi32>
    %mul3A_426 = arith.muli %get3A_423, %mul3A_425 : vector<16xi32>
    %get3A_427 = arith.constant 320 : index
    %get3A_428 = tpu.vector_load %arg17[%get3A_427] {strides = array<i32>} : memref<512xi32, #tpu.memory_space<vmem>>, vector<16xi32>,
    %get3A_429 = vector.shape_cast %get3A_428 : vector<16xi32> to vector<16xi32>
    %add3A_430 = arith.addi %mul3A_426, %get3A_429 : vector<16xi32>
    %mul3A_431 = arith.constant 100 : i32
    %mul3A_432 = vector.broadcast %mul3A_431 : i32 to vector<16xi32>
    %mul3A_433 = arith.muli %add3A_430, %mul3A_432 : vector<16xi32>
    %get3A_434 = arith.constant 320 : index
    %get3A_435 = tpu.vector_load %arg18[%get3A_434] {strides = array<i32>} : memref<512xi32, #tpu.memory_space<vmem>>, vector<16xi32>,
    %get3A_436 = vector.shape_cast %get3A_435 : vector<16xi32> to vector<16xi32>
    %add3A_437 = arith.addi %mul3A_433, %get3A_436 : vector<16xi32>
    %swap3A_438 = arith.constant 320 : index
    %swap3A_439 = tpu.vector_load %arg19[%swap3A_438] {strides = array<i32>} : memref<512xi32, #tpu.memory_space<vmem>>, vector<16xi32>,
    %swap3A_440 = vector.shape_cast %swap3A_439 : vector<16xi32> to vector<16xi32>
    %swap3A_441 = vector.shape_cast %add3A_437 : vector<16xi32> to vector<16xi32>
    tpu.vector_store %arg19[%swap3A_438], %swap3A_441 {strides = array<i32>} : memref<512xi32, #tpu.memory_space<vmem>>, vector<16xi32>,
    %get3A_442 = arith.constant 336 : index
    %get3A_443 = tpu.vector_load %arg16[%get3A_442] {strides = array<i32>} : memref<512xi32, #tpu.memory_space<vmem>>, vector<16xi32>,
    %get3A_444 = vector.shape_cast %get3A_443 : vector<16xi32> to vector<16xi32>
    %mul3A_445 = arith.constant 16 : i32
    %mul3A_446 = vector.broadcast %mul3A_445 : i32 to vector<16xi32>
    %mul3A_447 = arith.muli %get3A_444, %mul3A_446 : vector<16xi32>
    %get3A_448 = arith.constant 336 : index
    %get3A_449 = tpu.vector_load %arg17[%get3A_448] {strides = array<i32>} : memref<512xi32, #tpu.memory_space<vmem>>, vector<16xi32>,
    %get3A_450 = vector.shape_cast %get3A_449 : vector<16xi32> to vector<16xi32>
    %add3A_451 = arith.addi %mul3A_447, %get3A_450 : vector<16xi32>
    %mul3A_452 = arith.constant 100 : i32
    %mul3A_453 = vector.broadcast %mul3A_452 : i32 to vector<16xi32>
    %mul3A_454 = arith.muli %add3A_451, %mul3A_453 : vector<16xi32>
    %get3A_455 = arith.constant 336 : index
    %get3A_456 = tpu.vector_load %arg18[%get3A_455] {strides = array<i32>} : memref<512xi32, #tpu.memory_space<vmem>>, vector<16xi32>,
    %get3A_457 = vector.shape_cast %get3A_456 : vector<16xi32> to vector<16xi32>
    %add3A_458 = arith.addi %mul3A_454, %get3A_457 : vector<16xi32>
    %swap3A_459 = arith.constant 336 : index
    %swap3A_460 = tpu.vector_load %arg19[%swap3A_459] {strides = array<i32>} : memref<512xi32, #tpu.memory_space<vmem>>, vector<16xi32>,
    %swap3A_461 = vector.shape_cast %swap3A_460 : vector<16xi32> to vector<16xi32>
    %swap3A_462 = vector.shape_cast %add3A_458 : vector<16xi32> to vector<16xi32>
    tpu.vector_store %arg19[%swap3A_459], %swap3A_462 {strides = array<i32>} : memref<512xi32, #tpu.memory_space<vmem>>, vector<16xi32>,
    %get3A_463 = arith.constant 352 : index
    %get3A_464 = tpu.vector_load %arg16[%get3A_463] {strides = array<i32>} : memref<512xi32, #tpu.memory_space<vmem>>, vector<16xi32>,
    %get3A_465 = vector.shape_cast %get3A_464 : vector<16xi32> to vector<16xi32>
    %mul3A_466 = arith.constant 16 : i32
    %mul3A_467 = vector.broadcast %mul3A_466 : i32 to vector<16xi32>
    %mul3A_468 = arith.muli %get3A_465, %mul3A_467 : vector<16xi32>
    %get3A_469 = arith.constant 352 : index
    %get3A_470 = tpu.vector_load %arg17[%get3A_469] {strides = array<i32>} : memref<512xi32, #tpu.memory_space<vmem>>, vector<16xi32>,
    %get3A_471 = vector.shape_cast %get3A_470 : vector<16xi32> to vector<16xi32>
    %add3A_472 = arith.addi %mul3A_468, %get3A_471 : vector<16xi32>
    %mul3A_473 = arith.constant 100 : i32
    %mul3A_474 = vector.broadcast %mul3A_473 : i32 to vector<16xi32>
    %mul3A_475 = arith.muli %add3A_472, %mul3A_474 : vector<16xi32>
    %get3A_476 = arith.constant 352 : index
    %get3A_477 = tpu.vector_load %arg18[%get3A_476] {strides = array<i32>} : memref<512xi32, #tpu.memory_space<vmem>>, vector<16xi32>,
    %get3A_478 = vector.shape_cast %get3A_477 : vector<16xi32> to vector<16xi32>
    %add3A_479 = arith.addi %mul3A_475, %get3A_478 : vector<16xi32>
    %swap3A_480 = arith.constant 352 : index
    %swap3A_481 = tpu.vector_load %arg19[%swap3A_480] {strides = array<i32>} : memref<512xi32, #tpu.memory_space<vmem>>, vector<16xi32>,
    %swap3A_482 = vector.shape_cast %swap3A_481 : vector<16xi32> to vector<16xi32>
    %swap3A_483 = vector.shape_cast %add3A_479 : vector<16xi32> to vector<16xi32>
    tpu.vector_store %arg19[%swap3A_480], %swap3A_483 {strides = array<i32>} : memref<512xi32, #tpu.memory_space<vmem>>, vector<16xi32>,
    %get3A_484 = arith.constant 368 : index
    %get3A_485 = tpu.vector_load %arg16[%get3A_484] {strides = array<i32>} : memref<512xi32, #tpu.memory_space<vmem>>, vector<16xi32>,
    %get3A_486 = vector.shape_cast %get3A_485 : vector<16xi32> to vector<16xi32>
    %mul3A_487 = arith.constant 16 : i32
    %mul3A_488 = vector.broadcast %mul3A_487 : i32 to vector<16xi32>
    %mul3A_489 = arith.muli %get3A_486, %mul3A_488 : vector<16xi32>
    %get3A_490 = arith.constant 368 : index
    %get3A_491 = tpu.vector_load %arg17[%get3A_490] {strides = array<i32>} : memref<512xi32, #tpu.memory_space<vmem>>, vector<16xi32>,
    %get3A_492 = vector.shape_cast %get3A_491 : vector<16xi32> to vector<16xi32>
    %add3A_493 = arith.addi %mul3A_489, %get3A_492 : vector<16xi32>
    %mul3A_494 = arith.constant 100 : i32
    %mul3A_495 = vector.broadcast %mul3A_494 : i32 to vector<16xi32>
    %mul3A_496 = arith.muli %add3A_493, %mul3A_495 : vector<16xi32>
    %get3A_497 = arith.constant 368 : index
    %get3A_498 = tpu.vector_load %arg18[%get3A_497] {strides = array<i32>} : memref<512xi32, #tpu.memory_space<vmem>>, vector<16xi32>,
    %get3A_499 = vector.shape_cast %get3A_498 : vector<16xi32> to vector<16xi32>
    %add3A_500 = arith.addi %mul3A_496, %get3A_499 : vector<16xi32>
    %swap3A_501 = arith.constant 368 : index
    %swap3A_502 = tpu.vector_load %arg19[%swap3A_501] {strides = array<i32>} : memref<512xi32, #tpu.memory_space<vmem>>, vector<16xi32>,
    %swap3A_503 = vector.shape_cast %swap3A_502 : vector<16xi32> to vector<16xi32>
    %swap3A_504 = vector.shape_cast %add3A_500 : vector<16xi32> to vector<16xi32>
    tpu.vector_store %arg19[%swap3A_501], %swap3A_504 {strides = array<i32>} : memref<512xi32, #tpu.memory_space<vmem>>, vector<16xi32>,
    %get3A_505 = arith.constant 384 : index
    %get3A_506 = tpu.vector_load %arg16[%get3A_505] {strides = array<i32>} : memref<512xi32, #tpu.memory_space<vmem>>, vector<16xi32>,
    %get3A_507 = vector.shape_cast %get3A_506 : vector<16xi32> to vector<16xi32>
    %mul3A_508 = arith.constant 16 : i32
    %mul3A_509 = vector.broadcast %mul3A_508 : i32 to vector<16xi32>
    %mul3A_510 = arith.muli %get3A_507, %mul3A_509 : vector<16xi32>
    %get3A_511 = arith.constant 384 : index
    %get3A_512 = tpu.vector_load %arg17[%get3A_511] {strides = array<i32>} : memref<512xi32, #tpu.memory_space<vmem>>, vector<16xi32>,
    %get3A_513 = vector.shape_cast %get3A_512 : vector<16xi32> to vector<16xi32>
    %add3A_514 = arith.addi %mul3A_510, %get3A_513 : vector<16xi32>
    %mul3A_515 = arith.constant 100 : i32
    %mul3A_516 = vector.broadcast %mul3A_515 : i32 to vector<16xi32>
    %mul3A_517 = arith.muli %add3A_514, %mul3A_516 : vector<16xi32>
    %get3A_518 = arith.constant 384 : index
    %get3A_519 = tpu.vector_load %arg18[%get3A_518] {strides = array<i32>} : memref<512xi32, #tpu.memory_space<vmem>>, vector<16xi32>,
    %get3A_520 = vector.shape_cast %get3A_519 : vector<16xi32> to vector<16xi32>
    %add3A_521 = arith.addi %mul3A_517, %get3A_520 : vector<16xi32>
    %swap3A_522 = arith.constant 384 : index
    %swap3A_523 = tpu.vector_load %arg19[%swap3A_522] {strides = array<i32>} : memref<512xi32, #tpu.memory_space<vmem>>, vector<16xi32>,
    %swap3A_524 = vector.shape_cast %swap3A_523 : vector<16xi32> to vector<16xi32>
    %swap3A_525 = vector.shape_cast %add3A_521 : vector<16xi32> to vector<16xi32>
    tpu.vector_store %arg19[%swap3A_522], %swap3A_525 {strides = array<i32>} : memref<512xi32, #tpu.memory_space<vmem>>, vector<16xi32>,
    %get3A_526 = arith.constant 400 : index
    %get3A_527 = tpu.vector_load %arg16[%get3A_526] {strides = array<i32>} : memref<512xi32, #tpu.memory_space<vmem>>, vector<16xi32>,
    %get3A_528 = vector.shape_cast %get3A_527 : vector<16xi32> to vector<16xi32>
    %mul3A_529 = arith.constant 16 : i32
    %mul3A_530 = vector.broadcast %mul3A_529 : i32 to vector<16xi32>
    %mul3A_531 = arith.muli %get3A_528, %mul3A_530 : vector<16xi32>
    %get3A_532 = arith.constant 400 : index
    %get3A_533 = tpu.vector_load %arg17[%get3A_532] {strides = array<i32>} : memref<512xi32, #tpu.memory_space<vmem>>, vector<16xi32>,
    %get3A_534 = vector.shape_cast %get3A_533 : vector<16xi32> to vector<16xi32>
    %add3A_535 = arith.addi %mul3A_531, %get3A_534 : vector<16xi32>
    %mul3A_536 = arith.constant 100 : i32
    %mul3A_537 = vector.broadcast %mul3A_536 : i32 to vector<16xi32>
    %mul3A_538 = arith.muli %add3A_535, %mul3A_537 : vector<16xi32>
    %get3A_539 = arith.constant 400 : index
    %get3A_540 = tpu.vector_load %arg18[%get3A_539] {strides = array<i32>} : memref<512xi32, #tpu.memory_space<vmem>>, vector<16xi32>,
    %get3A_541 = vector.shape_cast %get3A_540 : vector<16xi32> to vector<16xi32>
    %add3A_542 = arith.addi %mul3A_538, %get3A_541 : vector<16xi32>
    %swap3A_543 = arith.constant 400 : index
    %swap3A_544 = tpu.vector_load %arg19[%swap3A_543] {strides = array<i32>} : memref<512xi32, #tpu.memory_space<vmem>>, vector<16xi32>,
    %swap3A_545 = vector.shape_cast %swap3A_544 : vector<16xi32> to vector<16xi32>
    %swap3A_546 = vector.shape_cast %add3A_542 : vector<16xi32> to vector<16xi32>
    tpu.vector_store %arg19[%swap3A_543], %swap3A_546 {strides = array<i32>} : memref<512xi32, #tpu.memory_space<vmem>>, vector<16xi32>,
    %get3A_547 = arith.constant 416 : index
    %get3A_548 = tpu.vector_load %arg16[%get3A_547] {strides = array<i32>} : memref<512xi32, #tpu.memory_space<vmem>>, vector<16xi32>,
    %get3A_549 = vector.shape_cast %get3A_548 : vector<16xi32> to vector<16xi32>
    %mul3A_550 = arith.constant 16 : i32
    %mul3A_551 = vector.broadcast %mul3A_550 : i32 to vector<16xi32>
    %mul3A_552 = arith.muli %get3A_549, %mul3A_551 : vector<16xi32>
    %get3A_553 = arith.constant 416 : index
    %get3A_554 = tpu.vector_load %arg17[%get3A_553] {strides = array<i32>} : memref<512xi32, #tpu.memory_space<vmem>>, vector<16xi32>,
    %get3A_555 = vector.shape_cast %get3A_554 : vector<16xi32> to vector<16xi32>
    %add3A_556 = arith.addi %mul3A_552, %get3A_555 : vector<16xi32>
    %mul3A_557 = arith.constant 100 : i32
    %mul3A_558 = vector.broadcast %mul3A_557 : i32 to vector<16xi32>
    %mul3A_559 = arith.muli %add3A_556, %mul3A_558 : vector<16xi32>
    %get3A_560 = arith.constant 416 : index
    %get3A_561 = tpu.vector_load %arg18[%get3A_560] {strides = array<i32>} : memref<512xi32, #tpu.memory_space<vmem>>, vector<16xi32>,
    %get3A_562 = vector.shape_cast %get3A_561 : vector<16xi32> to vector<16xi32>
    %add3A_563 = arith.addi %mul3A_559, %get3A_562 : vector<16xi32>
    %swap3A_564 = arith.constant 416 : index
    %swap3A_565 = tpu.vector_load %arg19[%swap3A_564] {strides = array<i32>} : memref<512xi32, #tpu.memory_space<vmem>>, vector<16xi32>,
    %swap3A_566 = vector.shape_cast %swap3A_565 : vector<16xi32> to vector<16xi32>
    %swap3A_567 = vector.shape_cast %add3A_563 : vector<16xi32> to vector<16xi32>
    tpu.vector_store %arg19[%swap3A_564], %swap3A_567 {strides = array<i32>} : memref<512xi32, #tpu.memory_space<vmem>>, vector<16xi32>,
    %get3A_568 = arith.constant 432 : index
    %get3A_569 = tpu.vector_load %arg16[%get3A_568] {strides = array<i32>} : memref<512xi32, #tpu.memory_space<vmem>>, vector<16xi32>,
    %get3A_570 = vector.shape_cast %get3A_569 : vector<16xi32> to vector<16xi32>
    %mul3A_571 = arith.constant 16 : i32
    %mul3A_572 = vector.broadcast %mul3A_571 : i32 to vector<16xi32>
    %mul3A_573 = arith.muli %get3A_570, %mul3A_572 : vector<16xi32>
    %get3A_574 = arith.constant 432 : index
    %get3A_575 = tpu.vector_load %arg17[%get3A_574] {strides = array<i32>} : memref<512xi32, #tpu.memory_space<vmem>>, vector<16xi32>,
    %get3A_576 = vector.shape_cast %get3A_575 : vector<16xi32> to vector<16xi32>
    %add3A_577 = arith.addi %mul3A_573, %get3A_576 : vector<16xi32>
    %mul3A_578 = arith.constant 100 : i32
    %mul3A_579 = vector.broadcast %mul3A_578 : i32 to vector<16xi32>
    %mul3A_580 = arith.muli %add3A_577, %mul3A_579 : vector<16xi32>
    %get3A_581 = arith.constant 432 : index
    %get3A_582 = tpu.vector_load %arg18[%get3A_581] {strides = array<i32>} : memref<512xi32, #tpu.memory_space<vmem>>, vector<16xi32>,
    %get3A_583 = vector.shape_cast %get3A_582 : vector<16xi32> to vector<16xi32>
    %add3A_584 = arith.addi %mul3A_580, %get3A_583 : vector<16xi32>
    %swap3A_585 = arith.constant 432 : index
    %swap3A_586 = tpu.vector_load %arg19[%swap3A_585] {strides = array<i32>} : memref<512xi32, #tpu.memory_space<vmem>>, vector<16xi32>,
    %swap3A_587 = vector.shape_cast %swap3A_586 : vector<16xi32> to vector<16xi32>
    %swap3A_588 = vector.shape_cast %add3A_584 : vector<16xi32> to vector<16xi32>
    tpu.vector_store %arg19[%swap3A_585], %swap3A_588 {strides = array<i32>} : memref<512xi32, #tpu.memory_space<vmem>>, vector<16xi32>,
    %get3A_589 = arith.constant 448 : index
    %get3A_590 = tpu.vector_load %arg16[%get3A_589] {strides = array<i32>} : memref<512xi32, #tpu.memory_space<vmem>>, vector<16xi32>,
    %get3A_591 = vector.shape_cast %get3A_590 : vector<16xi32> to vector<16xi32>
    %mul3A_592 = arith.constant 16 : i32
    %mul3A_593 = vector.broadcast %mul3A_592 : i32 to vector<16xi32>
    %mul3A_594 = arith.muli %get3A_591, %mul3A_593 : vector<16xi32>
    %get3A_595 = arith.constant 448 : index
    %get3A_596 = tpu.vector_load %arg17[%get3A_595] {strides = array<i32>} : memref<512xi32, #tpu.memory_space<vmem>>, vector<16xi32>,
    %get3A_597 = vector.shape_cast %get3A_596 : vector<16xi32> to vector<16xi32>
    %add3A_598 = arith.addi %mul3A_594, %get3A_597 : vector<16xi32>
    %mul3A_599 = arith.constant 100 : i32
    %mul3A_600 = vector.broadcast %mul3A_599 : i32 to vector<16xi32>
    %mul3A_601 = arith.muli %add3A_598, %mul3A_600 : vector<16xi32>
    %get3A_602 = arith.constant 448 : index
    %get3A_603 = tpu.vector_load %arg18[%get3A_602] {strides = array<i32>} : memref<512xi32, #tpu.memory_space<vmem>>, vector<16xi32>,
    %get3A_604 = vector.shape_cast %get3A_603 : vector<16xi32> to vector<16xi32>
    %add3A_605 = arith.addi %mul3A_601, %get3A_604 : vector<16xi32>
    %swap3A_606 = arith.constant 448 : index
    %swap3A_607 = tpu.vector_load %arg19[%swap3A_606] {strides = array<i32>} : memref<512xi32, #tpu.memory_space<vmem>>, vector<16xi32>,
    %swap3A_608 = vector.shape_cast %swap3A_607 : vector<16xi32> to vector<16xi32>
    %swap3A_609 = vector.shape_cast %add3A_605 : vector<16xi32> to vector<16xi32>
    tpu.vector_store %arg19[%swap3A_606], %swap3A_609 {strides = array<i32>} : memref<512xi32, #tpu.memory_space<vmem>>, vector<16xi32>,
    %get3A_610 = arith.constant 464 : index
    %get3A_611 = tpu.vector_load %arg16[%get3A_610] {strides = array<i32>} : memref<512xi32, #tpu.memory_space<vmem>>, vector<16xi32>,
    %get3A_612 = vector.shape_cast %get3A_611 : vector<16xi32> to vector<16xi32>
    %mul3A_613 = arith.constant 16 : i32
    %mul3A_614 = vector.broadcast %mul3A_613 : i32 to vector<16xi32>
    %mul3A_615 = arith.muli %get3A_612, %mul3A_614 : vector<16xi32>
    %get3A_616 = arith.constant 464 : index
    %get3A_617 = tpu.vector_load %arg17[%get3A_616] {strides = array<i32>} : memref<512xi32, #tpu.memory_space<vmem>>, vector<16xi32>,
    %get3A_618 = vector.shape_cast %get3A_617 : vector<16xi32> to vector<16xi32>
    %add3A_619 = arith.addi %mul3A_615, %get3A_618 : vector<16xi32>
    %mul3A_620 = arith.constant 100 : i32
    %mul3A_621 = vector.broadcast %mul3A_620 : i32 to vector<16xi32>
    %mul3A_622 = arith.muli %add3A_619, %mul3A_621 : vector<16xi32>
    %get3A_623 = arith.constant 464 : index
    %get3A_624 = tpu.vector_load %arg18[%get3A_623] {strides = array<i32>} : memref<512xi32, #tpu.memory_space<vmem>>, vector<16xi32>,
    %get3A_625 = vector.shape_cast %get3A_624 : vector<16xi32> to vector<16xi32>
    %add3A_626 = arith.addi %mul3A_622, %get3A_625 : vector<16xi32>
    %swap3A_627 = arith.constant 464 : index
    %swap3A_628 = tpu.vector_load %arg19[%swap3A_627] {strides = array<i32>} : memref<512xi32, #tpu.memory_space<vmem>>, vector<16xi32>,
    %swap3A_629 = vector.shape_cast %swap3A_628 : vector<16xi32> to vector<16xi32>
    %swap3A_630 = vector.shape_cast %add3A_626 : vector<16xi32> to vector<16xi32>
    tpu.vector_store %arg19[%swap3A_627], %swap3A_630 {strides = array<i32>} : memref<512xi32, #tpu.memory_space<vmem>>, vector<16xi32>,
    %get3A_631 = arith.constant 480 : index
    %get3A_632 = tpu.vector_load %arg16[%get3A_631] {strides = array<i32>} : memref<512xi32, #tpu.memory_space<vmem>>, vector<16xi32>,
    %get3A_633 = vector.shape_cast %get3A_632 : vector<16xi32> to vector<16xi32>
    %mul3A_634 = arith.constant 16 : i32
    %mul3A_635 = vector.broadcast %mul3A_634 : i32 to vector<16xi32>
    %mul3A_636 = arith.muli %get3A_633, %mul3A_635 : vector<16xi32>
    %get3A_637 = arith.constant 480 : index
    %get3A_638 = tpu.vector_load %arg17[%get3A_637] {strides = array<i32>} : memref<512xi32, #tpu.memory_space<vmem>>, vector<16xi32>,
    %get3A_639 = vector.shape_cast %get3A_638 : vector<16xi32> to vector<16xi32>
    %add3A_640 = arith.addi %mul3A_636, %get3A_639 : vector<16xi32>
    %mul3A_641 = arith.constant 100 : i32
    %mul3A_642 = vector.broadcast %mul3A_641 : i32 to vector<16xi32>
    %mul3A_643 = arith.muli %add3A_640, %mul3A_642 : vector<16xi32>
    %get3A_644 = arith.constant 480 : index
    %get3A_645 = tpu.vector_load %arg18[%get3A_644] {strides = array<i32>} : memref<512xi32, #tpu.memory_space<vmem>>, vector<16xi32>,
    %get3A_646 = vector.shape_cast %get3A_645 : vector<16xi32> to vector<16xi32>
    %add3A_647 = arith.addi %mul3A_643, %get3A_646 : vector<16xi32>
    %swap3A_648 = arith.constant 480 : index
    %swap3A_649 = tpu.vector_load %arg19[%swap3A_648] {strides = array<i32>} : memref<512xi32, #tpu.memory_space<vmem>>, vector<16xi32>,
    %swap3A_650 = vector.shape_cast %swap3A_649 : vector<16xi32> to vector<16xi32>
    %swap3A_651 = vector.shape_cast %add3A_647 : vector<16xi32> to vector<16xi32>
    tpu.vector_store %arg19[%swap3A_648], %swap3A_651 {strides = array<i32>} : memref<512xi32, #tpu.memory_space<vmem>>, vector<16xi32>,
    %get3A_652 = arith.constant 496 : index
    %get3A_653 = tpu.vector_load %arg16[%get3A_652] {strides = array<i32>} : memref<512xi32, #tpu.memory_space<vmem>>, vector<16xi32>,
    %get3A_654 = vector.shape_cast %get3A_653 : vector<16xi32> to vector<16xi32>
    %mul3A_655 = arith.constant 16 : i32
    %mul3A_656 = vector.broadcast %mul3A_655 : i32 to vector<16xi32>
    %mul3A_657 = arith.muli %get3A_654, %mul3A_656 : vector<16xi32>
    %get3A_658 = arith.constant 496 : index
    %get3A_659 = tpu.vector_load %arg17[%get3A_658] {strides = array<i32>} : memref<512xi32, #tpu.memory_space<vmem>>, vector<16xi32>,
    %get3A_660 = vector.shape_cast %get3A_659 : vector<16xi32> to vector<16xi32>
    %add3A_661 = arith.addi %mul3A_657, %get3A_660 : vector<16xi32>
    %mul3A_662 = arith.constant 100 : i32
    %mul3A_663 = vector.broadcast %mul3A_662 : i32 to vector<16xi32>
    %mul3A_664 = arith.muli %add3A_661, %mul3A_663 : vector<16xi32>
    %get3A_665 = arith.constant 496 : index
    %get3A_666 = tpu.vector_load %arg18[%get3A_665] {strides = array<i32>} : memref<512xi32, #tpu.memory_space<vmem>>, vector<16xi32>,
    %get3A_667 = vector.shape_cast %get3A_666 : vector<16xi32> to vector<16xi32>
    %add3A_668 = arith.addi %mul3A_664, %get3A_667 : vector<16xi32>
    %swap3A_669 = arith.constant 496 : index
    %swap3A_670 = tpu.vector_load %arg19[%swap3A_669] {strides = array<i32>} : memref<512xi32, #tpu.memory_space<vmem>>, vector<16xi32>,
    %swap3A_671 = vector.shape_cast %swap3A_670 : vector<16xi32> to vector<16xi32>
    %swap3A_672 = vector.shape_cast %add3A_668 : vector<16xi32> to vector<16xi32>
    tpu.vector_store %arg19[%swap3A_669], %swap3A_672 {strides = array<i32>} : memref<512xi32, #tpu.memory_space<vmem>>, vector<16xi32>,
    %dma_start3A = arith.constant 0 : i32
    %dma_start3A_673 = tpu.memref_slice %arg5[%dma_start3A] : memref<1600000xf32, #tpu.memory_space<hbm>> -> memref<1600000xf32, #tpu.memory_space<hbm>>
    tpu.enqueue_indirect_dma source(%dma_start3A_673 : memref<1600000xf32, #tpu.memory_space<hbm>>) target(%arg20 : memref<512xf32, #tpu.memory_space<vmem>>) offsets(%arg19 : memref<512xi32, #tpu.memory_space<vmem>>) semaphore(%arg28 : memref<!tpu.dma_semaphore, #tpu.memory_space<semaphore_mem>>)
    %dma_start3A_674 = arith.constant 0 : i32
    %dma_start3A_675 = tpu.memref_slice %arg6[%dma_start3A_674] : memref<1600000xf32, #tpu.memory_space<hbm>> -> memref<1600000xf32, #tpu.memory_space<hbm>>
    tpu.enqueue_indirect_dma source(%dma_start3A_675 : memref<1600000xf32, #tpu.memory_space<hbm>>) target(%arg21 : memref<512xf32, #tpu.memory_space<vmem>>) offsets(%arg19 : memref<512xi32, #tpu.memory_space<vmem>>) semaphore(%arg28 : memref<!tpu.dma_semaphore, #tpu.memory_space<semaphore_mem>>)
    %dma_start3A_676 = arith.constant 0 : i32
    %dma_start3A_677 = tpu.memref_slice %arg7[%dma_start3A_676] : memref<1600000xf32, #tpu.memory_space<hbm>> -> memref<1600000xf32, #tpu.memory_space<hbm>>
    tpu.enqueue_indirect_dma source(%dma_start3A_677 : memref<1600000xf32, #tpu.memory_space<hbm>>) target(%arg22 : memref<512xf32, #tpu.memory_space<vmem>>) offsets(%arg19 : memref<512xi32, #tpu.memory_space<vmem>>) semaphore(%arg28 : memref<!tpu.dma_semaphore, #tpu.memory_space<semaphore_mem>>)
    %dma_start3A_678 = arith.constant 0 : i32
    %dma_start3A_679 = tpu.memref_slice %arg8[%dma_start3A_678] : memref<1600000xf32, #tpu.memory_space<hbm>> -> memref<1600000xf32, #tpu.memory_space<hbm>>
    tpu.enqueue_indirect_dma source(%dma_start3A_679 : memref<1600000xf32, #tpu.memory_space<hbm>>) target(%arg23 : memref<512xf32, #tpu.memory_space<vmem>>) offsets(%arg19 : memref<512xi32, #tpu.memory_space<vmem>>) semaphore(%arg28 : memref<!tpu.dma_semaphore, #tpu.memory_space<semaphore_mem>>)
    %dma_start3A_680 = arith.constant 0 : i32
    %dma_start3A_681 = tpu.memref_slice %arg9[%dma_start3A_680] : memref<1600000xf32, #tpu.memory_space<hbm>> -> memref<1600000xf32, #tpu.memory_space<hbm>>
    tpu.enqueue_indirect_dma source(%dma_start3A_681 : memref<1600000xf32, #tpu.memory_space<hbm>>) target(%arg24 : memref<512xf32, #tpu.memory_space<vmem>>) offsets(%arg19 : memref<512xi32, #tpu.memory_space<vmem>>) semaphore(%arg28 : memref<!tpu.dma_semaphore, #tpu.memory_space<semaphore_mem>>)
    %dma_start3A_682 = arith.constant 0 : i32
    %dma_start3A_683 = tpu.memref_slice %arg10[%dma_start3A_682] : memref<100xf32, #tpu.memory_space<hbm>> -> memref<100xf32, #tpu.memory_space<hbm>>
    tpu.enqueue_indirect_dma source(%dma_start3A_683 : memref<100xf32, #tpu.memory_space<hbm>>) target(%arg25 : memref<512xf32, #tpu.memory_space<vmem>>) offsets(%arg18 : memref<512xi32, #tpu.memory_space<vmem>>) semaphore(%arg28 : memref<!tpu.dma_semaphore, #tpu.memory_space<semaphore_mem>>)
    %dma_wait3A = arith.constant 0 : i32
    %dma_wait3A_684 = tpu.memref_slice %arg5[%dma_wait3A] : memref<1600000xf32, #tpu.memory_space<hbm>> -> memref<1600000xf32, #tpu.memory_space<hbm>>
    tpu.wait_indirect_dma semaphore(%arg28 : memref<!tpu.dma_semaphore, #tpu.memory_space<semaphore_mem>>) src(%dma_wait3A_684 : memref<1600000xf32, #tpu.memory_space<hbm>>) dst(%arg20 : memref<512xf32, #tpu.memory_space<vmem>>)
    %dma_wait3A_685 = arith.constant 0 : i32
    %dma_wait3A_686 = tpu.memref_slice %arg6[%dma_wait3A_685] : memref<1600000xf32, #tpu.memory_space<hbm>> -> memref<1600000xf32, #tpu.memory_space<hbm>>
    tpu.wait_indirect_dma semaphore(%arg28 : memref<!tpu.dma_semaphore, #tpu.memory_space<semaphore_mem>>) src(%dma_wait3A_686 : memref<1600000xf32, #tpu.memory_space<hbm>>) dst(%arg21 : memref<512xf32, #tpu.memory_space<vmem>>)
    %dma_wait3A_687 = arith.constant 0 : i32
    %dma_wait3A_688 = tpu.memref_slice %arg7[%dma_wait3A_687] : memref<1600000xf32, #tpu.memory_space<hbm>> -> memref<1600000xf32, #tpu.memory_space<hbm>>
    tpu.wait_indirect_dma semaphore(%arg28 : memref<!tpu.dma_semaphore, #tpu.memory_space<semaphore_mem>>) src(%dma_wait3A_688 : memref<1600000xf32, #tpu.memory_space<hbm>>) dst(%arg22 : memref<512xf32, #tpu.memory_space<vmem>>)
    %dma_wait3A_689 = arith.constant 0 : i32
    %dma_wait3A_690 = tpu.memref_slice %arg8[%dma_wait3A_689] : memref<1600000xf32, #tpu.memory_space<hbm>> -> memref<1600000xf32, #tpu.memory_space<hbm>>
    tpu.wait_indirect_dma semaphore(%arg28 : memref<!tpu.dma_semaphore, #tpu.memory_space<semaphore_mem>>) src(%dma_wait3A_690 : memref<1600000xf32, #tpu.memory_space<hbm>>) dst(%arg23 : memref<512xf32, #tpu.memory_space<vmem>>)
    %dma_wait3A_691 = arith.constant 0 : i32
    %dma_wait3A_692 = tpu.memref_slice %arg9[%dma_wait3A_691] : memref<1600000xf32, #tpu.memory_space<hbm>> -> memref<1600000xf32, #tpu.memory_space<hbm>>
    tpu.wait_indirect_dma semaphore(%arg28 : memref<!tpu.dma_semaphore, #tpu.memory_space<semaphore_mem>>) src(%dma_wait3A_692 : memref<1600000xf32, #tpu.memory_space<hbm>>) dst(%arg24 : memref<512xf32, #tpu.memory_space<vmem>>)
    %dma_wait3A_693 = arith.constant 0 : i32
    %dma_wait3A_694 = tpu.memref_slice %arg10[%dma_wait3A_693] : memref<100xf32, #tpu.memory_space<hbm>> -> memref<100xf32, #tpu.memory_space<hbm>>
    tpu.wait_indirect_dma semaphore(%arg28 : memref<!tpu.dma_semaphore, #tpu.memory_space<semaphore_mem>>) src(%dma_wait3A_694 : memref<100xf32, #tpu.memory_space<hbm>>) dst(%arg25 : memref<512xf32, #tpu.memory_space<vmem>>)
    %get3A_695 = arith.constant 0 : index
    %get3A_696 = tpu.vector_load %arg21[%get3A_695] {strides = array<i32>} : memref<512xf32, #tpu.memory_space<vmem>>, vector<16xf32>,
    %get3A_697 = vector.shape_cast %get3A_696 : vector<16xf32> to vector<16xf32>
    %max3A = arith.constant -5.000000e+00 : f32
    %max3A_698 = vector.broadcast %max3A : f32 to vector<16xf32>
    %max3A_699 = arith.maximumf %get3A_697, %max3A_698 : vector<16xf32>
    %min3A = arith.constant 5.000000e+00 : f32
    %min3A_700 = vector.broadcast %min3A : f32 to vector<16xf32>
    %min3A_701 = arith.minimumf %max3A_699, %min3A_700 : vector<16xf32>
    %get3A_702 = arith.constant 0 : index
    %get3A_703 = tpu.vector_load %arg20[%get3A_702] {strides = array<i32>} : memref<512xf32, #tpu.memory_space<vmem>>, vector<16xf32>,
    %get3A_704 = vector.shape_cast %get3A_703 : vector<16xf32> to vector<16xf32>
    %add3A_705 = arith.addf %get3A_704, %min3A_701 : vector<16xf32>
    %swap3A_706 = arith.constant 0 : index
    %swap3A_707 = tpu.vector_load %arg26[%swap3A_706] {strides = array<i32>} : memref<512xf32, #tpu.memory_space<vmem>>, vector<16xf32>,
    %swap3A_708 = vector.shape_cast %swap3A_707 : vector<16xf32> to vector<16xf32>
    %swap3A_709 = vector.shape_cast %add3A_705 : vector<16xf32> to vector<16xf32>
    tpu.vector_store %arg26[%swap3A_706], %swap3A_709 {strides = array<i32>} : memref<512xf32, #tpu.memory_space<vmem>>, vector<16xf32>,
    %get3A_710 = arith.constant 0 : index
    %get3A_711 = tpu.vector_load %arg25[%get3A_710] {strides = array<i32>} : memref<512xf32, #tpu.memory_space<vmem>>, vector<16xf32>,
    %get3A_712 = vector.shape_cast %get3A_711 : vector<16xf32> to vector<16xf32>
    %abs3A = math.absf %get3A_712 : vector<16xf32>
    %max3A_713 = arith.constant 1.000000e-01 : f32
    %max3A_714 = vector.broadcast %max3A_713 : f32 to vector<16xf32>
    %max3A_715 = arith.maximumf %abs3A, %max3A_714 : vector<16xf32>
    %div3A = arith.constant 1.000000e+00 : f32
    %div3A_716 = vector.broadcast %div3A : f32 to vector<16xf32>
    %div3A_717 = arith.divf %div3A_716, %max3A_715 : vector<16xf32>
    %swap3A_718 = arith.constant 0 : index
    %swap3A_719 = tpu.vector_load %arg27[%swap3A_718] {strides = array<i32>} : memref<512xf32, #tpu.memory_space<vmem>>, vector<16xf32>,
    %swap3A_720 = vector.shape_cast %swap3A_719 : vector<16xf32> to vector<16xf32>
    %swap3A_721 = vector.shape_cast %div3A_717 : vector<16xf32> to vector<16xf32>
    tpu.vector_store %arg27[%swap3A_718], %swap3A_721 {strides = array<i32>} : memref<512xf32, #tpu.memory_space<vmem>>, vector<16xf32>,
    %get3A_722 = arith.constant 16 : index
    %get3A_723 = tpu.vector_load %arg21[%get3A_722] {strides = array<i32>} : memref<512xf32, #tpu.memory_space<vmem>>, vector<16xf32>,
    %get3A_724 = vector.shape_cast %get3A_723 : vector<16xf32> to vector<16xf32>
    %max3A_725 = arith.constant -5.000000e+00 : f32
    %max3A_726 = vector.broadcast %max3A_725 : f32 to vector<16xf32>
    %max3A_727 = arith.maximumf %get3A_724, %max3A_726 : vector<16xf32>
    %min3A_728 = arith.constant 5.000000e+00 : f32
    %min3A_729 = vector.broadcast %min3A_728 : f32 to vector<16xf32>
    %min3A_730 = arith.minimumf %max3A_727, %min3A_729 : vector<16xf32>
    %get3A_731 = arith.constant 16 : index
    %get3A_732 = tpu.vector_load %arg20[%get3A_731] {strides = array<i32>} : memref<512xf32, #tpu.memory_space<vmem>>, vector<16xf32>,
    %get3A_733 = vector.shape_cast %get3A_732 : vector<16xf32> to vector<16xf32>
    %add3A_734 = arith.addf %get3A_733, %min3A_730 : vector<16xf32>
    %swap3A_735 = arith.constant 16 : index
    %swap3A_736 = tpu.vector_load %arg26[%swap3A_735] {strides = array<i32>} : memref<512xf32, #tpu.memory_space<vmem>>, vector<16xf32>,
    %swap3A_737 = vector.shape_cast %swap3A_736 : vector<16xf32> to vector<16xf32>
    %swap3A_738 = vector.shape_cast %add3A_734 : vector<16xf32> to vector<16xf32>
    tpu.vector_store %arg26[%swap3A_735], %swap3A_738 {strides = array<i32>} : memref<512xf32, #tpu.memory_space<vmem>>, vector<16xf32>,
    %get3A_739 = arith.constant 16 : index
    %get3A_740 = tpu.vector_load %arg25[%get3A_739] {strides = array<i32>} : memref<512xf32, #tpu.memory_space<vmem>>, vector<16xf32>,
    %get3A_741 = vector.shape_cast %get3A_740 : vector<16xf32> to vector<16xf32>
    %abs3A_742 = math.absf %get3A_741 : vector<16xf32>
    %max3A_743 = arith.constant 1.000000e-01 : f32
    %max3A_744 = vector.broadcast %max3A_743 : f32 to vector<16xf32>
    %max3A_745 = arith.maximumf %abs3A_742, %max3A_744 : vector<16xf32>
    %div3A_746 = arith.constant 1.000000e+00 : f32
    %div3A_747 = vector.broadcast %div3A_746 : f32 to vector<16xf32>
    %div3A_748 = arith.divf %div3A_747, %max3A_745 : vector<16xf32>
    %swap3A_749 = arith.constant 16 : index
    %swap3A_750 = tpu.vector_load %arg27[%swap3A_749] {strides = array<i32>} : memref<512xf32, #tpu.memory_space<vmem>>, vector<16xf32>,
    %swap3A_751 = vector.shape_cast %swap3A_750 : vector<16xf32> to vector<16xf32>
    %swap3A_752 = vector.shape_cast %div3A_748 : vector<16xf32> to vector<16xf32>
    tpu.vector_store %arg27[%swap3A_749], %swap3A_752 {strides = array<i32>} : memref<512xf32, #tpu.memory_space<vmem>>, vector<16xf32>,
    %get3A_753 = arith.constant 32 : index
    %get3A_754 = tpu.vector_load %arg21[%get3A_753] {strides = array<i32>} : memref<512xf32, #tpu.memory_space<vmem>>, vector<16xf32>,
    %get3A_755 = vector.shape_cast %get3A_754 : vector<16xf32> to vector<16xf32>
    %max3A_756 = arith.constant -5.000000e+00 : f32
    %max3A_757 = vector.broadcast %max3A_756 : f32 to vector<16xf32>
    %max3A_758 = arith.maximumf %get3A_755, %max3A_757 : vector<16xf32>
    %min3A_759 = arith.constant 5.000000e+00 : f32
    %min3A_760 = vector.broadcast %min3A_759 : f32 to vector<16xf32>
    %min3A_761 = arith.minimumf %max3A_758, %min3A_760 : vector<16xf32>
    %get3A_762 = arith.constant 32 : index
    %get3A_763 = tpu.vector_load %arg20[%get3A_762] {strides = array<i32>} : memref<512xf32, #tpu.memory_space<vmem>>, vector<16xf32>,
    %get3A_764 = vector.shape_cast %get3A_763 : vector<16xf32> to vector<16xf32>
    %add3A_765 = arith.addf %get3A_764, %min3A_761 : vector<16xf32>
    %swap3A_766 = arith.constant 32 : index
    %swap3A_767 = tpu.vector_load %arg26[%swap3A_766] {strides = array<i32>} : memref<512xf32, #tpu.memory_space<vmem>>, vector<16xf32>,
    %swap3A_768 = vector.shape_cast %swap3A_767 : vector<16xf32> to vector<16xf32>
    %swap3A_769 = vector.shape_cast %add3A_765 : vector<16xf32> to vector<16xf32>
    tpu.vector_store %arg26[%swap3A_766], %swap3A_769 {strides = array<i32>} : memref<512xf32, #tpu.memory_space<vmem>>, vector<16xf32>,
    %get3A_770 = arith.constant 32 : index
    %get3A_771 = tpu.vector_load %arg25[%get3A_770] {strides = array<i32>} : memref<512xf32, #tpu.memory_space<vmem>>, vector<16xf32>,
    %get3A_772 = vector.shape_cast %get3A_771 : vector<16xf32> to vector<16xf32>
    %abs3A_773 = math.absf %get3A_772 : vector<16xf32>
    %max3A_774 = arith.constant 1.000000e-01 : f32
    %max3A_775 = vector.broadcast %max3A_774 : f32 to vector<16xf32>
    %max3A_776 = arith.maximumf %abs3A_773, %max3A_775 : vector<16xf32>
    %div3A_777 = arith.constant 1.000000e+00 : f32
    %div3A_778 = vector.broadcast %div3A_777 : f32 to vector<16xf32>
    %div3A_779 = arith.divf %div3A_778, %max3A_776 : vector<16xf32>
    %swap3A_780 = arith.constant 32 : index
    %swap3A_781 = tpu.vector_load %arg27[%swap3A_780] {strides = array<i32>} : memref<512xf32, #tpu.memory_space<vmem>>, vector<16xf32>,
    %swap3A_782 = vector.shape_cast %swap3A_781 : vector<16xf32> to vector<16xf32>
    %swap3A_783 = vector.shape_cast %div3A_779 : vector<16xf32> to vector<16xf32>
    tpu.vector_store %arg27[%swap3A_780], %swap3A_783 {strides = array<i32>} : memref<512xf32, #tpu.memory_space<vmem>>, vector<16xf32>,
    %get3A_784 = arith.constant 48 : index
    %get3A_785 = tpu.vector_load %arg21[%get3A_784] {strides = array<i32>} : memref<512xf32, #tpu.memory_space<vmem>>, vector<16xf32>,
    %get3A_786 = vector.shape_cast %get3A_785 : vector<16xf32> to vector<16xf32>
    %max3A_787 = arith.constant -5.000000e+00 : f32
    %max3A_788 = vector.broadcast %max3A_787 : f32 to vector<16xf32>
    %max3A_789 = arith.maximumf %get3A_786, %max3A_788 : vector<16xf32>
    %min3A_790 = arith.constant 5.000000e+00 : f32
    %min3A_791 = vector.broadcast %min3A_790 : f32 to vector<16xf32>
    %min3A_792 = arith.minimumf %max3A_789, %min3A_791 : vector<16xf32>
    %get3A_793 = arith.constant 48 : index
    %get3A_794 = tpu.vector_load %arg20[%get3A_793] {strides = array<i32>} : memref<512xf32, #tpu.memory_space<vmem>>, vector<16xf32>,
    %get3A_795 = vector.shape_cast %get3A_794 : vector<16xf32> to vector<16xf32>
    %add3A_796 = arith.addf %get3A_795, %min3A_792 : vector<16xf32>
    %swap3A_797 = arith.constant 48 : index
    %swap3A_798 = tpu.vector_load %arg26[%swap3A_797] {strides = array<i32>} : memref<512xf32, #tpu.memory_space<vmem>>, vector<16xf32>,
    %swap3A_799 = vector.shape_cast %swap3A_798 : vector<16xf32> to vector<16xf32>
    %swap3A_800 = vector.shape_cast %add3A_796 : vector<16xf32> to vector<16xf32>
    tpu.vector_store %arg26[%swap3A_797], %swap3A_800 {strides = array<i32>} : memref<512xf32, #tpu.memory_space<vmem>>, vector<16xf32>,
    %get3A_801 = arith.constant 48 : index
    %get3A_802 = tpu.vector_load %arg25[%get3A_801] {strides = array<i32>} : memref<512xf32, #tpu.memory_space<vmem>>, vector<16xf32>,
    %get3A_803 = vector.shape_cast %get3A_802 : vector<16xf32> to vector<16xf32>
    %abs3A_804 = math.absf %get3A_803 : vector<16xf32>
    %max3A_805 = arith.constant 1.000000e-01 : f32
    %max3A_806 = vector.broadcast %max3A_805 : f32 to vector<16xf32>
    %max3A_807 = arith.maximumf %abs3A_804, %max3A_806 : vector<16xf32>
    %div3A_808 = arith.constant 1.000000e+00 : f32
    %div3A_809 = vector.broadcast %div3A_808 : f32 to vector<16xf32>
    %div3A_810 = arith.divf %div3A_809, %max3A_807 : vector<16xf32>
    %swap3A_811 = arith.constant 48 : index
    %swap3A_812 = tpu.vector_load %arg27[%swap3A_811] {strides = array<i32>} : memref<512xf32, #tpu.memory_space<vmem>>, vector<16xf32>,
    %swap3A_813 = vector.shape_cast %swap3A_812 : vector<16xf32> to vector<16xf32>
    %swap3A_814 = vector.shape_cast %div3A_810 : vector<16xf32> to vector<16xf32>
    tpu.vector_store %arg27[%swap3A_811], %swap3A_814 {strides = array<i32>} : memref<512xf32, #tpu.memory_space<vmem>>, vector<16xf32>,
    %get3A_815 = arith.constant 64 : index
    %get3A_816 = tpu.vector_load %arg21[%get3A_815] {strides = array<i32>} : memref<512xf32, #tpu.memory_space<vmem>>, vector<16xf32>,
    %get3A_817 = vector.shape_cast %get3A_816 : vector<16xf32> to vector<16xf32>
    %max3A_818 = arith.constant -5.000000e+00 : f32
    %max3A_819 = vector.broadcast %max3A_818 : f32 to vector<16xf32>
    %max3A_820 = arith.maximumf %get3A_817, %max3A_819 : vector<16xf32>
    %min3A_821 = arith.constant 5.000000e+00 : f32
    %min3A_822 = vector.broadcast %min3A_821 : f32 to vector<16xf32>
    %min3A_823 = arith.minimumf %max3A_820, %min3A_822 : vector<16xf32>
    %get3A_824 = arith.constant 64 : index
    %get3A_825 = tpu.vector_load %arg20[%get3A_824] {strides = array<i32>} : memref<512xf32, #tpu.memory_space<vmem>>, vector<16xf32>,
    %get3A_826 = vector.shape_cast %get3A_825 : vector<16xf32> to vector<16xf32>
    %add3A_827 = arith.addf %get3A_826, %min3A_823 : vector<16xf32>
    %swap3A_828 = arith.constant 64 : index
    %swap3A_829 = tpu.vector_load %arg26[%swap3A_828] {strides = array<i32>} : memref<512xf32, #tpu.memory_space<vmem>>, vector<16xf32>,
    %swap3A_830 = vector.shape_cast %swap3A_829 : vector<16xf32> to vector<16xf32>
    %swap3A_831 = vector.shape_cast %add3A_827 : vector<16xf32> to vector<16xf32>
    tpu.vector_store %arg26[%swap3A_828], %swap3A_831 {strides = array<i32>} : memref<512xf32, #tpu.memory_space<vmem>>, vector<16xf32>,
    %get3A_832 = arith.constant 64 : index
    %get3A_833 = tpu.vector_load %arg25[%get3A_832] {strides = array<i32>} : memref<512xf32, #tpu.memory_space<vmem>>, vector<16xf32>,
    %get3A_834 = vector.shape_cast %get3A_833 : vector<16xf32> to vector<16xf32>
    %abs3A_835 = math.absf %get3A_834 : vector<16xf32>
    %max3A_836 = arith.constant 1.000000e-01 : f32
    %max3A_837 = vector.broadcast %max3A_836 : f32 to vector<16xf32>
    %max3A_838 = arith.maximumf %abs3A_835, %max3A_837 : vector<16xf32>
    %div3A_839 = arith.constant 1.000000e+00 : f32
    %div3A_840 = vector.broadcast %div3A_839 : f32 to vector<16xf32>
    %div3A_841 = arith.divf %div3A_840, %max3A_838 : vector<16xf32>
    %swap3A_842 = arith.constant 64 : index
    %swap3A_843 = tpu.vector_load %arg27[%swap3A_842] {strides = array<i32>} : memref<512xf32, #tpu.memory_space<vmem>>, vector<16xf32>,
    %swap3A_844 = vector.shape_cast %swap3A_843 : vector<16xf32> to vector<16xf32>
    %swap3A_845 = vector.shape_cast %div3A_841 : vector<16xf32> to vector<16xf32>
    tpu.vector_store %arg27[%swap3A_842], %swap3A_845 {strides = array<i32>} : memref<512xf32, #tpu.memory_space<vmem>>, vector<16xf32>,
    %get3A_846 = arith.constant 80 : index
    %get3A_847 = tpu.vector_load %arg21[%get3A_846] {strides = array<i32>} : memref<512xf32, #tpu.memory_space<vmem>>, vector<16xf32>,
    %get3A_848 = vector.shape_cast %get3A_847 : vector<16xf32> to vector<16xf32>
    %max3A_849 = arith.constant -5.000000e+00 : f32
    %max3A_850 = vector.broadcast %max3A_849 : f32 to vector<16xf32>
    %max3A_851 = arith.maximumf %get3A_848, %max3A_850 : vector<16xf32>
    %min3A_852 = arith.constant 5.000000e+00 : f32
    %min3A_853 = vector.broadcast %min3A_852 : f32 to vector<16xf32>
    %min3A_854 = arith.minimumf %max3A_851, %min3A_853 : vector<16xf32>
    %get3A_855 = arith.constant 80 : index
    %get3A_856 = tpu.vector_load %arg20[%get3A_855] {strides = array<i32>} : memref<512xf32, #tpu.memory_space<vmem>>, vector<16xf32>,
    %get3A_857 = vector.shape_cast %get3A_856 : vector<16xf32> to vector<16xf32>
    %add3A_858 = arith.addf %get3A_857, %min3A_854 : vector<16xf32>
    %swap3A_859 = arith.constant 80 : index
    %swap3A_860 = tpu.vector_load %arg26[%swap3A_859] {strides = array<i32>} : memref<512xf32, #tpu.memory_space<vmem>>, vector<16xf32>,
    %swap3A_861 = vector.shape_cast %swap3A_860 : vector<16xf32> to vector<16xf32>
    %swap3A_862 = vector.shape_cast %add3A_858 : vector<16xf32> to vector<16xf32>
    tpu.vector_store %arg26[%swap3A_859], %swap3A_862 {strides = array<i32>} : memref<512xf32, #tpu.memory_space<vmem>>, vector<16xf32>,
    %get3A_863 = arith.constant 80 : index
    %get3A_864 = tpu.vector_load %arg25[%get3A_863] {strides = array<i32>} : memref<512xf32, #tpu.memory_space<vmem>>, vector<16xf32>,
    %get3A_865 = vector.shape_cast %get3A_864 : vector<16xf32> to vector<16xf32>
    %abs3A_866 = math.absf %get3A_865 : vector<16xf32>
    %max3A_867 = arith.constant 1.000000e-01 : f32
    %max3A_868 = vector.broadcast %max3A_867 : f32 to vector<16xf32>
    %max3A_869 = arith.maximumf %abs3A_866, %max3A_868 : vector<16xf32>
    %div3A_870 = arith.constant 1.000000e+00 : f32
    %div3A_871 = vector.broadcast %div3A_870 : f32 to vector<16xf32>
    %div3A_872 = arith.divf %div3A_871, %max3A_869 : vector<16xf32>
    %swap3A_873 = arith.constant 80 : index
    %swap3A_874 = tpu.vector_load %arg27[%swap3A_873] {strides = array<i32>} : memref<512xf32, #tpu.memory_space<vmem>>, vector<16xf32>,
    %swap3A_875 = vector.shape_cast %swap3A_874 : vector<16xf32> to vector<16xf32>
    %swap3A_876 = vector.shape_cast %div3A_872 : vector<16xf32> to vector<16xf32>
    tpu.vector_store %arg27[%swap3A_873], %swap3A_876 {strides = array<i32>} : memref<512xf32, #tpu.memory_space<vmem>>, vector<16xf32>,
    %get3A_877 = arith.constant 96 : index
    %get3A_878 = tpu.vector_load %arg21[%get3A_877] {strides = array<i32>} : memref<512xf32, #tpu.memory_space<vmem>>, vector<16xf32>,
    %get3A_879 = vector.shape_cast %get3A_878 : vector<16xf32> to vector<16xf32>
    %max3A_880 = arith.constant -5.000000e+00 : f32
    %max3A_881 = vector.broadcast %max3A_880 : f32 to vector<16xf32>
    %max3A_882 = arith.maximumf %get3A_879, %max3A_881 : vector<16xf32>
    %min3A_883 = arith.constant 5.000000e+00 : f32
    %min3A_884 = vector.broadcast %min3A_883 : f32 to vector<16xf32>
    %min3A_885 = arith.minimumf %max3A_882, %min3A_884 : vector<16xf32>
    %get3A_886 = arith.constant 96 : index
    %get3A_887 = tpu.vector_load %arg20[%get3A_886] {strides = array<i32>} : memref<512xf32, #tpu.memory_space<vmem>>, vector<16xf32>,
    %get3A_888 = vector.shape_cast %get3A_887 : vector<16xf32> to vector<16xf32>
    %add3A_889 = arith.addf %get3A_888, %min3A_885 : vector<16xf32>
    %swap3A_890 = arith.constant 96 : index
    %swap3A_891 = tpu.vector_load %arg26[%swap3A_890] {strides = array<i32>} : memref<512xf32, #tpu.memory_space<vmem>>, vector<16xf32>,
    %swap3A_892 = vector.shape_cast %swap3A_891 : vector<16xf32> to vector<16xf32>
    %swap3A_893 = vector.shape_cast %add3A_889 : vector<16xf32> to vector<16xf32>
    tpu.vector_store %arg26[%swap3A_890], %swap3A_893 {strides = array<i32>} : memref<512xf32, #tpu.memory_space<vmem>>, vector<16xf32>,
    %get3A_894 = arith.constant 96 : index
    %get3A_895 = tpu.vector_load %arg25[%get3A_894] {strides = array<i32>} : memref<512xf32, #tpu.memory_space<vmem>>, vector<16xf32>,
    %get3A_896 = vector.shape_cast %get3A_895 : vector<16xf32> to vector<16xf32>
    %abs3A_897 = math.absf %get3A_896 : vector<16xf32>
    %max3A_898 = arith.constant 1.000000e-01 : f32
    %max3A_899 = vector.broadcast %max3A_898 : f32 to vector<16xf32>
    %max3A_900 = arith.maximumf %abs3A_897, %max3A_899 : vector<16xf32>
    %div3A_901 = arith.constant 1.000000e+00 : f32
    %div3A_902 = vector.broadcast %div3A_901 : f32 to vector<16xf32>
    %div3A_903 = arith.divf %div3A_902, %max3A_900 : vector<16xf32>
    %swap3A_904 = arith.constant 96 : index
    %swap3A_905 = tpu.vector_load %arg27[%swap3A_904] {strides = array<i32>} : memref<512xf32, #tpu.memory_space<vmem>>, vector<16xf32>,
    %swap3A_906 = vector.shape_cast %swap3A_905 : vector<16xf32> to vector<16xf32>
    %swap3A_907 = vector.shape_cast %div3A_903 : vector<16xf32> to vector<16xf32>
    tpu.vector_store %arg27[%swap3A_904], %swap3A_907 {strides = array<i32>} : memref<512xf32, #tpu.memory_space<vmem>>, vector<16xf32>,
    %get3A_908 = arith.constant 112 : index
    %get3A_909 = tpu.vector_load %arg21[%get3A_908] {strides = array<i32>} : memref<512xf32, #tpu.memory_space<vmem>>, vector<16xf32>,
    %get3A_910 = vector.shape_cast %get3A_909 : vector<16xf32> to vector<16xf32>
    %max3A_911 = arith.constant -5.000000e+00 : f32
    %max3A_912 = vector.broadcast %max3A_911 : f32 to vector<16xf32>
    %max3A_913 = arith.maximumf %get3A_910, %max3A_912 : vector<16xf32>
    %min3A_914 = arith.constant 5.000000e+00 : f32
    %min3A_915 = vector.broadcast %min3A_914 : f32 to vector<16xf32>
    %min3A_916 = arith.minimumf %max3A_913, %min3A_915 : vector<16xf32>
    %get3A_917 = arith.constant 112 : index
    %get3A_918 = tpu.vector_load %arg20[%get3A_917] {strides = array<i32>} : memref<512xf32, #tpu.memory_space<vmem>>, vector<16xf32>,
    %get3A_919 = vector.shape_cast %get3A_918 : vector<16xf32> to vector<16xf32>
    %add3A_920 = arith.addf %get3A_919, %min3A_916 : vector<16xf32>
    %swap3A_921 = arith.constant 112 : index
    %swap3A_922 = tpu.vector_load %arg26[%swap3A_921] {strides = array<i32>} : memref<512xf32, #tpu.memory_space<vmem>>, vector<16xf32>,
    %swap3A_923 = vector.shape_cast %swap3A_922 : vector<16xf32> to vector<16xf32>
    %swap3A_924 = vector.shape_cast %add3A_920 : vector<16xf32> to vector<16xf32>
    tpu.vector_store %arg26[%swap3A_921], %swap3A_924 {strides = array<i32>} : memref<512xf32, #tpu.memory_space<vmem>>, vector<16xf32>,
    %get3A_925 = arith.constant 112 : index
    %get3A_926 = tpu.vector_load %arg25[%get3A_925] {strides = array<i32>} : memref<512xf32, #tpu.memory_space<vmem>>, vector<16xf32>,
    %get3A_927 = vector.shape_cast %get3A_926 : vector<16xf32> to vector<16xf32>
    %abs3A_928 = math.absf %get3A_927 : vector<16xf32>
    %max3A_929 = arith.constant 1.000000e-01 : f32
    %max3A_930 = vector.broadcast %max3A_929 : f32 to vector<16xf32>
    %max3A_931 = arith.maximumf %abs3A_928, %max3A_930 : vector<16xf32>
    %div3A_932 = arith.constant 1.000000e+00 : f32
    %div3A_933 = vector.broadcast %div3A_932 : f32 to vector<16xf32>
    %div3A_934 = arith.divf %div3A_933, %max3A_931 : vector<16xf32>
    %swap3A_935 = arith.constant 112 : index
    %swap3A_936 = tpu.vector_load %arg27[%swap3A_935] {strides = array<i32>} : memref<512xf32, #tpu.memory_space<vmem>>, vector<16xf32>,
    %swap3A_937 = vector.shape_cast %swap3A_936 : vector<16xf32> to vector<16xf32>
    %swap3A_938 = vector.shape_cast %div3A_934 : vector<16xf32> to vector<16xf32>
    tpu.vector_store %arg27[%swap3A_935], %swap3A_938 {strides = array<i32>} : memref<512xf32, #tpu.memory_space<vmem>>, vector<16xf32>,
    %get3A_939 = arith.constant 128 : index
    %get3A_940 = tpu.vector_load %arg21[%get3A_939] {strides = array<i32>} : memref<512xf32, #tpu.memory_space<vmem>>, vector<16xf32>,
    %get3A_941 = vector.shape_cast %get3A_940 : vector<16xf32> to vector<16xf32>
    %max3A_942 = arith.constant -5.000000e+00 : f32
    %max3A_943 = vector.broadcast %max3A_942 : f32 to vector<16xf32>
    %max3A_944 = arith.maximumf %get3A_941, %max3A_943 : vector<16xf32>
    %min3A_945 = arith.constant 5.000000e+00 : f32
    %min3A_946 = vector.broadcast %min3A_945 : f32 to vector<16xf32>
    %min3A_947 = arith.minimumf %max3A_944, %min3A_946 : vector<16xf32>
    %get3A_948 = arith.constant 128 : index
    %get3A_949 = tpu.vector_load %arg20[%get3A_948] {strides = array<i32>} : memref<512xf32, #tpu.memory_space<vmem>>, vector<16xf32>,
    %get3A_950 = vector.shape_cast %get3A_949 : vector<16xf32> to vector<16xf32>
    %add3A_951 = arith.addf %get3A_950, %min3A_947 : vector<16xf32>
    %swap3A_952 = arith.constant 128 : index
    %swap3A_953 = tpu.vector_load %arg26[%swap3A_952] {strides = array<i32>} : memref<512xf32, #tpu.memory_space<vmem>>, vector<16xf32>,
    %swap3A_954 = vector.shape_cast %swap3A_953 : vector<16xf32> to vector<16xf32>
    %swap3A_955 = vector.shape_cast %add3A_951 : vector<16xf32> to vector<16xf32>
    tpu.vector_store %arg26[%swap3A_952], %swap3A_955 {strides = array<i32>} : memref<512xf32, #tpu.memory_space<vmem>>, vector<16xf32>,
    %get3A_956 = arith.constant 128 : index
    %get3A_957 = tpu.vector_load %arg25[%get3A_956] {strides = array<i32>} : memref<512xf32, #tpu.memory_space<vmem>>, vector<16xf32>,
    %get3A_958 = vector.shape_cast %get3A_957 : vector<16xf32> to vector<16xf32>
    %abs3A_959 = math.absf %get3A_958 : vector<16xf32>
    %max3A_960 = arith.constant 1.000000e-01 : f32
    %max3A_961 = vector.broadcast %max3A_960 : f32 to vector<16xf32>
    %max3A_962 = arith.maximumf %abs3A_959, %max3A_961 : vector<16xf32>
    %div3A_963 = arith.constant 1.000000e+00 : f32
    %div3A_964 = vector.broadcast %div3A_963 : f32 to vector<16xf32>
    %div3A_965 = arith.divf %div3A_964, %max3A_962 : vector<16xf32>
    %swap3A_966 = arith.constant 128 : index
    %swap3A_967 = tpu.vector_load %arg27[%swap3A_966] {strides = array<i32>} : memref<512xf32, #tpu.memory_space<vmem>>, vector<16xf32>,
    %swap3A_968 = vector.shape_cast %swap3A_967 : vector<16xf32> to vector<16xf32>
    %swap3A_969 = vector.shape_cast %div3A_965 : vector<16xf32> to vector<16xf32>
    tpu.vector_store %arg27[%swap3A_966], %swap3A_969 {strides = array<i32>} : memref<512xf32, #tpu.memory_space<vmem>>, vector<16xf32>,
    %get3A_970 = arith.constant 144 : index
    %get3A_971 = tpu.vector_load %arg21[%get3A_970] {strides = array<i32>} : memref<512xf32, #tpu.memory_space<vmem>>, vector<16xf32>,
    %get3A_972 = vector.shape_cast %get3A_971 : vector<16xf32> to vector<16xf32>
    %max3A_973 = arith.constant -5.000000e+00 : f32
    %max3A_974 = vector.broadcast %max3A_973 : f32 to vector<16xf32>
    %max3A_975 = arith.maximumf %get3A_972, %max3A_974 : vector<16xf32>
    %min3A_976 = arith.constant 5.000000e+00 : f32
    %min3A_977 = vector.broadcast %min3A_976 : f32 to vector<16xf32>
    %min3A_978 = arith.minimumf %max3A_975, %min3A_977 : vector<16xf32>
    %get3A_979 = arith.constant 144 : index
    %get3A_980 = tpu.vector_load %arg20[%get3A_979] {strides = array<i32>} : memref<512xf32, #tpu.memory_space<vmem>>, vector<16xf32>,
    %get3A_981 = vector.shape_cast %get3A_980 : vector<16xf32> to vector<16xf32>
    %add3A_982 = arith.addf %get3A_981, %min3A_978 : vector<16xf32>
    %swap3A_983 = arith.constant 144 : index
    %swap3A_984 = tpu.vector_load %arg26[%swap3A_983] {strides = array<i32>} : memref<512xf32, #tpu.memory_space<vmem>>, vector<16xf32>,
    %swap3A_985 = vector.shape_cast %swap3A_984 : vector<16xf32> to vector<16xf32>
    %swap3A_986 = vector.shape_cast %add3A_982 : vector<16xf32> to vector<16xf32>
    tpu.vector_store %arg26[%swap3A_983], %swap3A_986 {strides = array<i32>} : memref<512xf32, #tpu.memory_space<vmem>>, vector<16xf32>,
    %get3A_987 = arith.constant 144 : index
    %get3A_988 = tpu.vector_load %arg25[%get3A_987] {strides = array<i32>} : memref<512xf32, #tpu.memory_space<vmem>>, vector<16xf32>,
    %get3A_989 = vector.shape_cast %get3A_988 : vector<16xf32> to vector<16xf32>
    %abs3A_990 = math.absf %get3A_989 : vector<16xf32>
    %max3A_991 = arith.constant 1.000000e-01 : f32
    %max3A_992 = vector.broadcast %max3A_991 : f32 to vector<16xf32>
    %max3A_993 = arith.maximumf %abs3A_990, %max3A_992 : vector<16xf32>
    %div3A_994 = arith.constant 1.000000e+00 : f32
    %div3A_995 = vector.broadcast %div3A_994 : f32 to vector<16xf32>
    %div3A_996 = arith.divf %div3A_995, %max3A_993 : vector<16xf32>
    %swap3A_997 = arith.constant 144 : index
    %swap3A_998 = tpu.vector_load %arg27[%swap3A_997] {strides = array<i32>} : memref<512xf32, #tpu.memory_space<vmem>>, vector<16xf32>,
    %swap3A_999 = vector.shape_cast %swap3A_998 : vector<16xf32> to vector<16xf32>
    %swap3A_1000 = vector.shape_cast %div3A_996 : vector<16xf32> to vector<16xf32>
    tpu.vector_store %arg27[%swap3A_997], %swap3A_1000 {strides = array<i32>} : memref<512xf32, #tpu.memory_space<vmem>>, vector<16xf32>,
    %get3A_1001 = arith.constant 160 : index
    %get3A_1002 = tpu.vector_load %arg21[%get3A_1001] {strides = array<i32>} : memref<512xf32, #tpu.memory_space<vmem>>, vector<16xf32>,
    %get3A_1003 = vector.shape_cast %get3A_1002 : vector<16xf32> to vector<16xf32>
    %max3A_1004 = arith.constant -5.000000e+00 : f32
    %max3A_1005 = vector.broadcast %max3A_1004 : f32 to vector<16xf32>
    %max3A_1006 = arith.maximumf %get3A_1003, %max3A_1005 : vector<16xf32>
    %min3A_1007 = arith.constant 5.000000e+00 : f32
    %min3A_1008 = vector.broadcast %min3A_1007 : f32 to vector<16xf32>
    %min3A_1009 = arith.minimumf %max3A_1006, %min3A_1008 : vector<16xf32>
    %get3A_1010 = arith.constant 160 : index
    %get3A_1011 = tpu.vector_load %arg20[%get3A_1010] {strides = array<i32>} : memref<512xf32, #tpu.memory_space<vmem>>, vector<16xf32>,
    %get3A_1012 = vector.shape_cast %get3A_1011 : vector<16xf32> to vector<16xf32>
    %add3A_1013 = arith.addf %get3A_1012, %min3A_1009 : vector<16xf32>
    %swap3A_1014 = arith.constant 160 : index
    %swap3A_1015 = tpu.vector_load %arg26[%swap3A_1014] {strides = array<i32>} : memref<512xf32, #tpu.memory_space<vmem>>, vector<16xf32>,
    %swap3A_1016 = vector.shape_cast %swap3A_1015 : vector<16xf32> to vector<16xf32>
    %swap3A_1017 = vector.shape_cast %add3A_1013 : vector<16xf32> to vector<16xf32>
    tpu.vector_store %arg26[%swap3A_1014], %swap3A_1017 {strides = array<i32>} : memref<512xf32, #tpu.memory_space<vmem>>, vector<16xf32>,
    %get3A_1018 = arith.constant 160 : index
    %get3A_1019 = tpu.vector_load %arg25[%get3A_1018] {strides = array<i32>} : memref<512xf32, #tpu.memory_space<vmem>>, vector<16xf32>,
    %get3A_1020 = vector.shape_cast %get3A_1019 : vector<16xf32> to vector<16xf32>
    %abs3A_1021 = math.absf %get3A_1020 : vector<16xf32>
    %max3A_1022 = arith.constant 1.000000e-01 : f32
    %max3A_1023 = vector.broadcast %max3A_1022 : f32 to vector<16xf32>
    %max3A_1024 = arith.maximumf %abs3A_1021, %max3A_1023 : vector<16xf32>
    %div3A_1025 = arith.constant 1.000000e+00 : f32
    %div3A_1026 = vector.broadcast %div3A_1025 : f32 to vector<16xf32>
    %div3A_1027 = arith.divf %div3A_1026, %max3A_1024 : vector<16xf32>
    %swap3A_1028 = arith.constant 160 : index
    %swap3A_1029 = tpu.vector_load %arg27[%swap3A_1028] {strides = array<i32>} : memref<512xf32, #tpu.memory_space<vmem>>, vector<16xf32>,
    %swap3A_1030 = vector.shape_cast %swap3A_1029 : vector<16xf32> to vector<16xf32>
    %swap3A_1031 = vector.shape_cast %div3A_1027 : vector<16xf32> to vector<16xf32>
    tpu.vector_store %arg27[%swap3A_1028], %swap3A_1031 {strides = array<i32>} : memref<512xf32, #tpu.memory_space<vmem>>, vector<16xf32>,
    %get3A_1032 = arith.constant 176 : index
    %get3A_1033 = tpu.vector_load %arg21[%get3A_1032] {strides = array<i32>} : memref<512xf32, #tpu.memory_space<vmem>>, vector<16xf32>,
    %get3A_1034 = vector.shape_cast %get3A_1033 : vector<16xf32> to vector<16xf32>
    %max3A_1035 = arith.constant -5.000000e+00 : f32
    %max3A_1036 = vector.broadcast %max3A_1035 : f32 to vector<16xf32>
    %max3A_1037 = arith.maximumf %get3A_1034, %max3A_1036 : vector<16xf32>
    %min3A_1038 = arith.constant 5.000000e+00 : f32
    %min3A_1039 = vector.broadcast %min3A_1038 : f32 to vector<16xf32>
    %min3A_1040 = arith.minimumf %max3A_1037, %min3A_1039 : vector<16xf32>
    %get3A_1041 = arith.constant 176 : index
    %get3A_1042 = tpu.vector_load %arg20[%get3A_1041] {strides = array<i32>} : memref<512xf32, #tpu.memory_space<vmem>>, vector<16xf32>,
    %get3A_1043 = vector.shape_cast %get3A_1042 : vector<16xf32> to vector<16xf32>
    %add3A_1044 = arith.addf %get3A_1043, %min3A_1040 : vector<16xf32>
    %swap3A_1045 = arith.constant 176 : index
    %swap3A_1046 = tpu.vector_load %arg26[%swap3A_1045] {strides = array<i32>} : memref<512xf32, #tpu.memory_space<vmem>>, vector<16xf32>,
    %swap3A_1047 = vector.shape_cast %swap3A_1046 : vector<16xf32> to vector<16xf32>
    %swap3A_1048 = vector.shape_cast %add3A_1044 : vector<16xf32> to vector<16xf32>
    tpu.vector_store %arg26[%swap3A_1045], %swap3A_1048 {strides = array<i32>} : memref<512xf32, #tpu.memory_space<vmem>>, vector<16xf32>,
    %get3A_1049 = arith.constant 176 : index
    %get3A_1050 = tpu.vector_load %arg25[%get3A_1049] {strides = array<i32>} : memref<512xf32, #tpu.memory_space<vmem>>, vector<16xf32>,
    %get3A_1051 = vector.shape_cast %get3A_1050 : vector<16xf32> to vector<16xf32>
    %abs3A_1052 = math.absf %get3A_1051 : vector<16xf32>
    %max3A_1053 = arith.constant 1.000000e-01 : f32
    %max3A_1054 = vector.broadcast %max3A_1053 : f32 to vector<16xf32>
    %max3A_1055 = arith.maximumf %abs3A_1052, %max3A_1054 : vector<16xf32>
    %div3A_1056 = arith.constant 1.000000e+00 : f32
    %div3A_1057 = vector.broadcast %div3A_1056 : f32 to vector<16xf32>
    %div3A_1058 = arith.divf %div3A_1057, %max3A_1055 : vector<16xf32>
    %swap3A_1059 = arith.constant 176 : index
    %swap3A_1060 = tpu.vector_load %arg27[%swap3A_1059] {strides = array<i32>} : memref<512xf32, #tpu.memory_space<vmem>>, vector<16xf32>,
    %swap3A_1061 = vector.shape_cast %swap3A_1060 : vector<16xf32> to vector<16xf32>
    %swap3A_1062 = vector.shape_cast %div3A_1058 : vector<16xf32> to vector<16xf32>
    tpu.vector_store %arg27[%swap3A_1059], %swap3A_1062 {strides = array<i32>} : memref<512xf32, #tpu.memory_space<vmem>>, vector<16xf32>,
    %get3A_1063 = arith.constant 192 : index
    %get3A_1064 = tpu.vector_load %arg21[%get3A_1063] {strides = array<i32>} : memref<512xf32, #tpu.memory_space<vmem>>, vector<16xf32>,
    %get3A_1065 = vector.shape_cast %get3A_1064 : vector<16xf32> to vector<16xf32>
    %max3A_1066 = arith.constant -5.000000e+00 : f32
    %max3A_1067 = vector.broadcast %max3A_1066 : f32 to vector<16xf32>
    %max3A_1068 = arith.maximumf %get3A_1065, %max3A_1067 : vector<16xf32>
    %min3A_1069 = arith.constant 5.000000e+00 : f32
    %min3A_1070 = vector.broadcast %min3A_1069 : f32 to vector<16xf32>
    %min3A_1071 = arith.minimumf %max3A_1068, %min3A_1070 : vector<16xf32>
    %get3A_1072 = arith.constant 192 : index
    %get3A_1073 = tpu.vector_load %arg20[%get3A_1072] {strides = array<i32>} : memref<512xf32, #tpu.memory_space<vmem>>, vector<16xf32>,
    %get3A_1074 = vector.shape_cast %get3A_1073 : vector<16xf32> to vector<16xf32>
    %add3A_1075 = arith.addf %get3A_1074, %min3A_1071 : vector<16xf32>
    %swap3A_1076 = arith.constant 192 : index
    %swap3A_1077 = tpu.vector_load %arg26[%swap3A_1076] {strides = array<i32>} : memref<512xf32, #tpu.memory_space<vmem>>, vector<16xf32>,
    %swap3A_1078 = vector.shape_cast %swap3A_1077 : vector<16xf32> to vector<16xf32>
    %swap3A_1079 = vector.shape_cast %add3A_1075 : vector<16xf32> to vector<16xf32>
    tpu.vector_store %arg26[%swap3A_1076], %swap3A_1079 {strides = array<i32>} : memref<512xf32, #tpu.memory_space<vmem>>, vector<16xf32>,
    %get3A_1080 = arith.constant 192 : index
    %get3A_1081 = tpu.vector_load %arg25[%get3A_1080] {strides = array<i32>} : memref<512xf32, #tpu.memory_space<vmem>>, vector<16xf32>,
    %get3A_1082 = vector.shape_cast %get3A_1081 : vector<16xf32> to vector<16xf32>
    %abs3A_1083 = math.absf %get3A_1082 : vector<16xf32>
    %max3A_1084 = arith.constant 1.000000e-01 : f32
    %max3A_1085 = vector.broadcast %max3A_1084 : f32 to vector<16xf32>
    %max3A_1086 = arith.maximumf %abs3A_1083, %max3A_1085 : vector<16xf32>
    %div3A_1087 = arith.constant 1.000000e+00 : f32
    %div3A_1088 = vector.broadcast %div3A_1087 : f32 to vector<16xf32>
    %div3A_1089 = arith.divf %div3A_1088, %max3A_1086 : vector<16xf32>
    %swap3A_1090 = arith.constant 192 : index
    %swap3A_1091 = tpu.vector_load %arg27[%swap3A_1090] {strides = array<i32>} : memref<512xf32, #tpu.memory_space<vmem>>, vector<16xf32>,
    %swap3A_1092 = vector.shape_cast %swap3A_1091 : vector<16xf32> to vector<16xf32>
    %swap3A_1093 = vector.shape_cast %div3A_1089 : vector<16xf32> to vector<16xf32>
    tpu.vector_store %arg27[%swap3A_1090], %swap3A_1093 {strides = array<i32>} : memref<512xf32, #tpu.memory_space<vmem>>, vector<16xf32>,
    %get3A_1094 = arith.constant 208 : index
    %get3A_1095 = tpu.vector_load %arg21[%get3A_1094] {strides = array<i32>} : memref<512xf32, #tpu.memory_space<vmem>>, vector<16xf32>,
    %get3A_1096 = vector.shape_cast %get3A_1095 : vector<16xf32> to vector<16xf32>
    %max3A_1097 = arith.constant -5.000000e+00 : f32
    %max3A_1098 = vector.broadcast %max3A_1097 : f32 to vector<16xf32>
    %max3A_1099 = arith.maximumf %get3A_1096, %max3A_1098 : vector<16xf32>
    %min3A_1100 = arith.constant 5.000000e+00 : f32
    %min3A_1101 = vector.broadcast %min3A_1100 : f32 to vector<16xf32>
    %min3A_1102 = arith.minimumf %max3A_1099, %min3A_1101 : vector<16xf32>
    %get3A_1103 = arith.constant 208 : index
    %get3A_1104 = tpu.vector_load %arg20[%get3A_1103] {strides = array<i32>} : memref<512xf32, #tpu.memory_space<vmem>>, vector<16xf32>,
    %get3A_1105 = vector.shape_cast %get3A_1104 : vector<16xf32> to vector<16xf32>
    %add3A_1106 = arith.addf %get3A_1105, %min3A_1102 : vector<16xf32>
    %swap3A_1107 = arith.constant 208 : index
    %swap3A_1108 = tpu.vector_load %arg26[%swap3A_1107] {strides = array<i32>} : memref<512xf32, #tpu.memory_space<vmem>>, vector<16xf32>,
    %swap3A_1109 = vector.shape_cast %swap3A_1108 : vector<16xf32> to vector<16xf32>
    %swap3A_1110 = vector.shape_cast %add3A_1106 : vector<16xf32> to vector<16xf32>
    tpu.vector_store %arg26[%swap3A_1107], %swap3A_1110 {strides = array<i32>} : memref<512xf32, #tpu.memory_space<vmem>>, vector<16xf32>,
    %get3A_1111 = arith.constant 208 : index
    %get3A_1112 = tpu.vector_load %arg25[%get3A_1111] {strides = array<i32>} : memref<512xf32, #tpu.memory_space<vmem>>, vector<16xf32>,
    %get3A_1113 = vector.shape_cast %get3A_1112 : vector<16xf32> to vector<16xf32>
    %abs3A_1114 = math.absf %get3A_1113 : vector<16xf32>
    %max3A_1115 = arith.constant 1.000000e-01 : f32
    %max3A_1116 = vector.broadcast %max3A_1115 : f32 to vector<16xf32>
    %max3A_1117 = arith.maximumf %abs3A_1114, %max3A_1116 : vector<16xf32>
    %div3A_1118 = arith.constant 1.000000e+00 : f32
    %div3A_1119 = vector.broadcast %div3A_1118 : f32 to vector<16xf32>
    %div3A_1120 = arith.divf %div3A_1119, %max3A_1117 : vector<16xf32>
    %swap3A_1121 = arith.constant 208 : index
    %swap3A_1122 = tpu.vector_load %arg27[%swap3A_1121] {strides = array<i32>} : memref<512xf32, #tpu.memory_space<vmem>>, vector<16xf32>,
    %swap3A_1123 = vector.shape_cast %swap3A_1122 : vector<16xf32> to vector<16xf32>
    %swap3A_1124 = vector.shape_cast %div3A_1120 : vector<16xf32> to vector<16xf32>
    tpu.vector_store %arg27[%swap3A_1121], %swap3A_1124 {strides = array<i32>} : memref<512xf32, #tpu.memory_space<vmem>>, vector<16xf32>,
    %get3A_1125 = arith.constant 224 : index
    %get3A_1126 = tpu.vector_load %arg21[%get3A_1125] {strides = array<i32>} : memref<512xf32, #tpu.memory_space<vmem>>, vector<16xf32>,
    %get3A_1127 = vector.shape_cast %get3A_1126 : vector<16xf32> to vector<16xf32>
    %max3A_1128 = arith.constant -5.000000e+00 : f32
    %max3A_1129 = vector.broadcast %max3A_1128 : f32 to vector<16xf32>
    %max3A_1130 = arith.maximumf %get3A_1127, %max3A_1129 : vector<16xf32>
    %min3A_1131 = arith.constant 5.000000e+00 : f32
    %min3A_1132 = vector.broadcast %min3A_1131 : f32 to vector<16xf32>
    %min3A_1133 = arith.minimumf %max3A_1130, %min3A_1132 : vector<16xf32>
    %get3A_1134 = arith.constant 224 : index
    %get3A_1135 = tpu.vector_load %arg20[%get3A_1134] {strides = array<i32>} : memref<512xf32, #tpu.memory_space<vmem>>, vector<16xf32>,
    %get3A_1136 = vector.shape_cast %get3A_1135 : vector<16xf32> to vector<16xf32>
    %add3A_1137 = arith.addf %get3A_1136, %min3A_1133 : vector<16xf32>
    %swap3A_1138 = arith.constant 224 : index
    %swap3A_1139 = tpu.vector_load %arg26[%swap3A_1138] {strides = array<i32>} : memref<512xf32, #tpu.memory_space<vmem>>, vector<16xf32>,
    %swap3A_1140 = vector.shape_cast %swap3A_1139 : vector<16xf32> to vector<16xf32>
    %swap3A_1141 = vector.shape_cast %add3A_1137 : vector<16xf32> to vector<16xf32>
    tpu.vector_store %arg26[%swap3A_1138], %swap3A_1141 {strides = array<i32>} : memref<512xf32, #tpu.memory_space<vmem>>, vector<16xf32>,
    %get3A_1142 = arith.constant 224 : index
    %get3A_1143 = tpu.vector_load %arg25[%get3A_1142] {strides = array<i32>} : memref<512xf32, #tpu.memory_space<vmem>>, vector<16xf32>,
    %get3A_1144 = vector.shape_cast %get3A_1143 : vector<16xf32> to vector<16xf32>
    %abs3A_1145 = math.absf %get3A_1144 : vector<16xf32>
    %max3A_1146 = arith.constant 1.000000e-01 : f32
    %max3A_1147 = vector.broadcast %max3A_1146 : f32 to vector<16xf32>
    %max3A_1148 = arith.maximumf %abs3A_1145, %max3A_1147 : vector<16xf32>
    %div3A_1149 = arith.constant 1.000000e+00 : f32
    %div3A_1150 = vector.broadcast %div3A_1149 : f32 to vector<16xf32>
    %div3A_1151 = arith.divf %div3A_1150, %max3A_1148 : vector<16xf32>
    %swap3A_1152 = arith.constant 224 : index
    %swap3A_1153 = tpu.vector_load %arg27[%swap3A_1152] {strides = array<i32>} : memref<512xf32, #tpu.memory_space<vmem>>, vector<16xf32>,
    %swap3A_1154 = vector.shape_cast %swap3A_1153 : vector<16xf32> to vector<16xf32>
    %swap3A_1155 = vector.shape_cast %div3A_1151 : vector<16xf32> to vector<16xf32>
    tpu.vector_store %arg27[%swap3A_1152], %swap3A_1155 {strides = array<i32>} : memref<512xf32, #tpu.memory_space<vmem>>, vector<16xf32>,
    %get3A_1156 = arith.constant 240 : index
    %get3A_1157 = tpu.vector_load %arg21[%get3A_1156] {strides = array<i32>} : memref<512xf32, #tpu.memory_space<vmem>>, vector<16xf32>,
    %get3A_1158 = vector.shape_cast %get3A_1157 : vector<16xf32> to vector<16xf32>
    %max3A_1159 = arith.constant -5.000000e+00 : f32
    %max3A_1160 = vector.broadcast %max3A_1159 : f32 to vector<16xf32>
    %max3A_1161 = arith.maximumf %get3A_1158, %max3A_1160 : vector<16xf32>
    %min3A_1162 = arith.constant 5.000000e+00 : f32
    %min3A_1163 = vector.broadcast %min3A_1162 : f32 to vector<16xf32>
    %min3A_1164 = arith.minimumf %max3A_1161, %min3A_1163 : vector<16xf32>
    %get3A_1165 = arith.constant 240 : index
    %get3A_1166 = tpu.vector_load %arg20[%get3A_1165] {strides = array<i32>} : memref<512xf32, #tpu.memory_space<vmem>>, vector<16xf32>,
    %get3A_1167 = vector.shape_cast %get3A_1166 : vector<16xf32> to vector<16xf32>
    %add3A_1168 = arith.addf %get3A_1167, %min3A_1164 : vector<16xf32>
    %swap3A_1169 = arith.constant 240 : index
    %swap3A_1170 = tpu.vector_load %arg26[%swap3A_1169] {strides = array<i32>} : memref<512xf32, #tpu.memory_space<vmem>>, vector<16xf32>,
    %swap3A_1171 = vector.shape_cast %swap3A_1170 : vector<16xf32> to vector<16xf32>
    %swap3A_1172 = vector.shape_cast %add3A_1168 : vector<16xf32> to vector<16xf32>
    tpu.vector_store %arg26[%swap3A_1169], %swap3A_1172 {strides = array<i32>} : memref<512xf32, #tpu.memory_space<vmem>>, vector<16xf32>,
    %get3A_1173 = arith.constant 240 : index
    %get3A_1174 = tpu.vector_load %arg25[%get3A_1173] {strides = array<i32>} : memref<512xf32, #tpu.memory_space<vmem>>, vector<16xf32>,
    %get3A_1175 = vector.shape_cast %get3A_1174 : vector<16xf32> to vector<16xf32>
    %abs3A_1176 = math.absf %get3A_1175 : vector<16xf32>
    %max3A_1177 = arith.constant 1.000000e-01 : f32
    %max3A_1178 = vector.broadcast %max3A_1177 : f32 to vector<16xf32>
    %max3A_1179 = arith.maximumf %abs3A_1176, %max3A_1178 : vector<16xf32>
    %div3A_1180 = arith.constant 1.000000e+00 : f32
    %div3A_1181 = vector.broadcast %div3A_1180 : f32 to vector<16xf32>
    %div3A_1182 = arith.divf %div3A_1181, %max3A_1179 : vector<16xf32>
    %swap3A_1183 = arith.constant 240 : index
    %swap3A_1184 = tpu.vector_load %arg27[%swap3A_1183] {strides = array<i32>} : memref<512xf32, #tpu.memory_space<vmem>>, vector<16xf32>,
    %swap3A_1185 = vector.shape_cast %swap3A_1184 : vector<16xf32> to vector<16xf32>
    %swap3A_1186 = vector.shape_cast %div3A_1182 : vector<16xf32> to vector<16xf32>
    tpu.vector_store %arg27[%swap3A_1183], %swap3A_1186 {strides = array<i32>} : memref<512xf32, #tpu.memory_space<vmem>>, vector<16xf32>,
    %get3A_1187 = arith.constant 256 : index
    %get3A_1188 = tpu.vector_load %arg21[%get3A_1187] {strides = array<i32>} : memref<512xf32, #tpu.memory_space<vmem>>, vector<16xf32>,
    %get3A_1189 = vector.shape_cast %get3A_1188 : vector<16xf32> to vector<16xf32>
    %max3A_1190 = arith.constant -5.000000e+00 : f32
    %max3A_1191 = vector.broadcast %max3A_1190 : f32 to vector<16xf32>
    %max3A_1192 = arith.maximumf %get3A_1189, %max3A_1191 : vector<16xf32>
    %min3A_1193 = arith.constant 5.000000e+00 : f32
    %min3A_1194 = vector.broadcast %min3A_1193 : f32 to vector<16xf32>
    %min3A_1195 = arith.minimumf %max3A_1192, %min3A_1194 : vector<16xf32>
    %get3A_1196 = arith.constant 256 : index
    %get3A_1197 = tpu.vector_load %arg20[%get3A_1196] {strides = array<i32>} : memref<512xf32, #tpu.memory_space<vmem>>, vector<16xf32>,
    %get3A_1198 = vector.shape_cast %get3A_1197 : vector<16xf32> to vector<16xf32>
    %add3A_1199 = arith.addf %get3A_1198, %min3A_1195 : vector<16xf32>
    %swap3A_1200 = arith.constant 256 : index
    %swap3A_1201 = tpu.vector_load %arg26[%swap3A_1200] {strides = array<i32>} : memref<512xf32, #tpu.memory_space<vmem>>, vector<16xf32>,
    %swap3A_1202 = vector.shape_cast %swap3A_1201 : vector<16xf32> to vector<16xf32>
    %swap3A_1203 = vector.shape_cast %add3A_1199 : vector<16xf32> to vector<16xf32>
    tpu.vector_store %arg26[%swap3A_1200], %swap3A_1203 {strides = array<i32>} : memref<512xf32, #tpu.memory_space<vmem>>, vector<16xf32>,
    %get3A_1204 = arith.constant 256 : index
    %get3A_1205 = tpu.vector_load %arg25[%get3A_1204] {strides = array<i32>} : memref<512xf32, #tpu.memory_space<vmem>>, vector<16xf32>,
    %get3A_1206 = vector.shape_cast %get3A_1205 : vector<16xf32> to vector<16xf32>
    %abs3A_1207 = math.absf %get3A_1206 : vector<16xf32>
    %max3A_1208 = arith.constant 1.000000e-01 : f32
    %max3A_1209 = vector.broadcast %max3A_1208 : f32 to vector<16xf32>
    %max3A_1210 = arith.maximumf %abs3A_1207, %max3A_1209 : vector<16xf32>
    %div3A_1211 = arith.constant 1.000000e+00 : f32
    %div3A_1212 = vector.broadcast %div3A_1211 : f32 to vector<16xf32>
    %div3A_1213 = arith.divf %div3A_1212, %max3A_1210 : vector<16xf32>
    %swap3A_1214 = arith.constant 256 : index
    %swap3A_1215 = tpu.vector_load %arg27[%swap3A_1214] {strides = array<i32>} : memref<512xf32, #tpu.memory_space<vmem>>, vector<16xf32>,
    %swap3A_1216 = vector.shape_cast %swap3A_1215 : vector<16xf32> to vector<16xf32>
    %swap3A_1217 = vector.shape_cast %div3A_1213 : vector<16xf32> to vector<16xf32>
    tpu.vector_store %arg27[%swap3A_1214], %swap3A_1217 {strides = array<i32>} : memref<512xf32, #tpu.memory_space<vmem>>, vector<16xf32>,
    %get3A_1218 = arith.constant 272 : index
    %get3A_1219 = tpu.vector_load %arg21[%get3A_1218] {strides = array<i32>} : memref<512xf32, #tpu.memory_space<vmem>>, vector<16xf32>,
    %get3A_1220 = vector.shape_cast %get3A_1219 : vector<16xf32> to vector<16xf32>
    %max3A_1221 = arith.constant -5.000000e+00 : f32
    %max3A_1222 = vector.broadcast %max3A_1221 : f32 to vector<16xf32>
    %max3A_1223 = arith.maximumf %get3A_1220, %max3A_1222 : vector<16xf32>
    %min3A_1224 = arith.constant 5.000000e+00 : f32
    %min3A_1225 = vector.broadcast %min3A_1224 : f32 to vector<16xf32>
    %min3A_1226 = arith.minimumf %max3A_1223, %min3A_1225 : vector<16xf32>
    %get3A_1227 = arith.constant 272 : index
    %get3A_1228 = tpu.vector_load %arg20[%get3A_1227] {strides = array<i32>} : memref<512xf32, #tpu.memory_space<vmem>>, vector<16xf32>,
    %get3A_1229 = vector.shape_cast %get3A_1228 : vector<16xf32> to vector<16xf32>
    %add3A_1230 = arith.addf %get3A_1229, %min3A_1226 : vector<16xf32>
    %swap3A_1231 = arith.constant 272 : index
    %swap3A_1232 = tpu.vector_load %arg26[%swap3A_1231] {strides = array<i32>} : memref<512xf32, #tpu.memory_space<vmem>>, vector<16xf32>,
    %swap3A_1233 = vector.shape_cast %swap3A_1232 : vector<16xf32> to vector<16xf32>
    %swap3A_1234 = vector.shape_cast %add3A_1230 : vector<16xf32> to vector<16xf32>
    tpu.vector_store %arg26[%swap3A_1231], %swap3A_1234 {strides = array<i32>} : memref<512xf32, #tpu.memory_space<vmem>>, vector<16xf32>,
    %get3A_1235 = arith.constant 272 : index
    %get3A_1236 = tpu.vector_load %arg25[%get3A_1235] {strides = array<i32>} : memref<512xf32, #tpu.memory_space<vmem>>, vector<16xf32>,
    %get3A_1237 = vector.shape_cast %get3A_1236 : vector<16xf32> to vector<16xf32>
    %abs3A_1238 = math.absf %get3A_1237 : vector<16xf32>
    %max3A_1239 = arith.constant 1.000000e-01 : f32
    %max3A_1240 = vector.broadcast %max3A_1239 : f32 to vector<16xf32>
    %max3A_1241 = arith.maximumf %abs3A_1238, %max3A_1240 : vector<16xf32>
    %div3A_1242 = arith.constant 1.000000e+00 : f32
    %div3A_1243 = vector.broadcast %div3A_1242 : f32 to vector<16xf32>
    %div3A_1244 = arith.divf %div3A_1243, %max3A_1241 : vector<16xf32>
    %swap3A_1245 = arith.constant 272 : index
    %swap3A_1246 = tpu.vector_load %arg27[%swap3A_1245] {strides = array<i32>} : memref<512xf32, #tpu.memory_space<vmem>>, vector<16xf32>,
    %swap3A_1247 = vector.shape_cast %swap3A_1246 : vector<16xf32> to vector<16xf32>
    %swap3A_1248 = vector.shape_cast %div3A_1244 : vector<16xf32> to vector<16xf32>
    tpu.vector_store %arg27[%swap3A_1245], %swap3A_1248 {strides = array<i32>} : memref<512xf32, #tpu.memory_space<vmem>>, vector<16xf32>,
    %get3A_1249 = arith.constant 288 : index
    %get3A_1250 = tpu.vector_load %arg21[%get3A_1249] {strides = array<i32>} : memref<512xf32, #tpu.memory_space<vmem>>, vector<16xf32>,
    %get3A_1251 = vector.shape_cast %get3A_1250 : vector<16xf32> to vector<16xf32>
    %max3A_1252 = arith.constant -5.000000e+00 : f32
    %max3A_1253 = vector.broadcast %max3A_1252 : f32 to vector<16xf32>
    %max3A_1254 = arith.maximumf %get3A_1251, %max3A_1253 : vector<16xf32>
    %min3A_1255 = arith.constant 5.000000e+00 : f32
    %min3A_1256 = vector.broadcast %min3A_1255 : f32 to vector<16xf32>
    %min3A_1257 = arith.minimumf %max3A_1254, %min3A_1256 : vector<16xf32>
    %get3A_1258 = arith.constant 288 : index
    %get3A_1259 = tpu.vector_load %arg20[%get3A_1258] {strides = array<i32>} : memref<512xf32, #tpu.memory_space<vmem>>, vector<16xf32>,
    %get3A_1260 = vector.shape_cast %get3A_1259 : vector<16xf32> to vector<16xf32>
    %add3A_1261 = arith.addf %get3A_1260, %min3A_1257 : vector<16xf32>
    %swap3A_1262 = arith.constant 288 : index
    %swap3A_1263 = tpu.vector_load %arg26[%swap3A_1262] {strides = array<i32>} : memref<512xf32, #tpu.memory_space<vmem>>, vector<16xf32>,
    %swap3A_1264 = vector.shape_cast %swap3A_1263 : vector<16xf32> to vector<16xf32>
    %swap3A_1265 = vector.shape_cast %add3A_1261 : vector<16xf32> to vector<16xf32>
    tpu.vector_store %arg26[%swap3A_1262], %swap3A_1265 {strides = array<i32>} : memref<512xf32, #tpu.memory_space<vmem>>, vector<16xf32>,
    %get3A_1266 = arith.constant 288 : index
    %get3A_1267 = tpu.vector_load %arg25[%get3A_1266] {strides = array<i32>} : memref<512xf32, #tpu.memory_space<vmem>>, vector<16xf32>,
    %get3A_1268 = vector.shape_cast %get3A_1267 : vector<16xf32> to vector<16xf32>
    %abs3A_1269 = math.absf %get3A_1268 : vector<16xf32>
    %max3A_1270 = arith.constant 1.000000e-01 : f32
    %max3A_1271 = vector.broadcast %max3A_1270 : f32 to vector<16xf32>
    %max3A_1272 = arith.maximumf %abs3A_1269, %max3A_1271 : vector<16xf32>
    %div3A_1273 = arith.constant 1.000000e+00 : f32
    %div3A_1274 = vector.broadcast %div3A_1273 : f32 to vector<16xf32>
    %div3A_1275 = arith.divf %div3A_1274, %max3A_1272 : vector<16xf32>
    %swap3A_1276 = arith.constant 288 : index
    %swap3A_1277 = tpu.vector_load %arg27[%swap3A_1276] {strides = array<i32>} : memref<512xf32, #tpu.memory_space<vmem>>, vector<16xf32>,
    %swap3A_1278 = vector.shape_cast %swap3A_1277 : vector<16xf32> to vector<16xf32>
    %swap3A_1279 = vector.shape_cast %div3A_1275 : vector<16xf32> to vector<16xf32>
    tpu.vector_store %arg27[%swap3A_1276], %swap3A_1279 {strides = array<i32>} : memref<512xf32, #tpu.memory_space<vmem>>, vector<16xf32>,
    %get3A_1280 = arith.constant 304 : index
    %get3A_1281 = tpu.vector_load %arg21[%get3A_1280] {strides = array<i32>} : memref<512xf32, #tpu.memory_space<vmem>>, vector<16xf32>,
    %get3A_1282 = vector.shape_cast %get3A_1281 : vector<16xf32> to vector<16xf32>
    %max3A_1283 = arith.constant -5.000000e+00 : f32
    %max3A_1284 = vector.broadcast %max3A_1283 : f32 to vector<16xf32>
    %max3A_1285 = arith.maximumf %get3A_1282, %max3A_1284 : vector<16xf32>
    %min3A_1286 = arith.constant 5.000000e+00 : f32
    %min3A_1287 = vector.broadcast %min3A_1286 : f32 to vector<16xf32>
    %min3A_1288 = arith.minimumf %max3A_1285, %min3A_1287 : vector<16xf32>
    %get3A_1289 = arith.constant 304 : index
    %get3A_1290 = tpu.vector_load %arg20[%get3A_1289] {strides = array<i32>} : memref<512xf32, #tpu.memory_space<vmem>>, vector<16xf32>,
    %get3A_1291 = vector.shape_cast %get3A_1290 : vector<16xf32> to vector<16xf32>
    %add3A_1292 = arith.addf %get3A_1291, %min3A_1288 : vector<16xf32>
    %swap3A_1293 = arith.constant 304 : index
    %swap3A_1294 = tpu.vector_load %arg26[%swap3A_1293] {strides = array<i32>} : memref<512xf32, #tpu.memory_space<vmem>>, vector<16xf32>,
    %swap3A_1295 = vector.shape_cast %swap3A_1294 : vector<16xf32> to vector<16xf32>
    %swap3A_1296 = vector.shape_cast %add3A_1292 : vector<16xf32> to vector<16xf32>
    tpu.vector_store %arg26[%swap3A_1293], %swap3A_1296 {strides = array<i32>} : memref<512xf32, #tpu.memory_space<vmem>>, vector<16xf32>,
    %get3A_1297 = arith.constant 304 : index
    %get3A_1298 = tpu.vector_load %arg25[%get3A_1297] {strides = array<i32>} : memref<512xf32, #tpu.memory_space<vmem>>, vector<16xf32>,
    %get3A_1299 = vector.shape_cast %get3A_1298 : vector<16xf32> to vector<16xf32>
    %abs3A_1300 = math.absf %get3A_1299 : vector<16xf32>
    %max3A_1301 = arith.constant 1.000000e-01 : f32
    %max3A_1302 = vector.broadcast %max3A_1301 : f32 to vector<16xf32>
    %max3A_1303 = arith.maximumf %abs3A_1300, %max3A_1302 : vector<16xf32>
    %div3A_1304 = arith.constant 1.000000e+00 : f32
    %div3A_1305 = vector.broadcast %div3A_1304 : f32 to vector<16xf32>
    %div3A_1306 = arith.divf %div3A_1305, %max3A_1303 : vector<16xf32>
    %swap3A_1307 = arith.constant 304 : index
    %swap3A_1308 = tpu.vector_load %arg27[%swap3A_1307] {strides = array<i32>} : memref<512xf32, #tpu.memory_space<vmem>>, vector<16xf32>,
    %swap3A_1309 = vector.shape_cast %swap3A_1308 : vector<16xf32> to vector<16xf32>
    %swap3A_1310 = vector.shape_cast %div3A_1306 : vector<16xf32> to vector<16xf32>
    tpu.vector_store %arg27[%swap3A_1307], %swap3A_1310 {strides = array<i32>} : memref<512xf32, #tpu.memory_space<vmem>>, vector<16xf32>,
    %get3A_1311 = arith.constant 320 : index
    %get3A_1312 = tpu.vector_load %arg21[%get3A_1311] {strides = array<i32>} : memref<512xf32, #tpu.memory_space<vmem>>, vector<16xf32>,
    %get3A_1313 = vector.shape_cast %get3A_1312 : vector<16xf32> to vector<16xf32>
    %max3A_1314 = arith.constant -5.000000e+00 : f32
    %max3A_1315 = vector.broadcast %max3A_1314 : f32 to vector<16xf32>
    %max3A_1316 = arith.maximumf %get3A_1313, %max3A_1315 : vector<16xf32>
    %min3A_1317 = arith.constant 5.000000e+00 : f32
    %min3A_1318 = vector.broadcast %min3A_1317 : f32 to vector<16xf32>
    %min3A_1319 = arith.minimumf %max3A_1316, %min3A_1318 : vector<16xf32>
    %get3A_1320 = arith.constant 320 : index
    %get3A_1321 = tpu.vector_load %arg20[%get3A_1320] {strides = array<i32>} : memref<512xf32, #tpu.memory_space<vmem>>, vector<16xf32>,
    %get3A_1322 = vector.shape_cast %get3A_1321 : vector<16xf32> to vector<16xf32>
    %add3A_1323 = arith.addf %get3A_1322, %min3A_1319 : vector<16xf32>
    %swap3A_1324 = arith.constant 320 : index
    %swap3A_1325 = tpu.vector_load %arg26[%swap3A_1324] {strides = array<i32>} : memref<512xf32, #tpu.memory_space<vmem>>, vector<16xf32>,
    %swap3A_1326 = vector.shape_cast %swap3A_1325 : vector<16xf32> to vector<16xf32>
    %swap3A_1327 = vector.shape_cast %add3A_1323 : vector<16xf32> to vector<16xf32>
    tpu.vector_store %arg26[%swap3A_1324], %swap3A_1327 {strides = array<i32>} : memref<512xf32, #tpu.memory_space<vmem>>, vector<16xf32>,
    %get3A_1328 = arith.constant 320 : index
    %get3A_1329 = tpu.vector_load %arg25[%get3A_1328] {strides = array<i32>} : memref<512xf32, #tpu.memory_space<vmem>>, vector<16xf32>,
    %get3A_1330 = vector.shape_cast %get3A_1329 : vector<16xf32> to vector<16xf32>
    %abs3A_1331 = math.absf %get3A_1330 : vector<16xf32>
    %max3A_1332 = arith.constant 1.000000e-01 : f32
    %max3A_1333 = vector.broadcast %max3A_1332 : f32 to vector<16xf32>
    %max3A_1334 = arith.maximumf %abs3A_1331, %max3A_1333 : vector<16xf32>
    %div3A_1335 = arith.constant 1.000000e+00 : f32
    %div3A_1336 = vector.broadcast %div3A_1335 : f32 to vector<16xf32>
    %div3A_1337 = arith.divf %div3A_1336, %max3A_1334 : vector<16xf32>
    %swap3A_1338 = arith.constant 320 : index
    %swap3A_1339 = tpu.vector_load %arg27[%swap3A_1338] {strides = array<i32>} : memref<512xf32, #tpu.memory_space<vmem>>, vector<16xf32>,
    %swap3A_1340 = vector.shape_cast %swap3A_1339 : vector<16xf32> to vector<16xf32>
    %swap3A_1341 = vector.shape_cast %div3A_1337 : vector<16xf32> to vector<16xf32>
    tpu.vector_store %arg27[%swap3A_1338], %swap3A_1341 {strides = array<i32>} : memref<512xf32, #tpu.memory_space<vmem>>, vector<16xf32>,
    %get3A_1342 = arith.constant 336 : index
    %get3A_1343 = tpu.vector_load %arg21[%get3A_1342] {strides = array<i32>} : memref<512xf32, #tpu.memory_space<vmem>>, vector<16xf32>,
    %get3A_1344 = vector.shape_cast %get3A_1343 : vector<16xf32> to vector<16xf32>
    %max3A_1345 = arith.constant -5.000000e+00 : f32
    %max3A_1346 = vector.broadcast %max3A_1345 : f32 to vector<16xf32>
    %max3A_1347 = arith.maximumf %get3A_1344, %max3A_1346 : vector<16xf32>
    %min3A_1348 = arith.constant 5.000000e+00 : f32
    %min3A_1349 = vector.broadcast %min3A_1348 : f32 to vector<16xf32>
    %min3A_1350 = arith.minimumf %max3A_1347, %min3A_1349 : vector<16xf32>
    %get3A_1351 = arith.constant 336 : index
    %get3A_1352 = tpu.vector_load %arg20[%get3A_1351] {strides = array<i32>} : memref<512xf32, #tpu.memory_space<vmem>>, vector<16xf32>,
    %get3A_1353 = vector.shape_cast %get3A_1352 : vector<16xf32> to vector<16xf32>
    %add3A_1354 = arith.addf %get3A_1353, %min3A_1350 : vector<16xf32>
    %swap3A_1355 = arith.constant 336 : index
    %swap3A_1356 = tpu.vector_load %arg26[%swap3A_1355] {strides = array<i32>} : memref<512xf32, #tpu.memory_space<vmem>>, vector<16xf32>,
    %swap3A_1357 = vector.shape_cast %swap3A_1356 : vector<16xf32> to vector<16xf32>
    %swap3A_1358 = vector.shape_cast %add3A_1354 : vector<16xf32> to vector<16xf32>
    tpu.vector_store %arg26[%swap3A_1355], %swap3A_1358 {strides = array<i32>} : memref<512xf32, #tpu.memory_space<vmem>>, vector<16xf32>,
    %get3A_1359 = arith.constant 336 : index
    %get3A_1360 = tpu.vector_load %arg25[%get3A_1359] {strides = array<i32>} : memref<512xf32, #tpu.memory_space<vmem>>, vector<16xf32>,
    %get3A_1361 = vector.shape_cast %get3A_1360 : vector<16xf32> to vector<16xf32>
    %abs3A_1362 = math.absf %get3A_1361 : vector<16xf32>
    %max3A_1363 = arith.constant 1.000000e-01 : f32
    %max3A_1364 = vector.broadcast %max3A_1363 : f32 to vector<16xf32>
    %max3A_1365 = arith.maximumf %abs3A_1362, %max3A_1364 : vector<16xf32>
    %div3A_1366 = arith.constant 1.000000e+00 : f32
    %div3A_1367 = vector.broadcast %div3A_1366 : f32 to vector<16xf32>
    %div3A_1368 = arith.divf %div3A_1367, %max3A_1365 : vector<16xf32>
    %swap3A_1369 = arith.constant 336 : index
    %swap3A_1370 = tpu.vector_load %arg27[%swap3A_1369] {strides = array<i32>} : memref<512xf32, #tpu.memory_space<vmem>>, vector<16xf32>,
    %swap3A_1371 = vector.shape_cast %swap3A_1370 : vector<16xf32> to vector<16xf32>
    %swap3A_1372 = vector.shape_cast %div3A_1368 : vector<16xf32> to vector<16xf32>
    tpu.vector_store %arg27[%swap3A_1369], %swap3A_1372 {strides = array<i32>} : memref<512xf32, #tpu.memory_space<vmem>>, vector<16xf32>,
    %get3A_1373 = arith.constant 352 : index
    %get3A_1374 = tpu.vector_load %arg21[%get3A_1373] {strides = array<i32>} : memref<512xf32, #tpu.memory_space<vmem>>, vector<16xf32>,
    %get3A_1375 = vector.shape_cast %get3A_1374 : vector<16xf32> to vector<16xf32>
    %max3A_1376 = arith.constant -5.000000e+00 : f32
    %max3A_1377 = vector.broadcast %max3A_1376 : f32 to vector<16xf32>
    %max3A_1378 = arith.maximumf %get3A_1375, %max3A_1377 : vector<16xf32>
    %min3A_1379 = arith.constant 5.000000e+00 : f32
    %min3A_1380 = vector.broadcast %min3A_1379 : f32 to vector<16xf32>
    %min3A_1381 = arith.minimumf %max3A_1378, %min3A_1380 : vector<16xf32>
    %get3A_1382 = arith.constant 352 : index
    %get3A_1383 = tpu.vector_load %arg20[%get3A_1382] {strides = array<i32>} : memref<512xf32, #tpu.memory_space<vmem>>, vector<16xf32>,
    %get3A_1384 = vector.shape_cast %get3A_1383 : vector<16xf32> to vector<16xf32>
    %add3A_1385 = arith.addf %get3A_1384, %min3A_1381 : vector<16xf32>
    %swap3A_1386 = arith.constant 352 : index
    %swap3A_1387 = tpu.vector_load %arg26[%swap3A_1386] {strides = array<i32>} : memref<512xf32, #tpu.memory_space<vmem>>, vector<16xf32>,
    %swap3A_1388 = vector.shape_cast %swap3A_1387 : vector<16xf32> to vector<16xf32>
    %swap3A_1389 = vector.shape_cast %add3A_1385 : vector<16xf32> to vector<16xf32>
    tpu.vector_store %arg26[%swap3A_1386], %swap3A_1389 {strides = array<i32>} : memref<512xf32, #tpu.memory_space<vmem>>, vector<16xf32>,
    %get3A_1390 = arith.constant 352 : index
    %get3A_1391 = tpu.vector_load %arg25[%get3A_1390] {strides = array<i32>} : memref<512xf32, #tpu.memory_space<vmem>>, vector<16xf32>,
    %get3A_1392 = vector.shape_cast %get3A_1391 : vector<16xf32> to vector<16xf32>
    %abs3A_1393 = math.absf %get3A_1392 : vector<16xf32>
    %max3A_1394 = arith.constant 1.000000e-01 : f32
    %max3A_1395 = vector.broadcast %max3A_1394 : f32 to vector<16xf32>
    %max3A_1396 = arith.maximumf %abs3A_1393, %max3A_1395 : vector<16xf32>
    %div3A_1397 = arith.constant 1.000000e+00 : f32
    %div3A_1398 = vector.broadcast %div3A_1397 : f32 to vector<16xf32>
    %div3A_1399 = arith.divf %div3A_1398, %max3A_1396 : vector<16xf32>
    %swap3A_1400 = arith.constant 352 : index
    %swap3A_1401 = tpu.vector_load %arg27[%swap3A_1400] {strides = array<i32>} : memref<512xf32, #tpu.memory_space<vmem>>, vector<16xf32>,
    %swap3A_1402 = vector.shape_cast %swap3A_1401 : vector<16xf32> to vector<16xf32>
    %swap3A_1403 = vector.shape_cast %div3A_1399 : vector<16xf32> to vector<16xf32>
    tpu.vector_store %arg27[%swap3A_1400], %swap3A_1403 {strides = array<i32>} : memref<512xf32, #tpu.memory_space<vmem>>, vector<16xf32>,
    %get3A_1404 = arith.constant 368 : index
    %get3A_1405 = tpu.vector_load %arg21[%get3A_1404] {strides = array<i32>} : memref<512xf32, #tpu.memory_space<vmem>>, vector<16xf32>,
    %get3A_1406 = vector.shape_cast %get3A_1405 : vector<16xf32> to vector<16xf32>
    %max3A_1407 = arith.constant -5.000000e+00 : f32
    %max3A_1408 = vector.broadcast %max3A_1407 : f32 to vector<16xf32>
    %max3A_1409 = arith.maximumf %get3A_1406, %max3A_1408 : vector<16xf32>
    %min3A_1410 = arith.constant 5.000000e+00 : f32
    %min3A_1411 = vector.broadcast %min3A_1410 : f32 to vector<16xf32>
    %min3A_1412 = arith.minimumf %max3A_1409, %min3A_1411 : vector<16xf32>
    %get3A_1413 = arith.constant 368 : index
    %get3A_1414 = tpu.vector_load %arg20[%get3A_1413] {strides = array<i32>} : memref<512xf32, #tpu.memory_space<vmem>>, vector<16xf32>,
    %get3A_1415 = vector.shape_cast %get3A_1414 : vector<16xf32> to vector<16xf32>
    %add3A_1416 = arith.addf %get3A_1415, %min3A_1412 : vector<16xf32>
    %swap3A_1417 = arith.constant 368 : index
    %swap3A_1418 = tpu.vector_load %arg26[%swap3A_1417] {strides = array<i32>} : memref<512xf32, #tpu.memory_space<vmem>>, vector<16xf32>,
    %swap3A_1419 = vector.shape_cast %swap3A_1418 : vector<16xf32> to vector<16xf32>
    %swap3A_1420 = vector.shape_cast %add3A_1416 : vector<16xf32> to vector<16xf32>
    tpu.vector_store %arg26[%swap3A_1417], %swap3A_1420 {strides = array<i32>} : memref<512xf32, #tpu.memory_space<vmem>>, vector<16xf32>,
    %get3A_1421 = arith.constant 368 : index
    %get3A_1422 = tpu.vector_load %arg25[%get3A_1421] {strides = array<i32>} : memref<512xf32, #tpu.memory_space<vmem>>, vector<16xf32>,
    %get3A_1423 = vector.shape_cast %get3A_1422 : vector<16xf32> to vector<16xf32>
    %abs3A_1424 = math.absf %get3A_1423 : vector<16xf32>
    %max3A_1425 = arith.constant 1.000000e-01 : f32
    %max3A_1426 = vector.broadcast %max3A_1425 : f32 to vector<16xf32>
    %max3A_1427 = arith.maximumf %abs3A_1424, %max3A_1426 : vector<16xf32>
    %div3A_1428 = arith.constant 1.000000e+00 : f32
    %div3A_1429 = vector.broadcast %div3A_1428 : f32 to vector<16xf32>
    %div3A_1430 = arith.divf %div3A_1429, %max3A_1427 : vector<16xf32>
    %swap3A_1431 = arith.constant 368 : index
    %swap3A_1432 = tpu.vector_load %arg27[%swap3A_1431] {strides = array<i32>} : memref<512xf32, #tpu.memory_space<vmem>>, vector<16xf32>,
    %swap3A_1433 = vector.shape_cast %swap3A_1432 : vector<16xf32> to vector<16xf32>
    %swap3A_1434 = vector.shape_cast %div3A_1430 : vector<16xf32> to vector<16xf32>
    tpu.vector_store %arg27[%swap3A_1431], %swap3A_1434 {strides = array<i32>} : memref<512xf32, #tpu.memory_space<vmem>>, vector<16xf32>,
    %get3A_1435 = arith.constant 384 : index
    %get3A_1436 = tpu.vector_load %arg21[%get3A_1435] {strides = array<i32>} : memref<512xf32, #tpu.memory_space<vmem>>, vector<16xf32>,
    %get3A_1437 = vector.shape_cast %get3A_1436 : vector<16xf32> to vector<16xf32>
    %max3A_1438 = arith.constant -5.000000e+00 : f32
    %max3A_1439 = vector.broadcast %max3A_1438 : f32 to vector<16xf32>
    %max3A_1440 = arith.maximumf %get3A_1437, %max3A_1439 : vector<16xf32>
    %min3A_1441 = arith.constant 5.000000e+00 : f32
    %min3A_1442 = vector.broadcast %min3A_1441 : f32 to vector<16xf32>
    %min3A_1443 = arith.minimumf %max3A_1440, %min3A_1442 : vector<16xf32>
    %get3A_1444 = arith.constant 384 : index
    %get3A_1445 = tpu.vector_load %arg20[%get3A_1444] {strides = array<i32>} : memref<512xf32, #tpu.memory_space<vmem>>, vector<16xf32>,
    %get3A_1446 = vector.shape_cast %get3A_1445 : vector<16xf32> to vector<16xf32>
    %add3A_1447 = arith.addf %get3A_1446, %min3A_1443 : vector<16xf32>
    %swap3A_1448 = arith.constant 384 : index
    %swap3A_1449 = tpu.vector_load %arg26[%swap3A_1448] {strides = array<i32>} : memref<512xf32, #tpu.memory_space<vmem>>, vector<16xf32>,
    %swap3A_1450 = vector.shape_cast %swap3A_1449 : vector<16xf32> to vector<16xf32>
    %swap3A_1451 = vector.shape_cast %add3A_1447 : vector<16xf32> to vector<16xf32>
    tpu.vector_store %arg26[%swap3A_1448], %swap3A_1451 {strides = array<i32>} : memref<512xf32, #tpu.memory_space<vmem>>, vector<16xf32>,
    %get3A_1452 = arith.constant 384 : index
    %get3A_1453 = tpu.vector_load %arg25[%get3A_1452] {strides = array<i32>} : memref<512xf32, #tpu.memory_space<vmem>>, vector<16xf32>,
    %get3A_1454 = vector.shape_cast %get3A_1453 : vector<16xf32> to vector<16xf32>
    %abs3A_1455 = math.absf %get3A_1454 : vector<16xf32>
    %max3A_1456 = arith.constant 1.000000e-01 : f32
    %max3A_1457 = vector.broadcast %max3A_1456 : f32 to vector<16xf32>
    %max3A_1458 = arith.maximumf %abs3A_1455, %max3A_1457 : vector<16xf32>
    %div3A_1459 = arith.constant 1.000000e+00 : f32
    %div3A_1460 = vector.broadcast %div3A_1459 : f32 to vector<16xf32>
    %div3A_1461 = arith.divf %div3A_1460, %max3A_1458 : vector<16xf32>
    %swap3A_1462 = arith.constant 384 : index
    %swap3A_1463 = tpu.vector_load %arg27[%swap3A_1462] {strides = array<i32>} : memref<512xf32, #tpu.memory_space<vmem>>, vector<16xf32>,
    %swap3A_1464 = vector.shape_cast %swap3A_1463 : vector<16xf32> to vector<16xf32>
    %swap3A_1465 = vector.shape_cast %div3A_1461 : vector<16xf32> to vector<16xf32>
    tpu.vector_store %arg27[%swap3A_1462], %swap3A_1465 {strides = array<i32>} : memref<512xf32, #tpu.memory_space<vmem>>, vector<16xf32>,
    %get3A_1466 = arith.constant 400 : index
    %get3A_1467 = tpu.vector_load %arg21[%get3A_1466] {strides = array<i32>} : memref<512xf32, #tpu.memory_space<vmem>>, vector<16xf32>,
    %get3A_1468 = vector.shape_cast %get3A_1467 : vector<16xf32> to vector<16xf32>
    %max3A_1469 = arith.constant -5.000000e+00 : f32
    %max3A_1470 = vector.broadcast %max3A_1469 : f32 to vector<16xf32>
    %max3A_1471 = arith.maximumf %get3A_1468, %max3A_1470 : vector<16xf32>
    %min3A_1472 = arith.constant 5.000000e+00 : f32
    %min3A_1473 = vector.broadcast %min3A_1472 : f32 to vector<16xf32>
    %min3A_1474 = arith.minimumf %max3A_1471, %min3A_1473 : vector<16xf32>
    %get3A_1475 = arith.constant 400 : index
    %get3A_1476 = tpu.vector_load %arg20[%get3A_1475] {strides = array<i32>} : memref<512xf32, #tpu.memory_space<vmem>>, vector<16xf32>,
    %get3A_1477 = vector.shape_cast %get3A_1476 : vector<16xf32> to vector<16xf32>
    %add3A_1478 = arith.addf %get3A_1477, %min3A_1474 : vector<16xf32>
    %swap3A_1479 = arith.constant 400 : index
    %swap3A_1480 = tpu.vector_load %arg26[%swap3A_1479] {strides = array<i32>} : memref<512xf32, #tpu.memory_space<vmem>>, vector<16xf32>,
    %swap3A_1481 = vector.shape_cast %swap3A_1480 : vector<16xf32> to vector<16xf32>
    %swap3A_1482 = vector.shape_cast %add3A_1478 : vector<16xf32> to vector<16xf32>
    tpu.vector_store %arg26[%swap3A_1479], %swap3A_1482 {strides = array<i32>} : memref<512xf32, #tpu.memory_space<vmem>>, vector<16xf32>,
    %get3A_1483 = arith.constant 400 : index
    %get3A_1484 = tpu.vector_load %arg25[%get3A_1483] {strides = array<i32>} : memref<512xf32, #tpu.memory_space<vmem>>, vector<16xf32>,
    %get3A_1485 = vector.shape_cast %get3A_1484 : vector<16xf32> to vector<16xf32>
    %abs3A_1486 = math.absf %get3A_1485 : vector<16xf32>
    %max3A_1487 = arith.constant 1.000000e-01 : f32
    %max3A_1488 = vector.broadcast %max3A_1487 : f32 to vector<16xf32>
    %max3A_1489 = arith.maximumf %abs3A_1486, %max3A_1488 : vector<16xf32>
    %div3A_1490 = arith.constant 1.000000e+00 : f32
    %div3A_1491 = vector.broadcast %div3A_1490 : f32 to vector<16xf32>
    %div3A_1492 = arith.divf %div3A_1491, %max3A_1489 : vector<16xf32>
    %swap3A_1493 = arith.constant 400 : index
    %swap3A_1494 = tpu.vector_load %arg27[%swap3A_1493] {strides = array<i32>} : memref<512xf32, #tpu.memory_space<vmem>>, vector<16xf32>,
    %swap3A_1495 = vector.shape_cast %swap3A_1494 : vector<16xf32> to vector<16xf32>
    %swap3A_1496 = vector.shape_cast %div3A_1492 : vector<16xf32> to vector<16xf32>
    tpu.vector_store %arg27[%swap3A_1493], %swap3A_1496 {strides = array<i32>} : memref<512xf32, #tpu.memory_space<vmem>>, vector<16xf32>,
    %get3A_1497 = arith.constant 416 : index
    %get3A_1498 = tpu.vector_load %arg21[%get3A_1497] {strides = array<i32>} : memref<512xf32, #tpu.memory_space<vmem>>, vector<16xf32>,
    %get3A_1499 = vector.shape_cast %get3A_1498 : vector<16xf32> to vector<16xf32>
    %max3A_1500 = arith.constant -5.000000e+00 : f32
    %max3A_1501 = vector.broadcast %max3A_1500 : f32 to vector<16xf32>
    %max3A_1502 = arith.maximumf %get3A_1499, %max3A_1501 : vector<16xf32>
    %min3A_1503 = arith.constant 5.000000e+00 : f32
    %min3A_1504 = vector.broadcast %min3A_1503 : f32 to vector<16xf32>
    %min3A_1505 = arith.minimumf %max3A_1502, %min3A_1504 : vector<16xf32>
    %get3A_1506 = arith.constant 416 : index
    %get3A_1507 = tpu.vector_load %arg20[%get3A_1506] {strides = array<i32>} : memref<512xf32, #tpu.memory_space<vmem>>, vector<16xf32>,
    %get3A_1508 = vector.shape_cast %get3A_1507 : vector<16xf32> to vector<16xf32>
    %add3A_1509 = arith.addf %get3A_1508, %min3A_1505 : vector<16xf32>
    %swap3A_1510 = arith.constant 416 : index
    %swap3A_1511 = tpu.vector_load %arg26[%swap3A_1510] {strides = array<i32>} : memref<512xf32, #tpu.memory_space<vmem>>, vector<16xf32>,
    %swap3A_1512 = vector.shape_cast %swap3A_1511 : vector<16xf32> to vector<16xf32>
    %swap3A_1513 = vector.shape_cast %add3A_1509 : vector<16xf32> to vector<16xf32>
    tpu.vector_store %arg26[%swap3A_1510], %swap3A_1513 {strides = array<i32>} : memref<512xf32, #tpu.memory_space<vmem>>, vector<16xf32>,
    %get3A_1514 = arith.constant 416 : index
    %get3A_1515 = tpu.vector_load %arg25[%get3A_1514] {strides = array<i32>} : memref<512xf32, #tpu.memory_space<vmem>>, vector<16xf32>,
    %get3A_1516 = vector.shape_cast %get3A_1515 : vector<16xf32> to vector<16xf32>
    %abs3A_1517 = math.absf %get3A_1516 : vector<16xf32>
    %max3A_1518 = arith.constant 1.000000e-01 : f32
    %max3A_1519 = vector.broadcast %max3A_1518 : f32 to vector<16xf32>
    %max3A_1520 = arith.maximumf %abs3A_1517, %max3A_1519 : vector<16xf32>
    %div3A_1521 = arith.constant 1.000000e+00 : f32
    %div3A_1522 = vector.broadcast %div3A_1521 : f32 to vector<16xf32>
    %div3A_1523 = arith.divf %div3A_1522, %max3A_1520 : vector<16xf32>
    %swap3A_1524 = arith.constant 416 : index
    %swap3A_1525 = tpu.vector_load %arg27[%swap3A_1524] {strides = array<i32>} : memref<512xf32, #tpu.memory_space<vmem>>, vector<16xf32>,
    %swap3A_1526 = vector.shape_cast %swap3A_1525 : vector<16xf32> to vector<16xf32>
    %swap3A_1527 = vector.shape_cast %div3A_1523 : vector<16xf32> to vector<16xf32>
    tpu.vector_store %arg27[%swap3A_1524], %swap3A_1527 {strides = array<i32>} : memref<512xf32, #tpu.memory_space<vmem>>, vector<16xf32>,
    %get3A_1528 = arith.constant 432 : index
    %get3A_1529 = tpu.vector_load %arg21[%get3A_1528] {strides = array<i32>} : memref<512xf32, #tpu.memory_space<vmem>>, vector<16xf32>,
    %get3A_1530 = vector.shape_cast %get3A_1529 : vector<16xf32> to vector<16xf32>
    %max3A_1531 = arith.constant -5.000000e+00 : f32
    %max3A_1532 = vector.broadcast %max3A_1531 : f32 to vector<16xf32>
    %max3A_1533 = arith.maximumf %get3A_1530, %max3A_1532 : vector<16xf32>
    %min3A_1534 = arith.constant 5.000000e+00 : f32
    %min3A_1535 = vector.broadcast %min3A_1534 : f32 to vector<16xf32>
    %min3A_1536 = arith.minimumf %max3A_1533, %min3A_1535 : vector<16xf32>
    %get3A_1537 = arith.constant 432 : index
    %get3A_1538 = tpu.vector_load %arg20[%get3A_1537] {strides = array<i32>} : memref<512xf32, #tpu.memory_space<vmem>>, vector<16xf32>,
    %get3A_1539 = vector.shape_cast %get3A_1538 : vector<16xf32> to vector<16xf32>
    %add3A_1540 = arith.addf %get3A_1539, %min3A_1536 : vector<16xf32>
    %swap3A_1541 = arith.constant 432 : index
    %swap3A_1542 = tpu.vector_load %arg26[%swap3A_1541] {strides = array<i32>} : memref<512xf32, #tpu.memory_space<vmem>>, vector<16xf32>,
    %swap3A_1543 = vector.shape_cast %swap3A_1542 : vector<16xf32> to vector<16xf32>
    %swap3A_1544 = vector.shape_cast %add3A_1540 : vector<16xf32> to vector<16xf32>
    tpu.vector_store %arg26[%swap3A_1541], %swap3A_1544 {strides = array<i32>} : memref<512xf32, #tpu.memory_space<vmem>>, vector<16xf32>,
    %get3A_1545 = arith.constant 432 : index
    %get3A_1546 = tpu.vector_load %arg25[%get3A_1545] {strides = array<i32>} : memref<512xf32, #tpu.memory_space<vmem>>, vector<16xf32>,
    %get3A_1547 = vector.shape_cast %get3A_1546 : vector<16xf32> to vector<16xf32>
    %abs3A_1548 = math.absf %get3A_1547 : vector<16xf32>
    %max3A_1549 = arith.constant 1.000000e-01 : f32
    %max3A_1550 = vector.broadcast %max3A_1549 : f32 to vector<16xf32>
    %max3A_1551 = arith.maximumf %abs3A_1548, %max3A_1550 : vector<16xf32>
    %div3A_1552 = arith.constant 1.000000e+00 : f32
    %div3A_1553 = vector.broadcast %div3A_1552 : f32 to vector<16xf32>
    %div3A_1554 = arith.divf %div3A_1553, %max3A_1551 : vector<16xf32>
    %swap3A_1555 = arith.constant 432 : index
    %swap3A_1556 = tpu.vector_load %arg27[%swap3A_1555] {strides = array<i32>} : memref<512xf32, #tpu.memory_space<vmem>>, vector<16xf32>,
    %swap3A_1557 = vector.shape_cast %swap3A_1556 : vector<16xf32> to vector<16xf32>
    %swap3A_1558 = vector.shape_cast %div3A_1554 : vector<16xf32> to vector<16xf32>
    tpu.vector_store %arg27[%swap3A_1555], %swap3A_1558 {strides = array<i32>} : memref<512xf32, #tpu.memory_space<vmem>>, vector<16xf32>,
    %get3A_1559 = arith.constant 448 : index
    %get3A_1560 = tpu.vector_load %arg21[%get3A_1559] {strides = array<i32>} : memref<512xf32, #tpu.memory_space<vmem>>, vector<16xf32>,
    %get3A_1561 = vector.shape_cast %get3A_1560 : vector<16xf32> to vector<16xf32>
    %max3A_1562 = arith.constant -5.000000e+00 : f32
    %max3A_1563 = vector.broadcast %max3A_1562 : f32 to vector<16xf32>
    %max3A_1564 = arith.maximumf %get3A_1561, %max3A_1563 : vector<16xf32>
    %min3A_1565 = arith.constant 5.000000e+00 : f32
    %min3A_1566 = vector.broadcast %min3A_1565 : f32 to vector<16xf32>
    %min3A_1567 = arith.minimumf %max3A_1564, %min3A_1566 : vector<16xf32>
    %get3A_1568 = arith.constant 448 : index
    %get3A_1569 = tpu.vector_load %arg20[%get3A_1568] {strides = array<i32>} : memref<512xf32, #tpu.memory_space<vmem>>, vector<16xf32>,
    %get3A_1570 = vector.shape_cast %get3A_1569 : vector<16xf32> to vector<16xf32>
    %add3A_1571 = arith.addf %get3A_1570, %min3A_1567 : vector<16xf32>
    %swap3A_1572 = arith.constant 448 : index
    %swap3A_1573 = tpu.vector_load %arg26[%swap3A_1572] {strides = array<i32>} : memref<512xf32, #tpu.memory_space<vmem>>, vector<16xf32>,
    %swap3A_1574 = vector.shape_cast %swap3A_1573 : vector<16xf32> to vector<16xf32>
    %swap3A_1575 = vector.shape_cast %add3A_1571 : vector<16xf32> to vector<16xf32>
    tpu.vector_store %arg26[%swap3A_1572], %swap3A_1575 {strides = array<i32>} : memref<512xf32, #tpu.memory_space<vmem>>, vector<16xf32>,
    %get3A_1576 = arith.constant 448 : index
    %get3A_1577 = tpu.vector_load %arg25[%get3A_1576] {strides = array<i32>} : memref<512xf32, #tpu.memory_space<vmem>>, vector<16xf32>,
    %get3A_1578 = vector.shape_cast %get3A_1577 : vector<16xf32> to vector<16xf32>
    %abs3A_1579 = math.absf %get3A_1578 : vector<16xf32>
    %max3A_1580 = arith.constant 1.000000e-01 : f32
    %max3A_1581 = vector.broadcast %max3A_1580 : f32 to vector<16xf32>
    %max3A_1582 = arith.maximumf %abs3A_1579, %max3A_1581 : vector<16xf32>
    %div3A_1583 = arith.constant 1.000000e+00 : f32
    %div3A_1584 = vector.broadcast %div3A_1583 : f32 to vector<16xf32>
    %div3A_1585 = arith.divf %div3A_1584, %max3A_1582 : vector<16xf32>
    %swap3A_1586 = arith.constant 448 : index
    %swap3A_1587 = tpu.vector_load %arg27[%swap3A_1586] {strides = array<i32>} : memref<512xf32, #tpu.memory_space<vmem>>, vector<16xf32>,
    %swap3A_1588 = vector.shape_cast %swap3A_1587 : vector<16xf32> to vector<16xf32>
    %swap3A_1589 = vector.shape_cast %div3A_1585 : vector<16xf32> to vector<16xf32>
    tpu.vector_store %arg27[%swap3A_1586], %swap3A_1589 {strides = array<i32>} : memref<512xf32, #tpu.memory_space<vmem>>, vector<16xf32>,
    %get3A_1590 = arith.constant 464 : index
    %get3A_1591 = tpu.vector_load %arg21[%get3A_1590] {strides = array<i32>} : memref<512xf32, #tpu.memory_space<vmem>>, vector<16xf32>,
    %get3A_1592 = vector.shape_cast %get3A_1591 : vector<16xf32> to vector<16xf32>
    %max3A_1593 = arith.constant -5.000000e+00 : f32
    %max3A_1594 = vector.broadcast %max3A_1593 : f32 to vector<16xf32>
    %max3A_1595 = arith.maximumf %get3A_1592, %max3A_1594 : vector<16xf32>
    %min3A_1596 = arith.constant 5.000000e+00 : f32
    %min3A_1597 = vector.broadcast %min3A_1596 : f32 to vector<16xf32>
    %min3A_1598 = arith.minimumf %max3A_1595, %min3A_1597 : vector<16xf32>
    %get3A_1599 = arith.constant 464 : index
    %get3A_1600 = tpu.vector_load %arg20[%get3A_1599] {strides = array<i32>} : memref<512xf32, #tpu.memory_space<vmem>>, vector<16xf32>,
    %get3A_1601 = vector.shape_cast %get3A_1600 : vector<16xf32> to vector<16xf32>
    %add3A_1602 = arith.addf %get3A_1601, %min3A_1598 : vector<16xf32>
    %swap3A_1603 = arith.constant 464 : index
    %swap3A_1604 = tpu.vector_load %arg26[%swap3A_1603] {strides = array<i32>} : memref<512xf32, #tpu.memory_space<vmem>>, vector<16xf32>,
    %swap3A_1605 = vector.shape_cast %swap3A_1604 : vector<16xf32> to vector<16xf32>
    %swap3A_1606 = vector.shape_cast %add3A_1602 : vector<16xf32> to vector<16xf32>
    tpu.vector_store %arg26[%swap3A_1603], %swap3A_1606 {strides = array<i32>} : memref<512xf32, #tpu.memory_space<vmem>>, vector<16xf32>,
    %get3A_1607 = arith.constant 464 : index
    %get3A_1608 = tpu.vector_load %arg25[%get3A_1607] {strides = array<i32>} : memref<512xf32, #tpu.memory_space<vmem>>, vector<16xf32>,
    %get3A_1609 = vector.shape_cast %get3A_1608 : vector<16xf32> to vector<16xf32>
    %abs3A_1610 = math.absf %get3A_1609 : vector<16xf32>
    %max3A_1611 = arith.constant 1.000000e-01 : f32
    %max3A_1612 = vector.broadcast %max3A_1611 : f32 to vector<16xf32>
    %max3A_1613 = arith.maximumf %abs3A_1610, %max3A_1612 : vector<16xf32>
    %div3A_1614 = arith.constant 1.000000e+00 : f32
    %div3A_1615 = vector.broadcast %div3A_1614 : f32 to vector<16xf32>
    %div3A_1616 = arith.divf %div3A_1615, %max3A_1613 : vector<16xf32>
    %swap3A_1617 = arith.constant 464 : index
    %swap3A_1618 = tpu.vector_load %arg27[%swap3A_1617] {strides = array<i32>} : memref<512xf32, #tpu.memory_space<vmem>>, vector<16xf32>,
    %swap3A_1619 = vector.shape_cast %swap3A_1618 : vector<16xf32> to vector<16xf32>
    %swap3A_1620 = vector.shape_cast %div3A_1616 : vector<16xf32> to vector<16xf32>
    tpu.vector_store %arg27[%swap3A_1617], %swap3A_1620 {strides = array<i32>} : memref<512xf32, #tpu.memory_space<vmem>>, vector<16xf32>,
    %get3A_1621 = arith.constant 480 : index
    %get3A_1622 = tpu.vector_load %arg21[%get3A_1621] {strides = array<i32>} : memref<512xf32, #tpu.memory_space<vmem>>, vector<16xf32>,
    %get3A_1623 = vector.shape_cast %get3A_1622 : vector<16xf32> to vector<16xf32>
    %max3A_1624 = arith.constant -5.000000e+00 : f32
    %max3A_1625 = vector.broadcast %max3A_1624 : f32 to vector<16xf32>
    %max3A_1626 = arith.maximumf %get3A_1623, %max3A_1625 : vector<16xf32>
    %min3A_1627 = arith.constant 5.000000e+00 : f32
    %min3A_1628 = vector.broadcast %min3A_1627 : f32 to vector<16xf32>
    %min3A_1629 = arith.minimumf %max3A_1626, %min3A_1628 : vector<16xf32>
    %get3A_1630 = arith.constant 480 : index
    %get3A_1631 = tpu.vector_load %arg20[%get3A_1630] {strides = array<i32>} : memref<512xf32, #tpu.memory_space<vmem>>, vector<16xf32>,
    %get3A_1632 = vector.shape_cast %get3A_1631 : vector<16xf32> to vector<16xf32>
    %add3A_1633 = arith.addf %get3A_1632, %min3A_1629 : vector<16xf32>
    %swap3A_1634 = arith.constant 480 : index
    %swap3A_1635 = tpu.vector_load %arg26[%swap3A_1634] {strides = array<i32>} : memref<512xf32, #tpu.memory_space<vmem>>, vector<16xf32>,
    %swap3A_1636 = vector.shape_cast %swap3A_1635 : vector<16xf32> to vector<16xf32>
    %swap3A_1637 = vector.shape_cast %add3A_1633 : vector<16xf32> to vector<16xf32>
    tpu.vector_store %arg26[%swap3A_1634], %swap3A_1637 {strides = array<i32>} : memref<512xf32, #tpu.memory_space<vmem>>, vector<16xf32>,
    %get3A_1638 = arith.constant 480 : index
    %get3A_1639 = tpu.vector_load %arg25[%get3A_1638] {strides = array<i32>} : memref<512xf32, #tpu.memory_space<vmem>>, vector<16xf32>,
    %get3A_1640 = vector.shape_cast %get3A_1639 : vector<16xf32> to vector<16xf32>
    %abs3A_1641 = math.absf %get3A_1640 : vector<16xf32>
    %max3A_1642 = arith.constant 1.000000e-01 : f32
    %max3A_1643 = vector.broadcast %max3A_1642 : f32 to vector<16xf32>
    %max3A_1644 = arith.maximumf %abs3A_1641, %max3A_1643 : vector<16xf32>
    %div3A_1645 = arith.constant 1.000000e+00 : f32
    %div3A_1646 = vector.broadcast %div3A_1645 : f32 to vector<16xf32>
    %div3A_1647 = arith.divf %div3A_1646, %max3A_1644 : vector<16xf32>
    %swap3A_1648 = arith.constant 480 : index
    %swap3A_1649 = tpu.vector_load %arg27[%swap3A_1648] {strides = array<i32>} : memref<512xf32, #tpu.memory_space<vmem>>, vector<16xf32>,
    %swap3A_1650 = vector.shape_cast %swap3A_1649 : vector<16xf32> to vector<16xf32>
    %swap3A_1651 = vector.shape_cast %div3A_1647 : vector<16xf32> to vector<16xf32>
    tpu.vector_store %arg27[%swap3A_1648], %swap3A_1651 {strides = array<i32>} : memref<512xf32, #tpu.memory_space<vmem>>, vector<16xf32>,
    %get3A_1652 = arith.constant 496 : index
    %get3A_1653 = tpu.vector_load %arg21[%get3A_1652] {strides = array<i32>} : memref<512xf32, #tpu.memory_space<vmem>>, vector<16xf32>,
    %get3A_1654 = vector.shape_cast %get3A_1653 : vector<16xf32> to vector<16xf32>
    %max3A_1655 = arith.constant -5.000000e+00 : f32
    %max3A_1656 = vector.broadcast %max3A_1655 : f32 to vector<16xf32>
    %max3A_1657 = arith.maximumf %get3A_1654, %max3A_1656 : vector<16xf32>
    %min3A_1658 = arith.constant 5.000000e+00 : f32
    %min3A_1659 = vector.broadcast %min3A_1658 : f32 to vector<16xf32>
    %min3A_1660 = arith.minimumf %max3A_1657, %min3A_1659 : vector<16xf32>
    %get3A_1661 = arith.constant 496 : index
    %get3A_1662 = tpu.vector_load %arg20[%get3A_1661] {strides = array<i32>} : memref<512xf32, #tpu.memory_space<vmem>>, vector<16xf32>,
    %get3A_1663 = vector.shape_cast %get3A_1662 : vector<16xf32> to vector<16xf32>
    %add3A_1664 = arith.addf %get3A_1663, %min3A_1660 : vector<16xf32>
    %swap3A_1665 = arith.constant 496 : index
    %swap3A_1666 = tpu.vector_load %arg26[%swap3A_1665] {strides = array<i32>} : memref<512xf32, #tpu.memory_space<vmem>>, vector<16xf32>,
    %swap3A_1667 = vector.shape_cast %swap3A_1666 : vector<16xf32> to vector<16xf32>
    %swap3A_1668 = vector.shape_cast %add3A_1664 : vector<16xf32> to vector<16xf32>
    tpu.vector_store %arg26[%swap3A_1665], %swap3A_1668 {strides = array<i32>} : memref<512xf32, #tpu.memory_space<vmem>>, vector<16xf32>,
    %get3A_1669 = arith.constant 496 : index
    %get3A_1670 = tpu.vector_load %arg25[%get3A_1669] {strides = array<i32>} : memref<512xf32, #tpu.memory_space<vmem>>, vector<16xf32>,
    %get3A_1671 = vector.shape_cast %get3A_1670 : vector<16xf32> to vector<16xf32>
    %abs3A_1672 = math.absf %get3A_1671 : vector<16xf32>
    %max3A_1673 = arith.constant 1.000000e-01 : f32
    %max3A_1674 = vector.broadcast %max3A_1673 : f32 to vector<16xf32>
    %max3A_1675 = arith.maximumf %abs3A_1672, %max3A_1674 : vector<16xf32>
    %div3A_1676 = arith.constant 1.000000e+00 : f32
    %div3A_1677 = vector.broadcast %div3A_1676 : f32 to vector<16xf32>
    %div3A_1678 = arith.divf %div3A_1677, %max3A_1675 : vector<16xf32>
    %swap3A_1679 = arith.constant 496 : index
    %swap3A_1680 = tpu.vector_load %arg27[%swap3A_1679] {strides = array<i32>} : memref<512xf32, #tpu.memory_space<vmem>>, vector<16xf32>,
    %swap3A_1681 = vector.shape_cast %swap3A_1680 : vector<16xf32> to vector<16xf32>
    %swap3A_1682 = vector.shape_cast %div3A_1678 : vector<16xf32> to vector<16xf32>
    tpu.vector_store %arg27[%swap3A_1679], %swap3A_1682 {strides = array<i32>} : memref<512xf32, #tpu.memory_space<vmem>>, vector<16xf32>,
    "tpu.region"() ({
      %run_scoped3A = tpu.sem_alloc : memref<!tpu.dma_semaphore, #tpu.memory_space<semaphore_mem>>
      %dma_start3A_1683 = tpu.memref_slice %arg11[%mul3A_2] : memref<16384xf32, #tpu.memory_space<hbm>> -> memref<512xf32, #tpu.memory_space<hbm>>
      %dma_start3A_1684 = tpu.memref_slice %arg11[%mul3A_2] : memref<16384xf32, #tpu.memory_space<hbm>> -> memref<512xf32, #tpu.memory_space<hbm>>
      tpu.enqueue_dma source(%arg26 : memref<512xf32, #tpu.memory_space<vmem>>) target(%dma_start3A_1684 : memref<512xf32, #tpu.memory_space<hbm>>) target_semaphore(%run_scoped3A : memref<!tpu.dma_semaphore, #tpu.memory_space<semaphore_mem>>)
      %dma_wait3A_1685 = tpu.memref_slice %arg11[%mul3A_2] : memref<16384xf32, #tpu.memory_space<hbm>> -> memref<512xf32, #tpu.memory_space<hbm>>
      %dma_wait3A_1686 = tpu.memref_slice %arg11[%mul3A_2] : memref<16384xf32, #tpu.memory_space<hbm>> -> memref<512xf32, #tpu.memory_space<hbm>>
      tpu.wait_dma2 semaphore(%run_scoped3A : memref<!tpu.dma_semaphore, #tpu.memory_space<semaphore_mem>>) src(%arg26 : memref<512xf32, #tpu.memory_space<vmem>>) dst(%dma_wait3A_1686 : memref<512xf32, #tpu.memory_space<hbm>>)
      tpu.yield
    }) : () -> ()
    "tpu.region"() ({
      %run_scoped3A = tpu.sem_alloc : memref<!tpu.dma_semaphore, #tpu.memory_space<semaphore_mem>>
      %dma_start3A_1683 = tpu.memref_slice %arg12[%mul3A_2] : memref<16384xf32, #tpu.memory_space<hbm>> -> memref<512xf32, #tpu.memory_space<hbm>>
      %dma_start3A_1684 = tpu.memref_slice %arg12[%mul3A_2] : memref<16384xf32, #tpu.memory_space<hbm>> -> memref<512xf32, #tpu.memory_space<hbm>>
      tpu.enqueue_dma source(%arg27 : memref<512xf32, #tpu.memory_space<vmem>>) target(%dma_start3A_1684 : memref<512xf32, #tpu.memory_space<hbm>>) target_semaphore(%run_scoped3A : memref<!tpu.dma_semaphore, #tpu.memory_space<semaphore_mem>>)
      %dma_wait3A_1685 = tpu.memref_slice %arg12[%mul3A_2] : memref<16384xf32, #tpu.memory_space<hbm>> -> memref<512xf32, #tpu.memory_space<hbm>>
      %dma_wait3A_1686 = tpu.memref_slice %arg12[%mul3A_2] : memref<16384xf32, #tpu.memory_space<hbm>> -> memref<512xf32, #tpu.memory_space<hbm>>
      tpu.wait_dma2 semaphore(%run_scoped3A : memref<!tpu.dma_semaphore, #tpu.memory_space<semaphore_mem>>) src(%arg27 : memref<512xf32, #tpu.memory_space<vmem>>) dst(%dma_wait3A_1686 : memref<512xf32, #tpu.memory_space<hbm>>)
      tpu.yield
    }) : () -> ()
    "tpu.region"() ({
      %run_scoped3A = tpu.sem_alloc : memref<!tpu.dma_semaphore, #tpu.memory_space<semaphore_mem>>
      %dma_start3A_1683 = tpu.memref_slice %arg13[%mul3A_2] : memref<16384xf32, #tpu.memory_space<hbm>> -> memref<512xf32, #tpu.memory_space<hbm>>
      %dma_start3A_1684 = tpu.memref_slice %arg13[%mul3A_2] : memref<16384xf32, #tpu.memory_space<hbm>> -> memref<512xf32, #tpu.memory_space<hbm>>
      tpu.enqueue_dma source(%arg22 : memref<512xf32, #tpu.memory_space<vmem>>) target(%dma_start3A_1684 : memref<512xf32, #tpu.memory_space<hbm>>) target_semaphore(%run_scoped3A : memref<!tpu.dma_semaphore, #tpu.memory_space<semaphore_mem>>)
      %dma_wait3A_1685 = tpu.memref_slice %arg13[%mul3A_2] : memref<16384xf32, #tpu.memory_space<hbm>> -> memref<512xf32, #tpu.memory_space<hbm>>
      %dma_wait3A_1686 = tpu.memref_slice %arg13[%mul3A_2] : memref<16384xf32, #tpu.memory_space<hbm>> -> memref<512xf32, #tpu.memory_space<hbm>>
      tpu.wait_dma2 semaphore(%run_scoped3A : memref<!tpu.dma_semaphore, #tpu.memory_space<semaphore_mem>>) src(%arg22 : memref<512xf32, #tpu.memory_space<vmem>>) dst(%dma_wait3A_1686 : memref<512xf32, #tpu.memory_space<hbm>>)
      tpu.yield
    }) : () -> ()
    "tpu.region"() ({
      %run_scoped3A = tpu.sem_alloc : memref<!tpu.dma_semaphore, #tpu.memory_space<semaphore_mem>>
      %dma_start3A_1683 = tpu.memref_slice %arg14[%mul3A_2] : memref<16384xf32, #tpu.memory_space<hbm>> -> memref<512xf32, #tpu.memory_space<hbm>>
      %dma_start3A_1684 = tpu.memref_slice %arg14[%mul3A_2] : memref<16384xf32, #tpu.memory_space<hbm>> -> memref<512xf32, #tpu.memory_space<hbm>>
      tpu.enqueue_dma source(%arg23 : memref<512xf32, #tpu.memory_space<vmem>>) target(%dma_start3A_1684 : memref<512xf32, #tpu.memory_space<hbm>>) target_semaphore(%run_scoped3A : memref<!tpu.dma_semaphore, #tpu.memory_space<semaphore_mem>>)
      %dma_wait3A_1685 = tpu.memref_slice %arg14[%mul3A_2] : memref<16384xf32, #tpu.memory_space<hbm>> -> memref<512xf32, #tpu.memory_space<hbm>>
      %dma_wait3A_1686 = tpu.memref_slice %arg14[%mul3A_2] : memref<16384xf32, #tpu.memory_space<hbm>> -> memref<512xf32, #tpu.memory_space<hbm>>
      tpu.wait_dma2 semaphore(%run_scoped3A : memref<!tpu.dma_semaphore, #tpu.memory_space<semaphore_mem>>) src(%arg23 : memref<512xf32, #tpu.memory_space<vmem>>) dst(%dma_wait3A_1686 : memref<512xf32, #tpu.memory_space<hbm>>)
      tpu.yield
    }) : () -> ()
    "tpu.region"() ({
      %run_scoped3A = tpu.sem_alloc : memref<!tpu.dma_semaphore, #tpu.memory_space<semaphore_mem>>
      %dma_start3A_1683 = tpu.memref_slice %arg15[%mul3A_2] : memref<16384xf32, #tpu.memory_space<hbm>> -> memref<512xf32, #tpu.memory_space<hbm>>
      %dma_start3A_1684 = tpu.memref_slice %arg15[%mul3A_2] : memref<16384xf32, #tpu.memory_space<hbm>> -> memref<512xf32, #tpu.memory_space<hbm>>
      tpu.enqueue_dma source(%arg24 : memref<512xf32, #tpu.memory_space<vmem>>) target(%dma_start3A_1684 : memref<512xf32, #tpu.memory_space<hbm>>) target_semaphore(%run_scoped3A : memref<!tpu.dma_semaphore, #tpu.memory_space<semaphore_mem>>)
      %dma_wait3A_1685 = tpu.memref_slice %arg15[%mul3A_2] : memref<16384xf32, #tpu.memory_space<hbm>> -> memref<512xf32, #tpu.memory_space<hbm>>
      %dma_wait3A_1686 = tpu.memref_slice %arg15[%mul3A_2] : memref<16384xf32, #tpu.memory_space<hbm>> -> memref<512xf32, #tpu.memory_space<hbm>>
      tpu.wait_dma2 semaphore(%run_scoped3A : memref<!tpu.dma_semaphore, #tpu.memory_space<semaphore_mem>>) src(%arg24 : memref<512xf32, #tpu.memory_space<vmem>>) dst(%dma_wait3A_1686 : memref<512xf32, #tpu.memory_space<hbm>>)
      tpu.yield
    }) : () -> ()
    return
  }
}

module attributes {stable_mosaic.version = 14 : i64} {
  func.func @_tc_body(%arg0: i32, %arg1: memref<1x1xf32, #tpu.memory_space<vmem>>, %arg2: memref<2048x200xf32, #tpu.memory_space<vmem>>, %arg3: memref<2048x1xf32, #tpu.memory_space<vmem>>, %arg4: memref<2048x1xf32, #tpu.memory_space<vmem>>, %arg5: memref<2048x1xf32, #tpu.memory_space<vmem>>, %arg6: memref<2048x1xf32, #tpu.memory_space<vmem>>, %arg7: memref<2048x1xf32, #tpu.memory_space<vmem>>, %arg8: memref<2048x200xf32, #tpu.memory_space<vmem>>, %arg9: memref<2048x200xf32, #tpu.memory_space<vmem>>, %arg10: memref<2048x200xf32, #tpu.memory_space<vmem>>) attributes {dimension_semantics = [#tpu.dimension_semantics<arbitrary>], iteration_bounds = array<i64: 8>, scalar_prefetch = 0 : i64, scratch_operands = 0 : i64, tpu.core_type = #tpu.core_type<tc>, window_params = [{pipeline_mode = #tpu.pipeline_mode<synchronous>, transform_indices = @transform_0, window_bounds = array<i64: 1, 1>}, {transform_indices = @transform_1, window_bounds = array<i64: 2048, 200>}, {transform_indices = @transform_2, window_bounds = array<i64: 2048, 1>}, {transform_indices = @transform_3, window_bounds = array<i64: 2048, 1>}, {transform_indices = @transform_4, window_bounds = array<i64: 2048, 1>}, {transform_indices = @transform_5, window_bounds = array<i64: 2048, 1>}, {transform_indices = @transform_6, window_bounds = array<i64: 2048, 1>}, {transform_indices = @transform_7, window_bounds = array<i64: 2048, 200>}, {transform_indices = @transform_8, window_bounds = array<i64: 2048, 200>}, {transform_indices = @transform_9, window_bounds = array<i64: 2048, 200>}]} {
    %get3A = arith.constant 0 : index
    %get3A_0 = arith.constant 0 : index
    %get3A_1 = vector.load %arg1[%get3A, %get3A_0] : memref<1x1xf32, #tpu.memory_space<vmem>>, vector<1x1xf32>
    %get3A_2 = vector.extract %get3A_1[0, 0] : f32 from vector<1x1xf32>
    %jit3A = arith.constant 1.000000e+00 : f32
    %jit3A_3 = arith.constant 2.000000e+01 : f32
    %max3A = arith.maximumf %jit3A, %get3A_2 : f32
    %min3A = arith.minimumf %jit3A_3, %max3A : f32
    %get3A_4 = arith.constant 0 : index
    %get3A_5 = arith.constant 0 : index
    %get3A_6 = vector.load %arg2[%get3A_4, %get3A_5] : memref<2048x200xf32, #tpu.memory_space<vmem>>, vector<2048x200xf32>
    %max3A_7 = arith.constant 0.000000e+00 : f32
    %max3A_8 = vector.broadcast %max3A_7 : f32 to vector<2048x200xf32>
    %max3A_9 = arith.maximumf %get3A_6, %max3A_8 : vector<2048x200xf32>
    %abs3A = math.absf %get3A_6 : vector<2048x200xf32>
    %neg3A = arith.constant 0.000000e+00 : f32
    %neg3A_10 = vector.broadcast %neg3A : f32 to vector<2048x200xf32>
    %neg3A_11 = arith.subf %neg3A_10, %abs3A : vector<2048x200xf32>
    %exp3A = math.exp %neg3A_11 : vector<2048x200xf32>
    %log1p3A = math.log1p %exp3A : vector<2048x200xf32>
    %add3A = arith.addf %max3A_9, %log1p3A : vector<2048x200xf32>
    %get3A_12 = arith.constant 0 : index
    %get3A_13 = arith.constant 0 : index
    %get3A_14 = vector.load %arg4[%get3A_12, %get3A_13] : memref<2048x1xf32, #tpu.memory_space<vmem>>, vector<2048x1xf32>
    %mul3A = vector.broadcast %get3A_14 : vector<2048x1xf32> to vector<2048x200xf32>
    %mul3A_15 = arith.mulf %add3A, %mul3A : vector<2048x200xf32>
    %sub3A = arith.constant 1.000000e+00 : f32
    %sub3A_16 = vector.broadcast %sub3A : f32 to vector<2048x200xf32>
    %sub3A_17 = arith.subf %mul3A_15, %sub3A_16 : vector<2048x200xf32>
    %mul3A_18 = vector.broadcast %min3A : f32 to vector<2048x200xf32>
    %mul3A_19 = arith.mulf %mul3A_18, %sub3A_17 : vector<2048x200xf32>
    %neg3A_20 = arith.constant 0.000000e+00 : f32
    %neg3A_21 = vector.broadcast %neg3A_20 : f32 to vector<2048x200xf32>
    %neg3A_22 = arith.subf %neg3A_21, %mul3A_19 : vector<2048x200xf32>
    %exp3A_23 = math.exp %neg3A_22 : vector<2048x200xf32>
    %add3A_24 = arith.constant 1.000000e+00 : f32
    %add3A_25 = vector.broadcast %add3A_24 : f32 to vector<2048x200xf32>
    %add3A_26 = arith.addf %add3A_25, %exp3A_23 : vector<2048x200xf32>
    %div3A = arith.constant 1.000000e+00 : f32
    %div3A_27 = vector.broadcast %div3A : f32 to vector<2048x200xf32>
    %div3A_28 = arith.divf %div3A_27, %add3A_26 : vector<2048x200xf32>
    %tanh3A = math.tanh %mul3A_15 : vector<2048x200xf32>
    %get3A_29 = arith.constant 0 : index
    %get3A_30 = arith.constant 0 : index
    %get3A_31 = vector.load %arg5[%get3A_29, %get3A_30] : memref<2048x1xf32, #tpu.memory_space<vmem>>, vector<2048x1xf32>
    %mul3A_32 = vector.broadcast %get3A_31 : vector<2048x1xf32> to vector<2048x200xf32>
    %mul3A_33 = arith.mulf %tanh3A, %mul3A_32 : vector<2048x200xf32>
    %log1p3A_34 = math.log1p %mul3A_15 : vector<2048x200xf32>
    %get3A_35 = arith.constant 0 : index
    %get3A_36 = arith.constant 0 : index
    %get3A_37 = vector.load %arg6[%get3A_35, %get3A_36] : memref<2048x1xf32, #tpu.memory_space<vmem>>, vector<2048x1xf32>
    %mul3A_38 = vector.broadcast %get3A_37 : vector<2048x1xf32> to vector<2048x200xf32>
    %mul3A_39 = arith.mulf %log1p3A_34, %mul3A_38 : vector<2048x200xf32>
    %sub3A_40 = arith.constant 1.000000e+00 : f32
    %sub3A_41 = vector.broadcast %sub3A_40 : f32 to vector<2048x200xf32>
    %sub3A_42 = arith.subf %sub3A_41, %div3A_28 : vector<2048x200xf32>
    %mul3A_43 = arith.mulf %sub3A_42, %mul3A_33 : vector<2048x200xf32>
    %mul3A_44 = arith.mulf %div3A_28, %mul3A_39 : vector<2048x200xf32>
    %add3A_45 = arith.addf %mul3A_43, %mul3A_44 : vector<2048x200xf32>
    %get3A_46 = arith.constant 0 : index
    %get3A_47 = arith.constant 0 : index
    %get3A_48 = vector.load %arg7[%get3A_46, %get3A_47] : memref<2048x1xf32, #tpu.memory_space<vmem>>, vector<2048x1xf32>
    %mul3A_49 = vector.broadcast %get3A_48 : vector<2048x1xf32> to vector<2048x200xf32>
    %mul3A_50 = arith.mulf %mul3A_15, %mul3A_49 : vector<2048x200xf32>
    %add3A_51 = arith.addf %add3A_45, %mul3A_50 : vector<2048x200xf32>
    %get3A_52 = arith.constant 0 : index
    %get3A_53 = arith.constant 0 : index
    %get3A_54 = vector.load %arg3[%get3A_52, %get3A_53] : memref<2048x1xf32, #tpu.memory_space<vmem>>, vector<2048x1xf32>
    %mul3A_55 = vector.broadcast %get3A_54 : vector<2048x1xf32> to vector<2048x200xf32>
    %mul3A_56 = arith.mulf %mul3A_55, %add3A_51 : vector<2048x200xf32>
    %swap3A = arith.constant 0 : index
    %swap3A_57 = arith.constant 0 : index
    %swap3A_58 = vector.load %arg8[%swap3A, %swap3A_57] : memref<2048x200xf32, #tpu.memory_space<vmem>>, vector<2048x200xf32>
    tpu.vector_store %arg8[%swap3A, %swap3A_57], %mul3A_56 {strides = array<i32>} : memref<2048x200xf32, #tpu.memory_space<vmem>>, vector<2048x200xf32>,
    %swap3A_59 = arith.constant 0 : index
    %swap3A_60 = arith.constant 0 : index
    %swap3A_61 = vector.load %arg9[%swap3A_59, %swap3A_60] : memref<2048x200xf32, #tpu.memory_space<vmem>>, vector<2048x200xf32>
    tpu.vector_store %arg9[%swap3A_59, %swap3A_60], %div3A_28 {strides = array<i32>} : memref<2048x200xf32, #tpu.memory_space<vmem>>, vector<2048x200xf32>,
    %swap3A_62 = arith.constant 0 : index
    %swap3A_63 = arith.constant 0 : index
    %swap3A_64 = vector.load %arg10[%swap3A_62, %swap3A_63] : memref<2048x200xf32, #tpu.memory_space<vmem>>, vector<2048x200xf32>
    tpu.vector_store %arg10[%swap3A_62, %swap3A_63], %add3A_51 {strides = array<i32>} : memref<2048x200xf32, #tpu.memory_space<vmem>>, vector<2048x200xf32>,
    return
  }
  func.func @transform_0(%arg0: i32) -> (i32, i32) {
    %c0_i32 = arith.constant 0 : i32
    %c0_i32_0 = arith.constant 0 : i32
    %c0_i32_1 = arith.constant 0 : i32
    return %c0_i32, %c0_i32_0 : i32, i32
  }
  func.func @transform_1(%arg0: i32) -> (i32, i32) {
    %c0_i32 = arith.constant 0 : i32
    %c0_i32_0 = arith.constant 0 : i32
    return %arg0, %c0_i32 : i32, i32
  }
  func.func @transform_2(%arg0: i32) -> (i32, i32) {
    %c0_i32 = arith.constant 0 : i32
    %c0_i32_0 = arith.constant 0 : i32
    return %arg0, %c0_i32 : i32, i32
  }
  func.func @transform_3(%arg0: i32) -> (i32, i32) {
    %c0_i32 = arith.constant 0 : i32
    %c0_i32_0 = arith.constant 0 : i32
    return %arg0, %c0_i32 : i32, i32
  }
  func.func @transform_4(%arg0: i32) -> (i32, i32) {
    %c0_i32 = arith.constant 0 : i32
    %c0_i32_0 = arith.constant 0 : i32
    return %arg0, %c0_i32 : i32, i32
  }
  func.func @transform_5(%arg0: i32) -> (i32, i32) {
    %c0_i32 = arith.constant 0 : i32
    %c0_i32_0 = arith.constant 0 : i32
    return %arg0, %c0_i32 : i32, i32
  }
  func.func @transform_6(%arg0: i32) -> (i32, i32) {
    %c0_i32 = arith.constant 0 : i32
    %c0_i32_0 = arith.constant 0 : i32
    return %arg0, %c0_i32 : i32, i32
  }
  func.func @transform_7(%arg0: i32) -> (i32, i32) {
    %c0_i32 = arith.constant 0 : i32
    %c0_i32_0 = arith.constant 0 : i32
    return %arg0, %c0_i32 : i32, i32
  }
  func.func @transform_8(%arg0: i32) -> (i32, i32) {
    %c0_i32 = arith.constant 0 : i32
    %c0_i32_0 = arith.constant 0 : i32
    return %arg0, %c0_i32 : i32, i32
  }
  func.func @transform_9(%arg0: i32) -> (i32, i32) {
    %c0_i32 = arith.constant 0 : i32
    %c0_i32_0 = arith.constant 0 : i32
    return %arg0, %c0_i32 : i32, i32
  }
}

</mosaic_0001>

<sc_bundles>
// kernel: kernel.4.cloned.1.call-start
scs
__scs_entry_jumppad:
0x0: {  	(pc) =	sbr.rel $0x88, $3  }
0x1: {  	(tag) =	ssettag $0x0;
	lr =	simm.s32 $0x1  }
0x2: {  	[smem:$0x3F96] =	sst lr;
	_ =	strace $0xD0000000  }
0x3: {  	_ = 	snop  }
0x4: {  	_ = 	snop  }
0x5: {  	_ = 	snop  }
0x6: {  	_ = 	snop  }
0x7: {  	_ = 	snop  }
__scs_overlays_trampoline_lowered:
0x8: {  	[smem:$0x3FA5] =	sst s0  }
0x9: {  	[smem:$0x3FA6] =	sst s1  }
0xa: {  	[smem:$0x3FA7] =	sst s2  }
0xb: {  	[smem:$0x3FA8] =	sst s3  }
0xc: {  	[smem:$0x3FA9] =	sst s4  }
0xd: {  	[smem:$0x3FAA] =	sst s5  }
0xe: {  	[smem:$0x3FAB] =	sst s6  }
0xf: {  	[smem:$0x3FAC] =	sst s7  }
0x10: {  	[smem:$0x3FAD] =	sst s8  }
0x11: {  	[smem:$0x3FAE] =	sst s9;
	s0 =	simm.s32 @!p0 $0x0  }
0x12: {  	s1 =	sld [smem:$0x3F94];
	s0 =	simm.s32 @p0 $0x1  }
0x13: {  	[smem:$0x3FAF] =	sst s0;
	s0 =	simm.s32 @!p1 $0x0  }
0x14: {  	s2 =	sld [smem:$0x3F93];
	s0 =	simm.s32 @p1 $0x1  }
0x15: {  	[smem:$0x3FB0] =	sst s0;
	s0 =	simm.s32 @!p2 $0x0  }
0x16: {  	s3 =	sld [smem:$0x3FDB];
	s0 =	simm.s32 @p2 $0x1  }
0x17: {  	s4 =	simm.s32 $0x1BF5;
	[smem:$0x3FB2] =	sst s0  }
0x18: {  	s0 =	sld [smem:$0x3F95];
	_ =	swait.ge [sflag:s4], $0x0  }
0x19: {  	s7 =	sld [smem:$0x3F96]  }
0x1a: {  	s8 =	sadd.s32 $0xFFFFE003, lr  }
0x1b: {  	s9 =	sadd.s32 $0xFFFFFEF7, lr;
	s5 =	simm.s32 $0xFFFFFFFF;
	p2 =	slt.u32 s8, $0xFFFFF086  }
0x1c: {  	p1 =	slt.u32 s9, $0xF7A;
	s5 =	simm.s32 @!p2 $0x0  }
0x1d: {  	s5 =	simm.s32 @p1 $0x1;
	p0 =	seq.s32 s7, s2  }
0x1e: {  	s7 =	smul.u32 @!p0 $0xF7A, s2;
	p2 =	seq.s32 @!p0 s5, $0x0  }
0x1f: {  	s9 =	smul.u32 $0xF7A, s1;
	s8 =	simm.s32 @!p0 $0x1BF5;
	p2 =	por !p2, p0  }
0x20: {  	[sflag:s8] =	ssyncset.s32 @!p0 $0xFFFFF086;
	s6 =	sadd.s32 @!p0 s3, s7;
	s7 =	simm.s32 @!p0 $0x108  }
0x21: {  	s3 =	sadd.s32 s3, s9;
	s6 =	sadd.s32 @!p0 $0x88, s6;
	s7 =	simm.s32 @p2 $0x1082  }
0x22: {  	[simem:s7], [sflag:s8] =	dma.local @!p0 [hbm:s6], $0xF7A  }
0x23: {  	s9 =	sor.u32 $0xD0000000, s2;
	s6 =	simm.s32 $0x108;
	_ =	swait.ge @!p0 [sflag:s8], $0x0  }
0x24: {  	s3 =	sadd.s32 $0x88, s3;
	s6 =	simm.s32 @!p1 $0x1082;
	[sflag:s4] =	ssyncset.s32 $0xFFFFF086  }
0x25: {  	[simem:s6], [sflag:s4] =	dma.local [hbm:s3], $0xF7A  }
0x26: {  	[smem:$0x3F96] =	sst s1;
	(tag) =	ssettag s2;
	_ =	strace s9  }
0x27: {  	s1 =	sld [smem:$0x3FA6]  }
0x28: {  	s2 =	sld [smem:$0x3FA7]  }
0x29: {  	s4 =	sld [smem:$0x3FA9]  }
0x2a: {  	p0 =	seq.s32 s5, $0x0;
	s5 =	sld [smem:$0x3FAA]  }
0x2b: {  	s6 =	sld [smem:$0x3FAB]  }
0x2c: {  	s7 =	sld [smem:$0x3FAC]  }
0x2d: {  	s3 =	simm.s32 $0x108;
	s8 =	sld [smem:$0x3FAD]  }
0x2e: {  	s3 =	simm.s32 @!p0 $0x1082;
	s9 =	sld [smem:$0x3FAE]  }
0x2f: {  	lr =	sadd.s32 s0, s3;
	s0 =	sld [smem:$0x3FA5]  }
0x30: {  	s3 =	sld [smem:$0x3FA8]  }
0x31: {  	[smem:$0x3FB1] =	sst s10  }
0x32: {  	s10 =	sld [smem:$0x3FAF];
	_ =	sdelay $0x3  }
0x33: {  	p0 =	seq.s32 s10, $0x1;
	s10 =	sld [smem:$0x3FB1];
	_ =	sdelay $0x3  }
0x34: {  	[smem:$0x3FB1] =	sst s10  }
0x35: {  	s10 =	sld [smem:$0x3FB0];
	_ =	sdelay $0x3  }
0x36: {  	p1 =	seq.s32 s10, $0x1;
	s10 =	sld [smem:$0x3FB1];
	_ =	sdelay $0x3  }
0x37: {  	[smem:$0x3FB1] =	sst s10  }
0x38: {  	s10 =	sld [smem:$0x3FB2]  }
0x39: {  	_ = 	snop;
	(pc) =	sbr.ind lr, $3  }
0x3a: {  	_ = 	snop  }
0x3b: {  	_ = 	snop  }
0x3c: {  	p2 =	seq.s32 s10, $0x1;
	s10 =	sld [smem:$0x3FB1]  }
0x3d: {  	_ =	shalt  }
0x3e: {  	_ =	shalt  }
0x3f: {  	_ =	shalt  }
0x40: {  	_ =	shalt  }
0x41: {  	_ =	shalt  }
0x42: {  	_ =	shalt  }
0x43: {  	_ =	shalt  }
0x44: {  	_ =	shalt  }
0x45: {  	_ =	shalt  }
0x46: {  	_ =	shalt  }
0x47: {  	_ =	shalt  }
0x48: {  	_ =	shalt  }
0x49: {  	_ =	shalt  }
0x4a: {  	_ =	shalt  }
0x4b: {  	_ =	shalt  }
0x4c: {  	_ =	shalt  }
0x4d: {  	_ =	shalt  }
0x4e: {  	_ =	shalt  }
0x4f: {  	_ =	shalt  }
0x50: {  	_ =	shalt  }
0x51: {  	_ =	shalt  }
0x52: {  	_ =	shalt  }
0x53: {  	_ =	shalt  }
0x54: {  	_ =	shalt  }
0x55: {  	_ =	shalt  }
0x56: {  	_ =	shalt  }
0x57: {  	_ =	shalt  }
0x58: {  	_ =	shalt  }
0x59: {  	_ =	shalt  }
0x5a: {  	_ =	shalt  }
0x5b: {  	_ =	shalt  }
0x5c: {  	_ =	shalt  }
0x5d: {  	_ =	shalt  }
0x5e: {  	_ =	shalt  }
0x5f: {  	_ =	shalt  }
0x60: {  	_ =	shalt  }
0x61: {  	_ =	shalt  }
0x62: {  	_ =	shalt  }
0x63: {  	_ =	shalt  }
0x64: {  	_ =	shalt  }
0x65: {  	_ =	shalt  }
0x66: {  	_ =	shalt  }
0x67: {  	_ =	shalt  }
0x68: {  	_ =	shalt  }
0x69: {  	_ =	shalt  }
0x6a: {  	_ =	shalt  }
0x6b: {  	_ =	shalt  }
0x6c: {  	_ =	shalt  }
0x6d: {  	_ =	shalt  }
0x6e: {  	_ =	shalt  }
0x6f: {  	_ =	shalt  }
0x70: {  	_ =	shalt  }
0x71: {  	_ =	shalt  }
0x72: {  	_ =	shalt  }
0x73: {  	_ =	shalt  }
0x74: {  	_ =	shalt  }
0x75: {  	_ =	shalt  }
0x76: {  	_ =	shalt  }
0x77: {  	_ =	shalt  }
0x78: {  	_ =	shalt  }
0x79: {  	_ =	shalt  }
0x7a: {  	_ =	shalt  }
0x7b: {  	_ =	shalt  }
0x7c: {  	_ =	shalt  }
0x7d: {  	_ =	shalt  }
0x7e: {  	_ =	shalt  }
0x7f: {  	_ =	shalt  }
0x80: {  	_ =	shalt  }
0x81: {  	_ =	shalt  }
0x82: {  	_ =	shalt  }
0x83: {  	_ =	shalt  }
0x84: {  	_ =	shalt  }
0x85: {  	_ =	shalt  }
0x86: {  	_ =	shalt  }
0x87: {  	_ =	shalt  }
.Lfunc_end0:
.L_simem_size_0:
called_computation_lowered:
.L_overlay_start_0:
0x88: {  	s2 =	sld [smem:$0x3FD9]  }
0x89: {  	s3 =	sld [smem:$0x3FFE];
	_ =	sdelay $0x1  }
0x8a: {  	s1 =	srdreg.scid  }
0x8b: {  	s0 =	sand.u32 $0x1, s1  }
0x8c: {  	s14 =	sshll.u32 s0, $0xA;
	s2 =	sadd.s32 s3, s2  }
0x8d: {  	s2 =	sadd.s32 s2, s14  }
0x8e: {  	[smem:$0x3FBD] =	sst s2  }
0x8f: {  	_ = 	snop  }
0x90: {  	s2 =	sld [smem:$0x3FC9]  }
0x91: {  	s15 =	sld [smem:$0x3FD0]  }
0x92: {  	s4 =	sld [smem:$0x3FC8]  }
0x93: {  	s5 =	sld [smem:$0x3FC7]  }
0x94: {  	s7 =	simm.s32 $0xA;
	s8 =	simm.s32 $0x10;
	s6 =	sld [smem:$0x3FC3]  }
0x95: {  	[smem:s8], [sflag:s7] =	dma.local [hbm:s15], $0x1  }
0x96: {  	_ =	swait.eq [sflag:s7], $0x1  }
0x97: {  	s16 =	sld [smem:$0x10];
	[sflag:s7] =	ssyncset.done $0x0  }
0x98: {  	s17 =	sld [smem:$0x11];
	[sflag:s7] =	ssyncadd.s32 $0xFFFFFFFF  }
0x99: {  	s18 =	sld [smem:$0x12];
	(tm) =	ssettm $0x1  }
0x9a: {  	s9 =	sld [smem:$0x3FFB];
	_ =	sdelay $0x3  }
0x9b: {  	_ =	strace s9  }
0x9c: {  	s9 =	sld [smem:$0x3FFC];
	_ =	sdelay $0x3  }
0x9d: {  	_ =	strace s9  }
0x9e: {  	s9 =	sld [smem:$0x3FFD];
	_ =	sdelay $0x3  }
0x9f: {  	_ =	strace s9  }
0xa0: {  	_ =	strace $0x8FFFFFFF  }
0xa1: {  	s19 =	sld [smem:$0x3FDB];
	_ =	sdelay $0x1  }
0xa2: {  	s10 =	simm.s32 $_scs_section_size  }
0xa3: {  	s11 =	simm.s32 $_size__tile_overlayer_lowered;
	s12 =	simm.s32 $_tile_overlayer_lowered  }
0xa4: {  	s22 =	simm.s32 $0x1BFF;
	s21 =	sshll.u32 s12, $0x1;
	s9 =	sadd.s32 s10, s19  }
0xa5: {  	s13 =	simm.s32 $0x0;
	s20 =	sshll.u32 s11, $0x1;
	s11 =	sadd.s32 s21, s9  }
0xa6: {  	[timem:s13], [sflag:s22] =	dma.local [hbm:s11], s20  }
0xa7: {  	_ =	swait.ge [sflag:s22], s20  }
0xa8: {  	s10 =	ssub.s32 $0x0, s20;
	[sflag:s22] =	ssyncset.done $0x0  }
0xa9: {  	[sflag:s22] =	ssyncadd.s32 s10;
	_ =	sdelay $0x1  }
0xaa: {  	s23 =	simm.s32 $0x1B8B  }
0xab: {  	_ =	swait.ge [sflag:s23], $0x1  }
0xac: {  	[sflag:s23] =	ssyncset.done $0x0  }
0xad: {  	s25 =	simm.s32 $0x1B8E;
	s24 =	sld [smem:$0x3FFE];
	[sflag:s23] =	ssyncadd.s32 $0xFFFFFFFF  }
0xae: {  	s26 =	simm.s32 $execute0_lowered;
	[smem:$0x3FD2] =	sst s25  }
0xaf: {  	s11 =	sshll.u32 s26, $0x1;
	_ =	strace $0x80000046;
	[dreg:$0x1] =	wrdreg $0xFFFFFFFF  }
0xb0: {  	s28 =	simm.s32 $_size_execute0_lowered;
	s9 =	sadd.s32 s9, s11;
	[dreg:$0x0] =	wrdreg $0x0  }
0xb1: {  	s11 =	sshll.u32 s28, $0x1;
	[dreg:$0x2] =	wrdreg s9  }
0xb2: {  	[dreg:$0x3] =	wrdreg s11  }
0xb3: {  	[dreg:$0x4] =	wrdreg $0xC0  }
0xb4: {  	_ =	task [dreg:s13], $0x5FFFF  }
0xb5: {  	[dreg:$0x1] =	wrdreg $0xFFFFFFFF  }
0xb6: {  	[dreg:$0x0] =	wrdreg $0x60  }
0xb7: {  	[dreg:$0x2] =	wrdreg s2  }
0xb8: {  	[dreg:$0x3] =	wrdreg s4  }
0xb9: {  	[dreg:$0x4] =	wrdreg s5  }
0xba: {  	[dreg:$0x5] =	wrdreg s18  }
0xbb: {  	[dreg:$0x6] =	wrdreg s17  }
0xbc: {  	[dreg:$0x7] =	wrdreg s16  }
0xbd: {  	[dreg:$0x8] =	wrdreg s24  }
0xbe: {  	[dreg:$0x9] =	wrdreg s6  }
0xbf: {  	[dreg:$0xa] =	wrdreg $0x9  }
0xc0: {  	_ =	task.clear_ibuf [dreg:s13], $0xBFFFF;
	_ =	strace $0x90000046  }
0xc1: {  	s29 =	simm.s32 $0x9;
	_ =	strace $0x80000048  }
0xc2: {  	_ =	swait.ge [sflag:s29], $0x1  }
0xc3: {  	[sflag:s29] =	ssyncadd.s32 $0xFFFFFFFF  }
0xc4: {  	_ =	strace $0x90000048  }
0xc5: {  	_ =	sfence  }
0xc6: {  	s30 =	sld [smem:$0x0];
	_ =	sdelay $0x2  }
0xc7: {  	s31 =	sshll.u32 s1, $0xD;
	s1 =	sshrl.u32 s1, $0x2  }
0xc8: {  	s3 =	sand.u32 $0x4000, s31;
	s1 =	sadd.s32 s1, s30  }
0xc9: {  	s0 =	sor.u32 s3, s0;
	s1 =	sshll.u32 s1, $0x11  }
0xca: {  	s0 =	sor.u32 s1, s0  }
0xcb: {  	s0 =	sadd.s32 $0x8F2B, s0  }
0xcc: {  	[sflag:s0] =	ssyncadd.remote.s32 $0x1  }
0xcd: {  	_ =	sfence.sel $0xFFFF  }
0xce: {  	[dreg:$0x0] =	wrdreg $0xFFFFFFFF;
	(pc) =	sbr.abs _section_cstart, $3  }
0xcf: {  	[dreg:$0x1] =	wrdreg $0xFFFFFFFF  }
0xd0: {  	_ =	task.clear_ibuf [dreg:s13], $0x2FFFF;
	_ =	strace $0x9FFFFFFF  }
0xd1: {  	(tm) =	ssettm $0x7FFFFFFF  }
tec
execute0_lowered:
.L_overlay_start_1:
0x0: {  	(tag) =	ssettag $0x1  }
0x1: {  	s9 =	rddreg [dreg:$0x0]  }
0x2: {  	s10 =	rddreg [dreg:$0x1]  }
0x3: {  	s11 =	rddreg [dreg:$0x2]  }
0x4: {  	s1 =	rddreg [dreg:$0x3]  }
0x5: {  	s2 =	rddreg [dreg:$0x4]  }
0x6: {  	s3 =	rddreg [dreg:$0x5]  }
0x7: {  	s12 =	rddreg [dreg:$0x6]  }
0x8: {  	s4 =	rddreg [dreg:$0x7]  }
0x9: {  	s0 =	rddreg [dreg:$0x8];
	s5 =	simm.s32 $0x0  }
0xa: {  	s8 =	srdreg.scid;
	s6 =	stileid.u32;
	s18 =	simm.s32 $0x2  }
0xb: {  	s19 =	simm.s32 $0x200;
	s20 =	simm.s32 $0x400;
	s21 =	simm.s32 $0x600  }
0xc: {  	s22 =	simm.s32 $0x800;
	s23 =	simm.s32 $0xA00;
	s24 =	simm.s32 $0xC00  }
0xd: {  	s25 =	simm.s32 $0xE00;
	s28 =	simm.s32 $0x1200;
	s29 =	simm.s32 $0x1  }
0xe: {  	s30 =	simm.s32 $0x1400;
	s31 =	simm.s32 $0x1600;
	[smem:$0x7FF] =	sst s5  }
0xf: {  	s7 =	sadd.s32 $0x4C00, s12;
	s8 =	sand.u32 $0x1, s8;
	s13 =	sshll.u32 s6, $0x7  }
0x10: {  	_ =	strace $0x80000047;
	s14 =	sshll.u32 s8, $0x6;
	s15 =	ssub.s32 $0x2, s8  }
0x11: {  	s8 =	sadd.s32 $0x35A00, s12;
	s13 =	sor.u32 s14, s13;
	s26 =	sshrl.u32 s15, $0x1  }
0x12: {  	s16 =	sadd.s32 s13, s12;
	s17 =	ssub.s32 s15, s26;
	s9 =	sadd.s32 s9, s13  }
0x13: {  	s10 =	sadd.s32 s10, s13;
	s11 =	sadd.s32 s11, s13;
	s26 =	simm.s32 $0x1000  }
0x14: {  	s12 =	sadd.s32 $0x67000, s16;
	s13 =	sadd.s32 $0x66800, s16;
	s14 =	sadd.s32 $0x67800, s16  }
0x15: {  	s15 =	sadd.s32 $0x68000, s16;
	s16 =	sadd.s32 $0x68800, s16;
	s17 =	smax.u32 s17, $0x1  }
.LBB2_1:
0x16: {  	[tilespmem:s5], [sflag:$0x2] =	stream.linear.gather [hbm4b:s9+s5], $0x200, $0x38;
	[tilespmem:$0x1800] =	vst v63  }
0x17: {  	_ =	swait.ge [sflag:s18], $0x200  }
0x18: {  	[sflag:s18] =	ssyncset.done $0x0  }
0x19: {  	[sflag:s18] =	ssyncadd.s32 $0xFFFFFE00  }
0x1a: {  	[tilespmem:s19], [sflag:$0x2] =	stream.linear.gather [hbm4b:s10+s5], $0x200, $0x38;
	[tilespmem:$0x1800] =	vst v63  }
0x1b: {  	_ =	swait.ge [sflag:s18], $0x200  }
0x1c: {  	[sflag:s18] =	ssyncset.done $0x0  }
0x1d: {  	[sflag:s18] =	ssyncadd.s32 $0xFFFFFE00  }
0x1e: {  	[tilespmem:s20], [sflag:$0x2] =	stream.linear.gather [hbm4b:s11+s5], $0x200, $0x38;
	[tilespmem:$0x1800] =	vst v63  }
0x1f: {  	_ =	swait.ge [sflag:s18], $0x200  }
0x20: {  	[sflag:s18] =	ssyncset.done $0x0  }
0x21: {  	[sflag:s18] =	ssyncadd.s32 $0xFFFFFE00  }
0x22: {  	v0 =	vld [tilespmem:$0x0]  }
0x23: {  	v1 =	vld [tilespmem:$0x200]  }
0x24: {  	v2 =	vld [tilespmem:$0x400]  }
0x25: {  	v3 =	vld [tilespmem:$0x10]  }
0x26: {  	v4 =	vld [tilespmem:$0x210]  }
0x27: {  	v5 =	vld [tilespmem:$0x410]  }
0x28: {  	v6 =	vld [tilespmem:$0x20]  }
0x29: {  	v7 =	vld [tilespmem:$0x220]  }
0x2a: {  	v8 =	vld [tilespmem:$0x420]  }
0x2b: {  	v9 =	vld [tilespmem:$0x30]  }
0x2c: {  	v10 =	vld [tilespmem:$0x230]  }
0x2d: {  	v11 =	vld [tilespmem:$0x430]  }
0x2e: {  	v12 =	vld [tilespmem:$0x40]  }
0x2f: {  	v13 =	vld [tilespmem:$0x240]  }
0x30: {  	v14 =	vld [tilespmem:$0x440]  }
0x31: {  	v15 =	vld [tilespmem:$0x50]  }
0x32: {  	v16 =	vld [tilespmem:$0x250]  }
0x33: {  	v17 =	vld [tilespmem:$0x450]  }
0x34: {  	v18 =	vld [tilespmem:$0x60]  }
0x35: {  	v19 =	vld [tilespmem:$0x260]  }
0x36: {  	v20 =	vld [tilespmem:$0x460]  }
0x37: {  	v21 =	vld [tilespmem:$0x70]  }
0x38: {  	v22 =	vld [tilespmem:$0x270]  }
0x39: {  	v23 =	vld [tilespmem:$0x470]  }
0x3a: {  	v24 =	vld [tilespmem:$0x80]  }
0x3b: {  	v25 =	vld [tilespmem:$0x280]  }
0x3c: {  	v26 =	vld [tilespmem:$0x480]  }
0x3d: {  	v27 =	vld [tilespmem:$0x90]  }
0x3e: {  	v28 =	vld [tilespmem:$0x290]  }
0x3f: {  	v29 =	vld [tilespmem:$0x490]  }
0x40: {  	v30 =	vld [tilespmem:$0xA0]  }
0x41: {  	v31 =	vld [tilespmem:$0x2A0]  }
0x42: {  	v32 =	vld [tilespmem:$0x4A0]  }
0x43: {  	v33 =	vld [tilespmem:$0xB0]  }
0x44: {  	v34 =	vld [tilespmem:$0x2B0]  }
0x45: {  	v35 =	vld [tilespmem:$0x4B0]  }
0x46: {  	v36 =	vld [tilespmem:$0xC0]  }
0x47: {  	v37 =	vld [tilespmem:$0x2C0]  }
0x48: {  	v38 =	vld [tilespmem:$0x4C0]  }
0x49: {  	v39 =	vld [tilespmem:$0xD0]  }
0x4a: {  	v40 =	vld [tilespmem:$0x2D0]  }
0x4b: {  	v41 =	vld [tilespmem:$0x4D0]  }
0x4c: {  	v42 =	vld [tilespmem:$0xE0]  }
0x4d: {  	v43 =	vld [tilespmem:$0x2E0]  }
0x4e: {  	v44 =	vld [tilespmem:$0x4E0]  }
0x4f: {  	v45 =	vld [tilespmem:$0xF0]  }
0x50: {  	v46 =	vld [tilespmem:$0x2F0]  }
0x51: {  	v47 =	vld [tilespmem:$0x4F0]  }
0x52: {  	v48 =	vld [tilespmem:$0x100]  }
0x53: {  	v49 =	vld [tilespmem:$0x300]  }
0x54: {  	v50 =	vld [tilespmem:$0x500]  }
0x55: {  	v51 =	vld [tilespmem:$0x110]  }
0x56: {  	v52 =	vld [tilespmem:$0x310]  }
0x57: {  	v53 =	vld [tilespmem:$0x510]  }
0x58: {  	v54 =	vld [tilespmem:$0x120]  }
0x59: {  	v55 =	vld [tilespmem:$0x130]  }
0x5a: {  	v58 =	vshll.u32 v3, $0x4;
	v3 =	vld [tilespmem:$0x320]  }
0x5b: {  	v0 =	vshll.u32 v0, $0x4;
	v59 =	vshll.u32 v6, $0x4;
	v60 =	vshll.u32 v9, $0x4;
	v9 =	vld [tilespmem:$0x530]  }
0x5c: {  	v61 =	vshll.u32 v12, $0x4;
	v62 =	vshll.u32 v15, $0x4;
	v56 =	vshll.u32 v30, $0x4;
	v30 =	vld [tilespmem:$0x390]  }
0x5d: {  	v63 =	vshll.u32 v18, $0x4;
	v0 =	vadd.s32 v1, v0;
	v1 =	vadd.s32 v4, v58;
	v4 =	vld [tilespmem:$0x520]  }
0x5e: {  	v21 =	vshll.u32 v21, $0x4;
	v24 =	vshll.u32 v24, $0x4;
	v6 =	vadd.s32 v10, v60;
	v10 =	vld [tilespmem:$0x140]  }
0x5f: {  	v27 =	vshll.u32 v27, $0x4;
	v57 =	vshll.u32 v33, $0x4;
	v12 =	vadd.s32 v16, v62;
	v16 =	vld [tilespmem:$0x540]  }
0x60: {  	v15 =	vadd.s32 v19, v63;
	v19 =	vld [tilespmem:$0x150];
	v18 =	vadd.s32 v22, v21;
	v60 =	vshll.u32 v36, $0x4  }
0x61: {  	v21 =	vld [tilespmem:$0x350];
	v63 =	vshll.u32 v39, $0x4;
	v0 =	vmul.u32 $0x64, v0;
	v1 =	vmul.u32 $0x64, v1  }
0x62: {  	v6 =	vmul.u32 $0x64, v6;
	v22 =	vmul.u32 $0x64, v18;
	v18 =	vadd.s32 v28, v27;
	v27 =	vld [tilespmem:$0x370]  }
0x63: {  	v12 =	vmul.u32 $0x64, v12;
	v15 =	vmul.u32 $0x64, v15;
	v62 =	vadd.s32 v37, v60;
	v28 =	vld [tilespmem:$0x570]  }
0x64: {  	v58 =	vmul.u32 $0x64, v18;
	v33 =	vmul.u32 $0x64, v62;
	v18 =	vld [tilespmem:$0x580];
	v0 =	vadd.s32 v2, v0  }
0x65: {  	v2 =	vld [tilespmem:$0x330];
	v1 =	vadd.s32 v5, v1;
	v5 =	vadd.s32 v7, v59;
	v7 =	vadd.s32 v13, v61  }
0x66: {  	v13 =	vld [tilespmem:$0x340];
	v6 =	vadd.s32 v11, v6;
	v12 =	vadd.s32 v17, v12;
	v17 =	vadd.s32 v25, v24  }
0x67: {  	v11 =	vld [tilespmem:$0x550];
	v59 =	vadd.s32 v34, v57;
	v34 =	vadd.s32 v40, v63;
	v40 =	vshll.u32 v42, $0x4  }
0x68: {  	v25 =	vld [tilespmem:$0x170];
	v57 =	vshll.u32 v54, $0x4;
	v5 =	vmul.u32 $0x64, v5;
	v7 =	vmul.u32 $0x64, v7;
	[tilespmem:$0x600] =	vst v0  }
0x69: {  	v24 =	vld [tilespmem:$0x180];
	v17 =	vmul.u32 $0x64, v17;
	[tilespmem:$0x610] =	vst v1;
	v0 =	vadd.s32 v29, v58;
	v37 =	vmul.u32 $0x64, v34  }
0x6a: {  	v54 =	vld [tilespmem:$0x3D0];
	[tilespmem:$0x630] =	vst v6;
	v38 =	vadd.s32 v38, v33;
	v42 =	vadd.s32 v43, v40;
	v3 =	vadd.s32 v3, v57  }
0x6b: {  	[tilespmem:$0x650] =	vst v12;
	v29 =	vld [tilespmem:$0x190];
	v33 =	vshll.u32 v55, $0x4;
	v3 =	vmul.u32 $0x64, v3;
	v5 =	vadd.s32 v8, v5  }
0x6c: {  	v58 =	vld [tilespmem:$0x1A0];
	[tilespmem:$0x690] =	vst v0;
	v7 =	vadd.s32 v14, v7;
	v14 =	vadd.s32 v20, v15;
	v8 =	vadd.s32 v23, v22  }
0x6d: {  	v34 =	vld [tilespmem:$0x1B0];
	[tilespmem:$0x6C0] =	vst v38;
	v22 =	vadd.s32 v31, v56;
	v31 =	vmul.u32 $0x64, v59;
	v36 =	vadd.s32 v26, v17  }
0x6e: {  	v38 =	vld [tilespmem:$0x5B0];
	v39 =	vadd.s32 v41, v37;
	v41 =	vshll.u32 v45, $0x4;
	v45 =	vshll.u32 v48, $0x4;
	[tilespmem:$0x620] =	vst v5  }
0x6f: {  	v15 =	vld [tilespmem:$0x160];
	v37 =	vshll.u32 v19, $0x4;
	v61 =	vmul.u32 $0x64, v22;
	[tilespmem:$0x640] =	vst v7;
	v43 =	vadd.s32 v46, v41  }
0x70: {  	v20 =	vld [tilespmem:$0x360];
	[tilespmem:$0x660] =	vst v14;
	v46 =	vmul.u32 $0x64, v42;
	v48 =	vadd.s32 v49, v45;
	v49 =	vshll.u32 v51, $0x4  }
0x71: {  	v23 =	vld [tilespmem:$0x560];
	[tilespmem:$0x670] =	vst v8;
	v3 =	vadd.s32 v4, v3;
	v40 =	vadd.s32 v21, v37;
	v5 =	vadd.s32 v35, v31  }
0x72: {  	v17 =	vld [tilespmem:$0x1F0];
	[tilespmem:$0x680] =	vst v36;
	v51 =	vmul.u32 $0x64, v43;
	v56 =	vadd.s32 v52, v49;
	v59 =	vmul.u32 $0x64, v48  }
0x73: {  	v22 =	vld [tilespmem:$0x380];
	[tilespmem:$0x6D0] =	vst v39;
	v2 =	vadd.s32 v2, v33;
	v35 =	vshll.u32 v10, $0x4;
	v1 =	vadd.s32 v32, v61  }
0x74: {  	v36 =	vld [tilespmem:$0x3B0];
	[tilespmem:$0x720] =	vst v3;
	v60 =	vmul.u32 $0x64, v56;
	v62 =	vadd.s32 v44, v46;
	v2 =	vmul.u32 $0x64, v2  }
0x75: {  	v42 =	vld [tilespmem:$0x1C0];
	[tilespmem:$0x6B0] =	vst v5;
	v4 =	vadd.s32 v13, v35;
	v56 =	vshll.u32 v29, $0x4;
	v57 =	vshll.u32 v58, $0x4  }
0x76: {  	v21 =	vld [tilespmem:$0x3F0];
	[tilespmem:$0x6A0] =	vst v1;
	v6 =	vadd.s32 v47, v51;
	v0 =	vadd.s32 v50, v59;
	v39 =	vmul.u32 $0x64, v4  }
0x77: {  	v31 =	vld [tilespmem:$0x590];
	[tilespmem:$0x6E0] =	vst v62;
	v4 =	vmul.u32 $0x64, v40;
	v47 =	vshll.u32 v25, $0x4;
	v50 =	vshll.u32 v24, $0x4  }
0x78: {  	v61 =	vld [tilespmem:$0x3A0];
	v59 =	vadd.s32 v30, v56;
	v63 =	vadd.s32 v53, v60;
	v41 =	vshll.u32 v15, $0x4;
	[tilespmem:$0x6F0] =	vst v6  }
0x79: {  	v58 =	vld [tilespmem:$0x1E0];
	v2 =	vadd.s32 v9, v2;
	[tilespmem:$0x700] =	vst v0;
	v49 =	vadd.s32 v27, v47;
	v0 =	vmul.u32 $0x64, v59  }
0x7a: {  	v44 =	vld [tilespmem:$0x3C0];
	v35 =	vshll.u32 v17, $0x4;
	v43 =	vadd.s32 v20, v41;
	v45 =	vadd.s32 v16, v39;
	[tilespmem:$0x710] =	vst v63  }
0x7b: {  	v51 =	vld [tilespmem:$0x1D0];
	v4 =	vadd.s32 v11, v4;
	v52 =	vmul.u32 $0x64, v49;
	v53 =	vadd.s32 v22, v50;
	[tilespmem:$0x730] =	vst v2  }
0x7c: {  	v32 =	vld [tilespmem:$0x5F0];
	v37 =	vadd.s32 v21, v35;
	v46 =	vmul.u32 $0x64, v43;
	v55 =	vmul.u32 $0x64, v53;
	[tilespmem:$0x740] =	vst v45  }
0x7d: {  	v8 =	vld [tilespmem:$0x5A0];
	[tilespmem:$0x750] =	vst v4;
	v0 =	vadd.s32 v31, v0;
	v39 =	vmul.u32 $0x64, v37;
	v60 =	vadd.s32 v61, v57  }
0x7e: {  	v62 =	vld [tilespmem:$0x3E0];
	v61 =	vshll.u32 v34, $0x4;
	v19 =	vadd.s32 v28, v52;
	[tilespmem:$0x790] =	vst v0;
	v31 =	vshll.u32 v58, $0x4  }
0x7f: {  	v48 =	vld [tilespmem:$0x5C0];
	v1 =	vadd.s32 v23, v46;
	v63 =	vmul.u32 $0x64, v60;
	v14 =	vadd.s32 v36, v61;
	[tilespmem:$0x770] =	vst v19  }
0x80: {  	v24 =	vld [tilespmem:$0x5D0];
	v2 =	vadd.s32 v18, v55;
	v23 =	vshll.u32 v42, $0x4;
	v27 =	vshll.u32 v51, $0x4;
	[tilespmem:$0x760] =	vst v1  }
0x81: {  	v28 =	vld [tilespmem:$0x5E0];
	v41 =	vadd.s32 v32, v39;
	v20 =	vmul.u32 $0x64, v14;
	[tilespmem:$0x780] =	vst v2;
	v26 =	vadd.s32 v44, v23  }
0x82: {  	v30 =	vadd.s32 v54, v27;
	[tilespmem:$0x7F0] =	vst v41;
	v22 =	vadd.s32 v8, v63;
	v29 =	vmul.u32 $0x64, v26  }
0x83: {  	v34 =	vadd.s32 v62, v31;
	v33 =	vmul.u32 $0x64, v30;
	v25 =	vadd.s32 v38, v20;
	[tilespmem:$0x7A0] =	vst v22  }
0x84: {  	v36 =	vmul.u32 $0x64, v34;
	[tilespmem:$0x7B0] =	vst v25;
	v0 =	vadd.s32 v48, v29  }
0x85: {  	v38 =	vadd.s32 v24, v33;
	[tilespmem:$0x7C0] =	vst v0  }
0x86: {  	v40 =	vadd.s32 v28, v36;
	[tilespmem:$0x7D0] =	vst v38  }
0x87: {  	[tilespmem:$0x7E0] =	vst v40  }
0x88: {  	[tilespmem:s22], [sflag:$0x1] =	stream.indirect.gather [hbm4b:s1+s19], $0x1, s21, s19, $0xb8;
	[tilespmem:$0x1800] =	vst v63  }
0x89: {  	_ = 	snop  }
0x8a: {  	[tilespmem:s23], [sflag:$0x1] =	stream.indirect.gather [hbm4b:s2+s19], $0x1, s21, s19, $0xb8;
	[tilespmem:$0x1800] =	vst v63  }
0x8b: {  	_ = 	snop  }
0x8c: {  	[tilespmem:s24], [sflag:$0x1] =	stream.indirect.gather [hbm4b:s3+s19], $0x1, s21, s19, $0xb8;
	[tilespmem:$0x1800] =	vst v63  }
0x8d: {  	_ = 	snop  }
0x8e: {  	[tilespmem:s25], [sflag:$0x1] =	stream.indirect.gather [hbm4b:s7+s19], $0x1, s21, s19, $0xb8;
	[tilespmem:$0x1800] =	vst v63  }
0x8f: {  	_ = 	snop  }
0x90: {  	[tilespmem:s26], [sflag:$0x1] =	stream.indirect.gather [hbm4b:s8+s19], $0x1, s21, s19, $0xb8;
	[tilespmem:$0x1800] =	vst v63  }
0x91: {  	_ = 	snop  }
0x92: {  	[tilespmem:s28], [sflag:$0x1] =	stream.indirect.gather [hbm4b:s4+s19], $0x1, s20, s19, $0xb8;
	[tilespmem:$0x1800] =	vst v63  }
0x93: {  	_ =	swait.ge [sflag:s29], $0x200  }
0x94: {  	[sflag:s29] =	ssyncset.done $0x0  }
0x95: {  	[sflag:s29] =	ssyncadd.s32 $0xFFFFFE00  }
0x96: {  	_ =	swait.ge [sflag:s29], $0x200  }
0x97: {  	[sflag:s29] =	ssyncset.done $0x0  }
0x98: {  	[sflag:s29] =	ssyncadd.s32 $0xFFFFFE00  }
0x99: {  	_ =	swait.ge [sflag:s29], $0x200  }
0x9a: {  	[sflag:s29] =	ssyncset.done $0x0  }
0x9b: {  	[sflag:s29] =	ssyncadd.s32 $0xFFFFFE00  }
0x9c: {  	_ =	swait.ge [sflag:s29], $0x200  }
0x9d: {  	[sflag:s29] =	ssyncset.done $0x0  }
0x9e: {  	[sflag:s29] =	ssyncadd.s32 $0xFFFFFE00  }
0x9f: {  	_ =	swait.ge [sflag:s29], $0x200  }
0xa0: {  	[sflag:s29] =	ssyncset.done $0x0  }
0xa1: {  	[sflag:s29] =	ssyncadd.s32 $0xFFFFFE00  }
0xa2: {  	_ =	swait.ge [sflag:s29], $0x200  }
0xa3: {  	[sflag:s29] =	ssyncset.done $0x0  }
0xa4: {  	[sflag:s29] =	ssyncadd.s32 $0xFFFFFE00  }
0xa5: {  	v42 =	vld [tilespmem:$0xA00]  }
0xa6: {  	v43 =	vld [tilespmem:$0x800]  }
0xa7: {  	v44 =	vld [tilespmem:$0x1200]  }
0xa8: {  	v45 =	vld [tilespmem:$0xA10]  }
0xa9: {  	v46 =	vld [tilespmem:$0x810]  }
0xaa: {  	v47 =	vld [tilespmem:$0x1210]  }
0xab: {  	v48 =	vld [tilespmem:$0xA20]  }
0xac: {  	v49 =	vld [tilespmem:$0x820]  }
0xad: {  	v50 =	vld [tilespmem:$0x1220]  }
0xae: {  	v51 =	vld [tilespmem:$0xA30]  }
0xaf: {  	v52 =	vld [tilespmem:$0x830]  }
0xb0: {  	v53 =	vld [tilespmem:$0x1230]  }
0xb1: {  	v54 =	vld [tilespmem:$0xA40]  }
0xb2: {  	v14 =	vld [tilespmem:$0x840]  }
0xb3: {  	v55 =	vld [tilespmem:$0x1240]  }
0xb4: {  	v56 =	vld [tilespmem:$0xA50]  }
0xb5: {  	v17 =	vld [tilespmem:$0x850]  }
0xb6: {  	v57 =	vld [tilespmem:$0x1250]  }
0xb7: {  	v19 =	vld [tilespmem:$0xA60]  }
0xb8: {  	v20 =	vld [tilespmem:$0x860]  }
0xb9: {  	v58 =	vld [tilespmem:$0x1260]  }
0xba: {  	v22 =	vld [tilespmem:$0xA70]  }
0xbb: {  	v23 =	vld [tilespmem:$0x870]  }
0xbc: {  	v59 =	vld [tilespmem:$0x1270]  }
0xbd: {  	v25 =	vld [tilespmem:$0xA80]  }
0xbe: {  	v26 =	vld [tilespmem:$0x880]  }
0xbf: {  	v60 =	vld [tilespmem:$0x1280]  }
0xc0: {  	v28 =	vld [tilespmem:$0xA90]  }
0xc1: {  	v29 =	vld [tilespmem:$0x890]  }
0xc2: {  	v61 =	vld [tilespmem:$0x1290]  }
0xc3: {  	v31 =	vld [tilespmem:$0xAA0]  }
0xc4: {  	v3 =	vld [tilespmem:$0x8A0]  }
0xc5: {  	v63 =	vld [tilespmem:$0x12A0]  }
0xc6: {  	v33 =	vld [tilespmem:$0xAB0]  }
0xc7: {  	v9 =	vld [tilespmem:$0x12B0]  }
0xc8: {  	v0 =	vld [tilespmem:$0x8C0];
	v2 =	vand.u32 $0x7FFFFFFF, v44  }
0xc9: {  	v13 =	vld [tilespmem:$0xAF0];
	v62 =	vand.u32 $0x7FFFFFFF, v47;
	v35 =	vand.u32 $0x7FFFFFFF, v50;
	v12 =	vand.u32 $0x7FFFFFFF, v53  }
0xca: {  	v38 =	vld [tilespmem:$0x12C0];
	v36 =	vmax.f32 v42, $-5.000000000e+00;
	v37 =	vand.u32 $0x7FFFFFFF, v55;
	v39 =	vmax.f32 v45, $-5.000000000e+00  }
0xcb: {  	v5 =	vld [tilespmem:$0xAD0];
	v41 =	vand.u32 $0x7FFFFFFF, v57;
	v7 =	vmax.f32 v48, $-5.000000000e+00;
	v44 =	vand.u32 $0x7FFFFFFF, v58  }
0xcc: {  	v1 =	vld [tilespmem:$0x8D0];
	v48 =	vand.u32 $0x7FFFFFFF, v59;
	v53 =	vand.u32 $0x7FFFFFFF, v60;
	v55 =	vmax.f32 v56, $-5.000000000e+00  }
0xcd: {  	v18 =	vld [tilespmem:$0xAE0];
	v58 =	vand.u32 $0x7FFFFFFF, v61;
	v60 =	vmax.f32 v19, $-5.000000000e+00;
	v27 =	vmax.f32 v22, $-5.000000000e+00  }
0xce: {  	v11 =	vld [tilespmem:$0x8F0];
	v9 =	vand.u32 $0x7FFFFFFF, v9;
	v22 =	vmax.f32 v13, $-5.000000000e+00;
	v2 =	vmax.f32 v2, $1.000000010e-01  }
0xcf: {  	v21 =	vld [tilespmem:$0xB10];
	v4 =	vmax.f32 v35, $1.000000010e-01;
	v12 =	vmax.f32 v12, $1.000000010e-01;
	v34 =	vmin.f32 v36, $5.000000000e+00  }
0xd0: {  	v15 =	vld [tilespmem:$0xB20];
	v40 =	vmin.f32 v39, $5.000000000e+00;
	v7 =	vmin.f32 v7, $5.000000000e+00;
	v47 =	vmax.f32 v44, $1.000000010e-01  }
0xd1: {  	v56 =	vld [tilespmem:$0x12F0];
	v10 =	vmax.f32 v48, $1.000000010e-01;
	v57 =	vmin.f32 v55, $5.000000000e+00;
	v35 =	vmax.f32 v25, $-5.000000000e+00  }
0xd2: {  	v19 =	vld [tilespmem:$0x900];
	(erf) = vrcp.f32 v2;
	v2 =	vmax.f32 v62, $1.000000010e-01;
	v34 =	vadd.f32 v34, v43  }
0xd3: {  	v36 =	vld [tilespmem:$0x1310];
	v6 =	vadd.f32 v40, v46;
	v46 =	vmax.f32 v51, $-5.000000000e+00;
	(erf) = vrcp.f32 v2  }
0xd4: {  	v25 =	vld [tilespmem:$0xB30];
	v7 =	vadd.f32 v7, v49;
	v51 =	vmax.f32 v54, $-5.000000000e+00;
	v8 =	vmin.f32 v46, $5.000000000e+00;
	[tilespmem:$0x1400] =	vst v34  }
0xd5: {  	v43 =	vld [tilespmem:$0x12D0];
	(erf) = vrcp.f32 v4;
	[tilespmem:$0x1410] =	vst v6;
	v8 =	vadd.f32 v8, v52;
	v52 =	vmin.f32 v51, $5.000000000e+00  }
0xd6: {  	v61 =	vmin.f32 v60, $5.000000000e+00;
	v49 =	vld [tilespmem:$0x12E0];
	v62 =	vand.u32 $0x7FFFFFFF, v63;
	[tilespmem:$0x1420] =	vst v7;
	v7 =	vadd.f32 v52, v14  }
0xd7: {  	v63 =	vld [tilespmem:$0x1300];
	(erf) = vrcp.f32 v12;
	v12 =	vmax.f32 v37, $1.000000010e-01;
	[tilespmem:$0x1430] =	vst v8;
	v8 =	vadd.f32 v57, v17  }
0xd8: {  	v30 =	vmin.f32 v27, $5.000000000e+00;
	v4 =	vld [tilespmem:$0xAC0];
	(erf) = vrcp.f32 v12;
	[tilespmem:$0x1440] =	vst v7;
	v7 =	vadd.f32 v61, v20  }
0xd9: {  	v9 =	vmax.f32 v9, $1.000000010e-01;
	v2 =	vld [tilespmem:$0x8B0];
	v37 =	vmin.f32 v35, $5.000000000e+00;
	[tilespmem:$0x1450] =	vst v8;
	v8 =	vadd.f32 v30, v23  }
0xda: {  	v40 =	vmax.f32 v28, $-5.000000000e+00;
	v6 =	vld [tilespmem:$0x8E0];
	v12 =	vmax.f32 v41, $1.000000010e-01;
	[tilespmem:$0x1460] =	vst v7;
	v7 =	vadd.f32 v37, v26  }
0xdb: {  	v27 =	vmin.f32 v22, $5.000000000e+00;
	v14 =	vld [tilespmem:$0xB00];
	v41 =	vmin.f32 v40, $5.000000000e+00;
	[tilespmem:$0x1470] =	vst v8;
	v42 =	vpop (erf);
	(erf) = vrcp.f32 v12  }
0xdc: {  	v51 =	vand.u32 $0x7FFFFFFF, v56;
	v56 =	vld [tilespmem:$0x1340];
	v8 =	vadd.f32 v41, v29;
	[tilespmem:$0x1480] =	vst v7;
	v45 =	vpop (erf);
	(erf) = vrcp.f32 v47  }
0xdd: {  	v35 =	vld [tilespmem:$0x970];
	v55 =	vand.u32 $0x7FFFFFFF, v63;
	v4 =	vmax.f32 v4, $-5.000000000e+00;
	[tilespmem:$0x1600] =	vst v42;
	v42 =	vand.u32 $0x7FFFFFFF, v43  }
0xde: {  	v63 =	vld [tilespmem:$0x1350];
	v47 =	vand.u32 $0x7FFFFFFF, v49;
	[tilespmem:$0x1490] =	vst v8;
	v49 =	vmax.f32 v33, $-5.000000000e+00;
	v50 =	vpop (erf);
	(erf) = vrcp.f32 v10  }
0xdf: {  	v23 =	vld [tilespmem:$0x920];
	[tilespmem:$0x1610] =	vst v45;
	v10 =	vmax.f32 v53, $1.000000010e-01;
	v45 =	vmax.f32 v31, $-5.000000000e+00;
	v7 =	vmin.f32 v49, $5.000000000e+00  }
0xe0: {  	v26 =	vld [tilespmem:$0x960];
	[tilespmem:$0x1620] =	vst v50;
	v54 =	vpop (erf);
	(erf) = vrcp.f32 v10;
	v10 =	vmax.f32 v58, $1.000000010e-01;
	v46 =	vmin.f32 v45, $5.000000000e+00  }
0xe1: {  	v29 =	vld [tilespmem:$0x1360];
	v2 =	vadd.f32 v7, v2;
	v58 =	vmax.f32 v5, $-5.000000000e+00;
	[tilespmem:$0x1630] =	vst v54;
	v59 =	vpop (erf);
	(erf) = vrcp.f32 v10  }
0xe2: {  	v41 =	vld [tilespmem:$0xB80];
	v10 =	vmax.f32 v62, $1.000000010e-01;
	v3 =	vadd.f32 v46, v3;
	v54 =	vmin.f32 v4, $5.000000000e+00;
	[tilespmem:$0x1640] =	vst v59  }
0xe3: {  	v12 =	vld [tilespmem:$0x930];
	v62 =	vmax.f32 v18, $-5.000000000e+00;
	[tilespmem:$0x14B0] =	vst v2;
	v0 =	vadd.f32 v54, v0;
	v59 =	vmin.f32 v58, $5.000000000e+00  }
0xe4: {  	v43 =	vld [tilespmem:$0x1320];
	v17 =	vmin.f32 v62, $5.000000000e+00;
	[tilespmem:$0x14A0] =	vst v3;
	v1 =	vadd.f32 v59, v1;
	v24 =	vpop (erf);
	(erf) = vrcp.f32 v10  }
0xe5: {  	v37 =	vmax.f32 v21, $-5.000000000e+00;
	v8 =	vld [tilespmem:$0x940];
	[tilespmem:$0x14C0] =	vst v0;
	v0 =	vadd.f32 v17, v6;
	v32 =	vpop (erf);
	(erf) = vrcp.f32 v9  }
0xe6: {  	v38 =	vand.u32 $0x7FFFFFFF, v38;
	v40 =	vand.u32 $0x7FFFFFFF, v63;
	v63 =	vld [tilespmem:$0xBA0];
	v53 =	vmax.f32 v51, $1.000000010e-01;
	[tilespmem:$0x14D0] =	vst v1  }
0xe7: {  	v31 =	vmax.f32 v14, $-5.000000000e+00;
	v49 =	vmax.f32 v25, $-5.000000000e+00;
	v25 =	vld [tilespmem:$0xBB0];
	v1 =	vadd.f32 v27, v11;
	[tilespmem:$0x14E0] =	vst v0  }
0xe8: {  	v33 =	vmin.f32 v31, $5.000000000e+00;
	v51 =	vmin.f32 v49, $5.000000000e+00;
	v4 =	vmax.f32 v55, $1.000000010e-01;
	v10 =	vld [tilespmem:$0x910];
	[tilespmem:$0x1650] =	vst v24  }
0xe9: {  	v50 =	vld [tilespmem:$0x1330];
	v18 =	vand.u32 $0x7FFFFFFF, v43;
	v0 =	vadd.f32 v33, v19;
	v9 =	vmax.f32 v38, $1.000000010e-01;
	[tilespmem:$0x14F0] =	vst v1  }
0xea: {  	v5 =	vld [tilespmem:$0xB50];
	v43 =	vmax.f32 v15, $-5.000000000e+00;
	[tilespmem:$0x1660] =	vst v32;
	v39 =	vpop (erf);
	(erf) = vrcp.f32 v9;
	v9 =	vmax.f32 v42, $1.000000010e-01  }
0xeb: {  	v49 =	vld [tilespmem:$0x9E0];
	v45 =	vmin.f32 v43, $5.000000000e+00;
	[tilespmem:$0x1500] =	vst v0;
	v44 =	vpop (erf);
	(erf) = vrcp.f32 v9;
	v9 =	vmax.f32 v47, $1.000000010e-01  }
0xec: {  	v55 =	vld [tilespmem:$0x13A0];
	v0 =	vadd.f32 v45, v23;
	[tilespmem:$0x1670] =	vst v39;
	v39 =	vmin.f32 v37, $5.000000000e+00;
	v48 =	vpop (erf);
	(erf) = vrcp.f32 v9  }
0xed: {  	[tilespmem:$0x1680] =	vst v44;
	v9 =	vld [tilespmem:$0xB40];
	v1 =	vadd.f32 v39, v10;
	v52 =	vpop (erf);
	(erf) = vrcp.f32 v53  }
0xee: {  	v32 =	vld [tilespmem:$0xB70];
	[tilespmem:$0x1520] =	vst v0;
	v57 =	vpop (erf);
	(erf) = vrcp.f32 v4  }
0xef: {  	v60 =	vand.u32 $0x7FFFFFFF, v36;
	v58 =	vld [tilespmem:$0x990];
	[tilespmem:$0x1510] =	vst v1;
	v1 =	vadd.f32 v51, v12  }
0xf0: {  	v34 =	vand.u32 $0x7FFFFFFF, v56;
	v46 =	vand.u32 $0x7FFFFFFF, v29;
	v28 =	vand.u32 $0x7FFFFFFF, v50;
	v50 =	vld [tilespmem:$0x1390];
	[tilespmem:$0x1690] =	vst v48  }
0xf1: {  	v3 =	vmax.f32 v60, $1.000000010e-01;
	v2 =	vmax.f32 v18, $1.000000010e-01;
	v43 =	vmax.f32 v25, $-5.000000000e+00;
	[tilespmem:$0x1530] =	vst v1;
	v4 =	vld [tilespmem:$0x950]  }
0xf2: {  	v5 =	vmax.f32 v5, $-5.000000000e+00;
	v27 =	vmax.f32 v41, $-5.000000000e+00;
	v38 =	vld [tilespmem:$0x1370];
	v9 =	vmax.f32 v9, $-5.000000000e+00;
	[tilespmem:$0x16A0] =	vst v52  }
0xf3: {  	v22 =	vmax.f32 v32, $-5.000000000e+00;
	v56 =	vmin.f32 v9, $5.000000000e+00;
	[tilespmem:$0x16B0] =	vst v57;
	v61 =	vpop (erf);
	(erf) = vrcp.f32 v3;
	v3 =	vld [tilespmem:$0xB60]  }
0xf4: {  	v44 =	vld [tilespmem:$0x1380];
	v0 =	vadd.f32 v56, v8;
	[tilespmem:$0x16C0] =	vst v61;
	v20 =	vpop (erf);
	(erf) = vrcp.f32 v2;
	v2 =	vmax.f32 v28, $1.000000010e-01  }
0xf5: {  	v53 =	vld [tilespmem:$0xB90];
	v61 =	vmin.f32 v5, $5.000000000e+00;
	[tilespmem:$0x16D0] =	vst v20;
	v30 =	vpop (erf);
	(erf) = vrcp.f32 v2;
	v2 =	vmax.f32 v34, $1.000000010e-01  }
0xf6: {  	v60 =	vld [tilespmem:$0x13B0];
	[tilespmem:$0x1540] =	vst v0;
	v1 =	vadd.f32 v61, v4;
	v36 =	vpop (erf);
	(erf) = vrcp.f32 v2;
	v2 =	vmax.f32 v40, $1.000000010e-01  }
0xf7: {  	v17 =	vld [tilespmem:$0x13C0];
	v29 =	vmin.f32 v27, $5.000000000e+00;
	v24 =	vmin.f32 v22, $5.000000000e+00;
	[tilespmem:$0x16E0] =	vst v30;
	v42 =	vpop (erf);
	(erf) = vrcp.f32 v2  }
0xf8: {  	v19 =	vld [tilespmem:$0x9A0];
	v45 =	vmin.f32 v43, $5.000000000e+00;
	v3 =	vmax.f32 v3, $-5.000000000e+00;
	[tilespmem:$0x1550] =	vst v1;
	v1 =	vadd.f32 v24, v35  }
0xf9: {  	v47 =	vld [tilespmem:$0x980];
	v62 =	vand.u32 $0x7FFFFFFF, v50;
	v52 =	vand.u32 $0x7FFFFFFF, v38;
	v18 =	vmin.f32 v3, $5.000000000e+00;
	[tilespmem:$0x16F0] =	vst v36  }
0xfa: {  	v57 =	vand.u32 $0x7FFFFFFF, v44;
	v30 =	vld [tilespmem:$0x9B0];
	v32 =	vmax.f32 v53, $-5.000000000e+00;
	v0 =	vadd.f32 v18, v26;
	[tilespmem:$0x1570] =	vst v1  }
0xfb: {  	v5 =	vmax.f32 v63, $-5.000000000e+00;
	v34 =	vmin.f32 v32, $5.000000000e+00;
	v40 =	vld [tilespmem:$0xBD0];
	v2 =	vmax.f32 v46, $1.000000010e-01;
	[tilespmem:$0x1700] =	vst v42  }
0xfc: {  	v44 =	vld [tilespmem:$0x9D0];
	v1 =	vadd.f32 v34, v58;
	v48 =	vpop (erf);
	(erf) = vrcp.f32 v2;
	v2 =	vmax.f32 v52, $1.000000010e-01;
	[tilespmem:$0x1560] =	vst v0  }
0xfd: {  	v20 =	vand.u32 $0x7FFFFFFF, v55;
	v46 =	vld [tilespmem:$0xBE0];
	[tilespmem:$0x1710] =	vst v48;
	v54 =	vpop (erf);
	(erf) = vrcp.f32 v2;
	v2 =	vmax.f32 v57, $1.000000010e-01  }
0xfe: {  	v51 =	vld [tilespmem:$0xBF0];
	v0 =	vadd.f32 v29, v47;
	[tilespmem:$0x1590] =	vst v1;
	v59 =	vpop (erf);
	(erf) = vrcp.f32 v2;
	v2 =	vmax.f32 v62, $1.000000010e-01  }
0xff: {  	v28 =	vld [tilespmem:$0x13E0];
	v3 =	vmax.f32 v20, $1.000000010e-01;
	v1 =	vadd.f32 v45, v30;
	[tilespmem:$0x1720] =	vst v54;
	v16 =	vpop (erf);
	(erf) = vrcp.f32 v2  }
0x100: {  	v23 =	vld [tilespmem:$0x13D0];
	v39 =	vmin.f32 v5, $5.000000000e+00;
	[tilespmem:$0x1580] =	vst v0;
	v53 =	vmax.f32 v40, $-5.000000000e+00;
	v21 =	vpop (erf);
	(erf) = vrcp.f32 v3  }
0x101: {  	v8 =	vand.u32 $0x7FFFFFFF, v60;
	v0 =	vadd.f32 v39, v19;
	v54 =	vld [tilespmem:$0x9F0];
	[tilespmem:$0x15B0] =	vst v1;
	v1 =	vmin.f32 v53, $5.000000000e+00  }
0x102: {  	v33 =	vld [tilespmem:$0x13F0];
	v8 =	vmax.f32 v8, $1.000000010e-01;
	[tilespmem:$0x1730] =	vst v59;
	v57 =	vmax.f32 v46, $-5.000000000e+00;
	v56 =	vadd.f32 v1, v44  }
0x103: {  	v60 =	vmax.f32 v51, $-5.000000000e+00;
	v4 =	vand.u32 $0x7FFFFFFF, v17;
	v35 =	vld [tilespmem:$0xBC0];
	[tilespmem:$0x15A0] =	vst v0;
	v1 =	vmin.f32 v57, $5.000000000e+00  }
0x104: {  	v4 =	vmax.f32 v4, $1.000000010e-01;
	v41 =	vand.u32 $0x7FFFFFFF, v28;
	v59 =	vadd.f32 v1, v49;
	[tilespmem:$0x15D0] =	vst v56  }
0x105: {  	v38 =	vld [tilespmem:$0x9C0];
	v36 =	vand.u32 $0x7FFFFFFF, v23;
	v1 =	vmin.f32 v60, $5.000000000e+00;
	[tilespmem:$0x1740] =	vst v16;
	v26 =	vpop (erf);
	(erf) = vrcp.f32 v8  }
0x106: {  	v6 =	vmax.f32 v36, $1.000000010e-01;
	v62 =	vadd.f32 v1, v54;
	[tilespmem:$0x15E0] =	vst v59;
	v31 =	vpop (erf);
	(erf) = vrcp.f32 v4  }
0x107: {  	v47 =	vand.u32 $0x7FFFFFFF, v33;
	[tilespmem:$0x1750] =	vst v21;
	v37 =	vpop (erf);
	(erf) = vrcp.f32 v6;
	v6 =	vmax.f32 v41, $1.000000010e-01  }
0x108: {  	[tilespmem:$0x15F0] =	vst v62;
	v4 =	vmax.f32 v35, $-5.000000000e+00;
	v42 =	vpop (erf);
	(erf) = vrcp.f32 v6;
	v6 =	vmax.f32 v47, $1.000000010e-01  }
0x109: {  	[tilespmem:$0x1760] =	vst v26;
	v50 =	vmin.f32 v4, $5.000000000e+00;
	v48 =	vpop (erf);
	(erf) = vrcp.f32 v6  }
0x10a: {  	[tilespmem:$0x1770] =	vst v31;
	v0 =	vadd.f32 v50, v38  }
0x10b: {  	[tilespmem:$0x1780] =	vst v37  }
0x10c: {  	[tilespmem:$0x15C0] =	vst v0  }
0x10d: {  	[tilespmem:$0x1790] =	vst v42  }
0x10e: {  	[tilespmem:$0x17A0] =	vst v48;
	v52 =	vpop (erf)  }
0x10f: {  	[tilespmem:$0x17B0] =	vst v52;
	v55 =	vpop (erf)  }
0x110: {  	[tilespmem:$0x17C0] =	vst v55;
	v58 =	vpop (erf)  }
0x111: {  	[tilespmem:$0x17D0] =	vst v58;
	v61 =	vpop (erf)  }
0x112: {  	[tilespmem:$0x17E0] =	vst v61;
	v63 =	vpop (erf)  }
0x113: {  	[tilespmem:$0x17F0] =	vst v63  }
0x114: {  	[hbm4b:s12+s5] =	stream.linear.scatter [tilespmem:s30], [sflag:$0x2], $0x200, $0x38;
	[tilespmem:$0x1800] =	vst v63  }
0x115: {  	_ =	swait.ge [sflag:s18], $0x200  }
0x116: {  	[sflag:s18] =	ssyncset.done $0x0  }
0x117: {  	[sflag:s18] =	ssyncadd.s32 $0xFFFFFE00  }
0x118: {  	[hbm4b:s13+s5] =	stream.linear.scatter [tilespmem:s31], [sflag:$0x2], $0x200, $0x38;
	[tilespmem:$0x1800] =	vst v63  }
0x119: {  	_ =	swait.ge [sflag:s18], $0x200  }
0x11a: {  	[sflag:s18] =	ssyncset.done $0x0  }
0x11b: {  	[sflag:s18] =	ssyncadd.s32 $0xFFFFFE00  }
0x11c: {  	[hbm4b:s14+s5] =	stream.linear.scatter [tilespmem:s24], [sflag:$0x2], $0x200, $0x38;
	[tilespmem:$0x1800] =	vst v63  }
0x11d: {  	_ =	swait.ge [sflag:s18], $0x200  }
0x11e: {  	[sflag:s18] =	ssyncset.done $0x0  }
0x11f: {  	[sflag:s18] =	ssyncadd.s32 $0xFFFFFE00  }
0x120: {  	[hbm4b:s15+s5] =	stream.linear.scatter [tilespmem:s25], [sflag:$0x2], $0x200, $0x38;
	[tilespmem:$0x1800] =	vst v63  }
0x121: {  	_ =	swait.ge [sflag:s18], $0x200  }
0x122: {  	p0 =	sne.s32 s17, $0x1;
	[sflag:s18] =	ssyncset.done $0x0  }
.Ltmp0:
0x123: {  	[sflag:s18] =	ssyncadd.s32 $0xFFFFFE00;
	(pc) =	sbr.rel @p0 .LBB2_1-.Ltmp0, $4  }
0x124: {  	[hbm4b:s16+s5] =	stream.linear.scatter [tilespmem:s26], [sflag:$0x2], $0x200, $0x38;
	[tilespmem:$0x1800] =	vst v63  }
0x125: {  	_ =	swait.ge [sflag:s18], $0x200  }
0x126: {  	[sflag:s18] =	ssyncset.done $0x0  }
0x127: {  	s17 =	sadd.s32 $0xFFFFFFFF, s17;
	[sflag:s18] =	ssyncadd.s32 $0xFFFFFE00  }
0x128: {  	_ =	sfence.sel $0x180000  }
0x129: {  	[bflag:$0x0] =	sbarrier.arrive $0xFFFF  }
0x12a: {  	p0 =	sne.s32 s6, $0x0;
	_ =	strace $0x90000047  }
0x12b: {  	s0 =	sadd.s32 @!p0 $0x100000, s0;
	[bflag:$0x2] =	sbarrier.arrive $0xFFFF  }
0x12c: {  	[sflag:s0] =	ssyncadd.tile.s32 @!p0 $0x1;
	_ =	shalt  }
.Lfunc_end2:
_tile_overlayer_lowered:
.L_overlay_start_2:
0x12d: {  	(tag) =	ssettag $0x2  }
0x12e: {  	s0 =	rddreg [dreg:$0x0];
	s2 =	stileid.u32  }
0x12f: {  	s1 =	rddreg [dreg:$0x1];
	p0 =	sne.s32 s2, $0x0  }
0x130: {  	s3 =	rddreg [dreg:$0x2];
	[bflag:$0x3] =	sbarrier.arrive $0xFFFF;
	s2 =	simm.s32 @!p0 $0x1C02  }
0x131: {  	[timem:s3], [sflag:s2] =	dma.local @!p0 [hbm:s0], s1  }
0x132: {  	s0 =	simm.s32 @!p0 $0x2  }
0x133: {  	_ =	swait.ge @!p0 [sflag:s0], s1  }
0x134: {  	s1 =	ssub.s32 @!p0 $0x0, s1;
	[sflag:s0] =	ssyncset.done @!p0 $0x0  }
0x135: {  	[sflag:s0] =	ssyncadd.s32 @!p0 s1  }
0x136: {  	[bflag:$0x3] =	sbarrier.arrive $0xFFFF  }
0x137: {  	_ =	shalt  }

</sc_bundles>
